<compile_context>
chip_gen: v7x
topology: tpu7x:2x2x1
jax: 0.10.2.dev20260603
libtpu: 0.0.44.dev20260713+nightly
codegen_flags: <defaults>
</compile_context>

<pallas_src>
import functools

import jax
import jax.numpy as jnp
from jax import lax
from jax.experimental import pallas as pl
from jax.experimental.pallas import tpu as pltpu
from jax.experimental.pallas import tpu_sc as plsc

EMB = 64
_SCALE = 8.0
_EPS = 1e-5
_LANES = 16
_W = 800
_G = 128
_UNROLL = 8
_ROWS = 2000


def _ln_body(tab_ref, g_ref, b_ref, o_ref):
    x = tab_ref[...] * _SCALE
    halves = []
    for h in range(2):
        xh = x[:, h * EMB:(h + 1) * EMB]
        mean = jnp.mean(xh, axis=-1, keepdims=True)
        xc = xh - mean
        var = jnp.mean(xc * xc, axis=-1, keepdims=True)
        halves.append(xc / jnp.sqrt(var + _EPS))
    o_ref[...] = jnp.concatenate(halves, axis=-1) * g_ref[...] + b_ref[...]


def _normalize_table(table, gamma, beta):
    vocab = table.shape[0]
    tab2 = table.reshape(vocab // 2, 2 * EMB)
    g2 = jnp.concatenate([gamma, gamma]).reshape(1, 2 * EMB)
    b2 = jnp.concatenate([beta, beta]).reshape(1, 2 * EMB)
    grid = (vocab // 2) // _ROWS
    out = pl.pallas_call(
        _ln_body,
        grid=(grid,),
        in_specs=[
            pl.BlockSpec((_ROWS, 2 * EMB), lambda i: (i, 0)),
            pl.BlockSpec((1, 2 * EMB), lambda i: (0, 0)),
            pl.BlockSpec((1, 2 * EMB), lambda i: (0, 0)),
        ],
        out_specs=pl.BlockSpec((_ROWS, 2 * EMB), lambda i: (i, 0)),
        out_shape=jax.ShapeDtypeStruct((vocab // 2, 2 * EMB), jnp.float32),
    )(tab2, g2, b2)
    return out.reshape(vocab, EMB)


def _sc_gather_scale(ntab, tok2d, num2d, n):
    nw = 32
    per_w = n // nw
    k_wins = per_w // _W
    assert k_wins % 2 == 0
    mesh = plsc.VectorSubcoreMesh(core_axis_name="c", subcore_axis_name="s")

    @functools.partial(
        pl.kernel,
        out_type=jax.ShapeDtypeStruct((n, 2 * EMB), jnp.float32),
        mesh=mesh,
        scratch_types=[
            pltpu.VMEM((2, _W), jnp.int32),
            pltpu.VMEM((2, _W), jnp.float32),
            pltpu.VMEM((2, _W, EMB), jnp.float32),
            pltpu.SemaphoreType.DMA,
            pltpu.SemaphoreType.DMA,
            pltpu.SemaphoreType.DMA,
            pltpu.SemaphoreType.DMA,
            pltpu.SemaphoreType.DMA,
            pltpu.SemaphoreType.DMA,
        ],
        compiler_params=pltpu.CompilerParams(
            needs_layout_passes=False, use_tc_tiling_on_sc=False
        ),
    )
    def run(tab_hbm, tok_hbm, num_hbm, out_hbm,
            tokb, numb, rows, si0, si1, sg0, sg1, so0, so1):
        wid = lax.axis_index("s") * 2 + lax.axis_index("c")
        base = wid * per_w
        si = (si0, si1)
        sg = (sg0, sg1)
        so = (so0, so1)
        zeros = jnp.zeros((_LANES,), jnp.int32)

        def start_in(k, p):
            off = base + k * _W
            pltpu.async_copy(tok_hbm.at[0, pl.ds(off, _W)], tokb.at[p], si[p])
            pltpu.async_copy(num_hbm.at[0, pl.ds(off, _W)], numb.at[p], si[p])

        def wait_in(p):
            pltpu.make_async_copy(
                tok_hbm.at[0, pl.ds(base, _W)], tokb.at[p], si[p]).wait()
            pltpu.make_async_copy(
                num_hbm.at[0, pl.ds(base, _W)], numb.at[p], si[p]).wait()

        def fire_gathers(p):
            for g0 in range(0, _W, _G):
                sl = pl.ds(g0, min(_G, _W - g0))
                pltpu.async_copy(tab_hbm.at[tokb.at[p].at[sl]],
                                 rows.at[p].at[sl], sg[p])

        def wait_gathers(p):
            for g0 in range(0, _W, _G):
                sl = pl.ds(g0, min(_G, _W - g0))
                pltpu.make_async_copy(tab_hbm.at[tokb.at[p].at[sl]],
                                      rows.at[p].at[sl], sg[p]).wait()

        def start_out(k, p):
            off = base + k * _W
            pltpu.async_copy(
                rows.at[p],
                out_hbm.at[pl.ds(off, _W), pl.ds(0, EMB)], so[p])

        def wait_out(p):
            pltpu.make_async_copy(
                rows.at[p],
                out_hbm.at[pl.ds(base, _W), pl.ds(0, EMB)], so[p]).wait()

        def multiply(p):
            @pl.loop(0, _W, step=_UNROLL)
            def _(r0):
                for j in range(_UNROLL):
                    s = plsc.load_gather(
                        numb.at[p],
                        [jnp.full((_LANES,), r0 + j, jnp.int32)],
                    )
                    for c in range(EMB // _LANES):
                        sl = (p, r0 + j, pl.ds(c * _LANES, _LANES))
                        rows[sl] = rows[sl] * s

        start_in(0, 0)
        start_in(1, 1)
        wait_in(0)
        fire_gathers(0)

        @pl.loop(0, k_wins, step=2)
        def _(k0):
            for p in (0, 1):
                k = k0 + p
                q = 1 - p

                @pl.when(k + 1 < k_wins)
                def _():
                    wait_in(q)

                    @pl.when(k + 1 >= 2)
                    def _():
                        wait_out(q)

                    fire_gathers(q)

                wait_gathers(p)
                multiply(p)
                start_out(k, p)

                @pl.when(k + 2 < k_wins)
                def _():
                    start_in(k + 2, p)

        wait_out(0)
        wait_out(1)

    return run(ntab, tok2d, num2d)


def kernel(tokens, num_array, table, ln_gamma, ln_beta):
    b, l = tokens.shape
    n = b * l
    ntab = _normalize_table(table, ln_gamma, ln_beta)
    tok2d = tokens.reshape(1, n).astype(jnp.int32)
    num2d = num_array.reshape(1, n)
    out = _sc_gather_scale(ntab, tok2d, num2d, n)
    return out[:, :EMB].reshape(b, l, EMB)

# --- scband reference (transcript-rebuilt; emitter-appended) ---
"""Pipeline reference for scband-x-val-embedder-85684597555439 (READ-ONLY COPY).

The authoritative reference and input builder live on the scoring server;
editing this copy changes nothing except your own understanding.
"""

import jax, jax.numpy as jnp
import numpy as np
import math

VOCAB = 100000
EMB = 64
B = 4096
L = 200

def setup_inputs(seed: int = 0) -> dict:
    key = jax.random.key(seed)
    k1, k2, k3 = jax.random.split(key, 3)
    tokens = jax.random.randint(k1, (B, L), 0, VOCAB, dtype=jnp.int64) if jax.config.jax_enable_x64 else jax.random.randint(k1, (B, L), 0, VOCAB, dtype=jnp.int32)
    num_array = jax.random.normal(k2, (B, L), dtype=jnp.float32)
    table = jax.random.normal(k3, (VOCAB, EMB), dtype=jnp.float32) * 0.02
    ln_gamma = jnp.ones((EMB,), dtype=jnp.float32)
    ln_beta = jnp.zeros((EMB,), dtype=jnp.float32)
    return {"tokens": tokens, "num_array": num_array, "table": table, "ln_gamma": ln_gamma, "ln_beta": ln_beta}

def _layer_norm(x, gamma, beta, eps=1e-5):
    mean = jnp.mean(x, axis=-1, keepdims=True)
    var = jnp.var(x, axis=-1, keepdims=True)
    xhat = (x - mean) / jnp.sqrt(var + eps)
    return xhat * gamma + beta

def reference(tokens, num_array, table, ln_gamma, ln_beta):
    out = jnp.take(table, tokens, axis=0) * math.sqrt(EMB)
    out = _layer_norm(out, ln_gamma, ln_beta)
    out = out * num_array[..., None]
    return out

if __name__ == "__main__":
    import jax
    _d = setup_inputs()
    print(jax.jit(kernel)(*tuple(_d.values())))

</pallas_src>

<mosaic_0001>
#map = affine_map<(d0, d1) -> (0, 0)>
module attributes {stable_mosaic.version = 14 : i64} {
  func.func @run(%arg0: i32, %arg1: i32, %arg2: memref<100000x64xf32, #tpu.memory_space<hbm>>, %arg3: memref<1x819200xi32, #tpu.memory_space<hbm>>, %arg4: memref<1x819200xf32, #tpu.memory_space<hbm>>, %arg5: memref<819200x128xf32, #tpu.memory_space<hbm>>, %arg6: memref<2x800xi32, #tpu.memory_space<vmem>>, %arg7: memref<2x800xf32, #tpu.memory_space<vmem>>, %arg8: memref<2x800x64xf32, #tpu.memory_space<vmem>>, %arg9: memref<!tpu.dma_semaphore, #tpu.memory_space<semaphore_mem>>, %arg10: memref<!tpu.dma_semaphore, #tpu.memory_space<semaphore_mem>>, %arg11: memref<!tpu.dma_semaphore, #tpu.memory_space<semaphore_mem>>, %arg12: memref<!tpu.dma_semaphore, #tpu.memory_space<semaphore_mem>>, %arg13: memref<!tpu.dma_semaphore, #tpu.memory_space<semaphore_mem>>, %arg14: memref<!tpu.dma_semaphore, #tpu.memory_space<semaphore_mem>>) attributes {dimension_semantics = [#tpu.dimension_semantics<core_parallel>, #tpu.dimension_semantics<subcore_parallel>], iteration_bounds = array<i64: 2, 16>, scalar_prefetch = 0 : i64, scratch_operands = 9 : i64, tpu.core_type = #tpu.core_type<sc_vector_subcore>, window_params = [{transform_indices = #map}, {transform_indices = #map}, {transform_indices = #map}, {transform_indices = #map}]} {
    %mul3A = arith.constant 2 : i32
    %mul3A_0 = arith.muli %arg1, %mul3A : i32
    %add3A = arith.addi %mul3A_0, %arg0 : i32
    %mul3A_1 = arith.constant 25600 : i32
    %mul3A_2 = arith.muli %add3A, %mul3A_1 : i32
    %broadcast_in_dim3A = arith.constant 0 : i32
    %broadcast_in_dim3A_3 = vector.broadcast %broadcast_in_dim3A : i32 to vector<16xi32>
    %add3A_4 = arith.constant 0 : i32
    %add3A_5 = arith.addi %mul3A_2, %add3A_4 : i32
    %dma_start3A = arith.constant 0 : i32
    %dma_start3A_6 = arith.constant 0 : i32
    %dma_start3A_7 = arith.constant 0 : i32
    %dma_start3A_8 = tpu.memref_slice %arg6[%dma_start3A_6, %dma_start3A_7] : memref<2x800xi32, #tpu.memory_space<vmem>> -> memref<1x800xi32, #tpu.memory_space<vmem>>
    %dma_start3A_9 = tpu.memref_squeeze %dma_start3A_8 : memref<1x800xi32, #tpu.memory_space<vmem>> -> memref<800xi32, #tpu.memory_space<vmem>>
    %dma_start3A_10 = tpu.memref_slice %arg3[%dma_start3A, %add3A_5] : memref<1x819200xi32, #tpu.memory_space<hbm>> -> memref<1x800xi32, #tpu.memory_space<hbm>>
    %dma_start3A_11 = tpu.memref_squeeze %dma_start3A_10 : memref<1x800xi32, #tpu.memory_space<hbm>> -> memref<800xi32, #tpu.memory_space<hbm>>
    %dma_start3A_12 = arith.constant 0 : i32
    %dma_start3A_13 = tpu.memref_slice %arg6[%dma_start3A_6, %dma_start3A_12] : memref<2x800xi32, #tpu.memory_space<vmem>> -> memref<1x800xi32, #tpu.memory_space<vmem>>
    %dma_start3A_14 = tpu.memref_squeeze %dma_start3A_13 : memref<1x800xi32, #tpu.memory_space<vmem>> -> memref<800xi32, #tpu.memory_space<vmem>>
    %dma_start3A_15 = tpu.memref_slice %arg3[%dma_start3A, %add3A_5] : memref<1x819200xi32, #tpu.memory_space<hbm>> -> memref<1x800xi32, #tpu.memory_space<hbm>>
    %dma_start3A_16 = tpu.memref_squeeze %dma_start3A_15 : memref<1x800xi32, #tpu.memory_space<hbm>> -> memref<800xi32, #tpu.memory_space<hbm>>
    tpu.enqueue_dma source(%dma_start3A_16 : memref<800xi32, #tpu.memory_space<hbm>>) target(%dma_start3A_14 : memref<800xi32, #tpu.memory_space<vmem>>) target_semaphore(%arg9 : memref<!tpu.dma_semaphore, #tpu.memory_space<semaphore_mem>>)
    %dma_start3A_17 = arith.constant 0 : i32
    %dma_start3A_18 = arith.constant 0 : i32
    %dma_start3A_19 = arith.constant 0 : i32
    %dma_start3A_20 = tpu.memref_slice %arg7[%dma_start3A_18, %dma_start3A_19] : memref<2x800xf32, #tpu.memory_space<vmem>> -> memref<1x800xf32, #tpu.memory_space<vmem>>
    %dma_start3A_21 = tpu.memref_squeeze %dma_start3A_20 : memref<1x800xf32, #tpu.memory_space<vmem>> -> memref<800xf32, #tpu.memory_space<vmem>>
    %dma_start3A_22 = tpu.memref_slice %arg4[%dma_start3A_17, %add3A_5] : memref<1x819200xf32, #tpu.memory_space<hbm>> -> memref<1x800xf32, #tpu.memory_space<hbm>>
    %dma_start3A_23 = tpu.memref_squeeze %dma_start3A_22 : memref<1x800xf32, #tpu.memory_space<hbm>> -> memref<800xf32, #tpu.memory_space<hbm>>
    %dma_start3A_24 = arith.constant 0 : i32
    %dma_start3A_25 = tpu.memref_slice %arg7[%dma_start3A_18, %dma_start3A_24] : memref<2x800xf32, #tpu.memory_space<vmem>> -> memref<1x800xf32, #tpu.memory_space<vmem>>
    %dma_start3A_26 = tpu.memref_squeeze %dma_start3A_25 : memref<1x800xf32, #tpu.memory_space<vmem>> -> memref<800xf32, #tpu.memory_space<vmem>>
    %dma_start3A_27 = tpu.memref_slice %arg4[%dma_start3A_17, %add3A_5] : memref<1x819200xf32, #tpu.memory_space<hbm>> -> memref<1x800xf32, #tpu.memory_space<hbm>>
    %dma_start3A_28 = tpu.memref_squeeze %dma_start3A_27 : memref<1x800xf32, #tpu.memory_space<hbm>> -> memref<800xf32, #tpu.memory_space<hbm>>
    tpu.enqueue_dma source(%dma_start3A_28 : memref<800xf32, #tpu.memory_space<hbm>>) target(%dma_start3A_26 : memref<800xf32, #tpu.memory_space<vmem>>) target_semaphore(%arg9 : memref<!tpu.dma_semaphore, #tpu.memory_space<semaphore_mem>>)
    %add3A_29 = arith.constant 800 : i32
    %add3A_30 = arith.addi %mul3A_2, %add3A_29 : i32
    %dma_start3A_31 = arith.constant 0 : i32
    %dma_start3A_32 = arith.constant 1 : i32
    %dma_start3A_33 = arith.constant 0 : i32
    %dma_start3A_34 = tpu.memref_slice %arg6[%dma_start3A_32, %dma_start3A_33] : memref<2x800xi32, #tpu.memory_space<vmem>> -> memref<1x800xi32, #tpu.memory_space<vmem>>
    %dma_start3A_35 = tpu.memref_squeeze %dma_start3A_34 : memref<1x800xi32, #tpu.memory_space<vmem>> -> memref<800xi32, #tpu.memory_space<vmem>>
    %dma_start3A_36 = tpu.memref_slice %arg3[%dma_start3A_31, %add3A_30] : memref<1x819200xi32, #tpu.memory_space<hbm>> -> memref<1x800xi32, #tpu.memory_space<hbm>>
    %dma_start3A_37 = tpu.memref_squeeze %dma_start3A_36 : memref<1x800xi32, #tpu.memory_space<hbm>> -> memref<800xi32, #tpu.memory_space<hbm>>
    %dma_start3A_38 = arith.constant 0 : i32
    %dma_start3A_39 = tpu.memref_slice %arg6[%dma_start3A_32, %dma_start3A_38] : memref<2x800xi32, #tpu.memory_space<vmem>> -> memref<1x800xi32, #tpu.memory_space<vmem>>
    %dma_start3A_40 = tpu.memref_squeeze %dma_start3A_39 : memref<1x800xi32, #tpu.memory_space<vmem>> -> memref<800xi32, #tpu.memory_space<vmem>>
    %dma_start3A_41 = tpu.memref_slice %arg3[%dma_start3A_31, %add3A_30] : memref<1x819200xi32, #tpu.memory_space<hbm>> -> memref<1x800xi32, #tpu.memory_space<hbm>>
    %dma_start3A_42 = tpu.memref_squeeze %dma_start3A_41 : memref<1x800xi32, #tpu.memory_space<hbm>> -> memref<800xi32, #tpu.memory_space<hbm>>
    tpu.enqueue_dma source(%dma_start3A_42 : memref<800xi32, #tpu.memory_space<hbm>>) target(%dma_start3A_40 : memref<800xi32, #tpu.memory_space<vmem>>) target_semaphore(%arg10 : memref<!tpu.dma_semaphore, #tpu.memory_space<semaphore_mem>>)
    %dma_start3A_43 = arith.constant 0 : i32
    %dma_start3A_44 = arith.constant 1 : i32
    %dma_start3A_45 = arith.constant 0 : i32
    %dma_start3A_46 = tpu.memref_slice %arg7[%dma_start3A_44, %dma_start3A_45] : memref<2x800xf32, #tpu.memory_space<vmem>> -> memref<1x800xf32, #tpu.memory_space<vmem>>
    %dma_start3A_47 = tpu.memref_squeeze %dma_start3A_46 : memref<1x800xf32, #tpu.memory_space<vmem>> -> memref<800xf32, #tpu.memory_space<vmem>>
    %dma_start3A_48 = tpu.memref_slice %arg4[%dma_start3A_43, %add3A_30] : memref<1x819200xf32, #tpu.memory_space<hbm>> -> memref<1x800xf32, #tpu.memory_space<hbm>>
    %dma_start3A_49 = tpu.memref_squeeze %dma_start3A_48 : memref<1x800xf32, #tpu.memory_space<hbm>> -> memref<800xf32, #tpu.memory_space<hbm>>
    %dma_start3A_50 = arith.constant 0 : i32
    %dma_start3A_51 = tpu.memref_slice %arg7[%dma_start3A_44, %dma_start3A_50] : memref<2x800xf32, #tpu.memory_space<vmem>> -> memref<1x800xf32, #tpu.memory_space<vmem>>
    %dma_start3A_52 = tpu.memref_squeeze %dma_start3A_51 : memref<1x800xf32, #tpu.memory_space<vmem>> -> memref<800xf32, #tpu.memory_space<vmem>>
    %dma_start3A_53 = tpu.memref_slice %arg4[%dma_start3A_43, %add3A_30] : memref<1x819200xf32, #tpu.memory_space<hbm>> -> memref<1x800xf32, #tpu.memory_space<hbm>>
    %dma_start3A_54 = tpu.memref_squeeze %dma_start3A_53 : memref<1x800xf32, #tpu.memory_space<hbm>> -> memref<800xf32, #tpu.memory_space<hbm>>
    tpu.enqueue_dma source(%dma_start3A_54 : memref<800xf32, #tpu.memory_space<hbm>>) target(%dma_start3A_52 : memref<800xf32, #tpu.memory_space<vmem>>) target_semaphore(%arg10 : memref<!tpu.dma_semaphore, #tpu.memory_space<semaphore_mem>>)
    %dma_wait3A = arith.constant 0 : i32
    %dma_wait3A_55 = arith.constant 0 : i32
    %dma_wait3A_56 = arith.constant 0 : i32
    %dma_wait3A_57 = tpu.memref_slice %arg6[%dma_wait3A_55, %dma_wait3A_56] : memref<2x800xi32, #tpu.memory_space<vmem>> -> memref<1x800xi32, #tpu.memory_space<vmem>>
    %dma_wait3A_58 = tpu.memref_squeeze %dma_wait3A_57 : memref<1x800xi32, #tpu.memory_space<vmem>> -> memref<800xi32, #tpu.memory_space<vmem>>
    %dma_wait3A_59 = tpu.memref_slice %arg3[%dma_wait3A, %mul3A_2] : memref<1x819200xi32, #tpu.memory_space<hbm>> -> memref<1x800xi32, #tpu.memory_space<hbm>>
    %dma_wait3A_60 = tpu.memref_squeeze %dma_wait3A_59 : memref<1x800xi32, #tpu.memory_space<hbm>> -> memref<800xi32, #tpu.memory_space<hbm>>
    %dma_wait3A_61 = arith.constant 0 : i32
    %dma_wait3A_62 = tpu.memref_slice %arg6[%dma_wait3A_55, %dma_wait3A_61] : memref<2x800xi32, #tpu.memory_space<vmem>> -> memref<1x800xi32, #tpu.memory_space<vmem>>
    %dma_wait3A_63 = tpu.memref_squeeze %dma_wait3A_62 : memref<1x800xi32, #tpu.memory_space<vmem>> -> memref<800xi32, #tpu.memory_space<vmem>>
    %dma_wait3A_64 = tpu.memref_slice %arg3[%dma_wait3A, %mul3A_2] : memref<1x819200xi32, #tpu.memory_space<hbm>> -> memref<1x800xi32, #tpu.memory_space<hbm>>
    %dma_wait3A_65 = tpu.memref_squeeze %dma_wait3A_64 : memref<1x800xi32, #tpu.memory_space<hbm>> -> memref<800xi32, #tpu.memory_space<hbm>>
    tpu.wait_dma2 semaphore(%arg9 : memref<!tpu.dma_semaphore, #tpu.memory_space<semaphore_mem>>) src(%dma_wait3A_65 : memref<800xi32, #tpu.memory_space<hbm>>) dst(%dma_wait3A_63 : memref<800xi32, #tpu.memory_space<vmem>>)
    %dma_wait3A_66 = arith.constant 0 : i32
    %dma_wait3A_67 = arith.constant 0 : i32
    %dma_wait3A_68 = arith.constant 0 : i32
    %dma_wait3A_69 = tpu.memref_slice %arg7[%dma_wait3A_67, %dma_wait3A_68] : memref<2x800xf32, #tpu.memory_space<vmem>> -> memref<1x800xf32, #tpu.memory_space<vmem>>
    %dma_wait3A_70 = tpu.memref_squeeze %dma_wait3A_69 : memref<1x800xf32, #tpu.memory_space<vmem>> -> memref<800xf32, #tpu.memory_space<vmem>>
    %dma_wait3A_71 = tpu.memref_slice %arg4[%dma_wait3A_66, %mul3A_2] : memref<1x819200xf32, #tpu.memory_space<hbm>> -> memref<1x800xf32, #tpu.memory_space<hbm>>
    %dma_wait3A_72 = tpu.memref_squeeze %dma_wait3A_71 : memref<1x800xf32, #tpu.memory_space<hbm>> -> memref<800xf32, #tpu.memory_space<hbm>>
    %dma_wait3A_73 = arith.constant 0 : i32
    %dma_wait3A_74 = tpu.memref_slice %arg7[%dma_wait3A_67, %dma_wait3A_73] : memref<2x800xf32, #tpu.memory_space<vmem>> -> memref<1x800xf32, #tpu.memory_space<vmem>>
    %dma_wait3A_75 = tpu.memref_squeeze %dma_wait3A_74 : memref<1x800xf32, #tpu.memory_space<vmem>> -> memref<800xf32, #tpu.memory_space<vmem>>
    %dma_wait3A_76 = tpu.memref_slice %arg4[%dma_wait3A_66, %mul3A_2] : memref<1x819200xf32, #tpu.memory_space<hbm>> -> memref<1x800xf32, #tpu.memory_space<hbm>>
    %dma_wait3A_77 = tpu.memref_squeeze %dma_wait3A_76 : memref<1x800xf32, #tpu.memory_space<hbm>> -> memref<800xf32, #tpu.memory_space<hbm>>
    tpu.wait_dma2 semaphore(%arg9 : memref<!tpu.dma_semaphore, #tpu.memory_space<semaphore_mem>>) src(%dma_wait3A_77 : memref<800xf32, #tpu.memory_space<hbm>>) dst(%dma_wait3A_75 : memref<800xf32, #tpu.memory_space<vmem>>)
    %dma_start3A_78 = arith.constant 0 : i32
    %dma_start3A_79 = arith.constant 0 : i32
    %dma_start3A_80 = arith.constant 0 : i32
    %dma_start3A_81 = arith.constant 0 : i32
    %dma_start3A_82 = tpu.memref_slice %arg8[%dma_start3A_79, %dma_start3A_80, %dma_start3A_81] : memref<2x800x64xf32, #tpu.memory_space<vmem>> -> memref<1x800x64xf32, #tpu.memory_space<vmem>>
    %dma_start3A_83 = tpu.memref_squeeze %dma_start3A_82 : memref<1x800x64xf32, #tpu.memory_space<vmem>> -> memref<800x64xf32, #tpu.memory_space<vmem>>
    %dma_start3A_84 = arith.constant 0 : i32
    %dma_start3A_85 = arith.constant 0 : i32
    %dma_start3A_86 = tpu.memref_slice %dma_start3A_83[%dma_start3A_84, %dma_start3A_85] : memref<800x64xf32, #tpu.memory_space<vmem>> -> memref<128x64xf32, #tpu.memory_space<vmem>>
    %dma_start3A_87 = arith.constant 0 : i32
    %dma_start3A_88 = tpu.memref_slice %arg6[%dma_start3A_78, %dma_start3A_87] : memref<2x800xi32, #tpu.memory_space<vmem>> -> memref<1x800xi32, #tpu.memory_space<vmem>>
    %dma_start3A_89 = tpu.memref_squeeze %dma_start3A_88 : memref<1x800xi32, #tpu.memory_space<vmem>> -> memref<800xi32, #tpu.memory_space<vmem>>
    %dma_start3A_90 = arith.constant 0 : i32
    %dma_start3A_91 = tpu.memref_slice %dma_start3A_89[%dma_start3A_90] : memref<800xi32, #tpu.memory_space<vmem>> -> memref<128xi32, #tpu.memory_space<vmem>>
    %dma_start3A_92 = arith.constant 0 : i32
    %dma_start3A_93 = arith.constant 0 : i32
    %dma_start3A_94 = tpu.memref_slice %arg2[%dma_start3A_92, %dma_start3A_93] : memref<100000x64xf32, #tpu.memory_space<hbm>> -> memref<100000x64xf32, #tpu.memory_space<hbm>>
    tpu.enqueue_indirect_dma source(%dma_start3A_94 : memref<100000x64xf32, #tpu.memory_space<hbm>>) target(%dma_start3A_86 : memref<128x64xf32, #tpu.memory_space<vmem>>) offsets(%dma_start3A_91 : memref<128xi32, #tpu.memory_space<vmem>>) semaphore(%arg11 : memref<!tpu.dma_semaphore, #tpu.memory_space<semaphore_mem>>)
    %dma_start3A_95 = arith.constant 0 : i32
    %dma_start3A_96 = arith.constant 0 : i32
    %dma_start3A_97 = arith.constant 0 : i32
    %dma_start3A_98 = arith.constant 0 : i32
    %dma_start3A_99 = tpu.memref_slice %arg8[%dma_start3A_96, %dma_start3A_97, %dma_start3A_98] : memref<2x800x64xf32, #tpu.memory_space<vmem>> -> memref<1x800x64xf32, #tpu.memory_space<vmem>>
    %dma_start3A_100 = tpu.memref_squeeze %dma_start3A_99 : memref<1x800x64xf32, #tpu.memory_space<vmem>> -> memref<800x64xf32, #tpu.memory_space<vmem>>
    %dma_start3A_101 = arith.constant 128 : i32
    %dma_start3A_102 = arith.constant 0 : i32
    %dma_start3A_103 = tpu.memref_slice %dma_start3A_100[%dma_start3A_101, %dma_start3A_102] : memref<800x64xf32, #tpu.memory_space<vmem>> -> memref<128x64xf32, #tpu.memory_space<vmem>>
    %dma_start3A_104 = arith.constant 0 : i32
    %dma_start3A_105 = tpu.memref_slice %arg6[%dma_start3A_95, %dma_start3A_104] : memref<2x800xi32, #tpu.memory_space<vmem>> -> memref<1x800xi32, #tpu.memory_space<vmem>>
    %dma_start3A_106 = tpu.memref_squeeze %dma_start3A_105 : memref<1x800xi32, #tpu.memory_space<vmem>> -> memref<800xi32, #tpu.memory_space<vmem>>
    %dma_start3A_107 = arith.constant 128 : i32
    %dma_start3A_108 = tpu.memref_slice %dma_start3A_106[%dma_start3A_107] : memref<800xi32, #tpu.memory_space<vmem>> -> memref<128xi32, #tpu.memory_space<vmem>>
    %dma_start3A_109 = arith.constant 0 : i32
    %dma_start3A_110 = arith.constant 0 : i32
    %dma_start3A_111 = tpu.memref_slice %arg2[%dma_start3A_109, %dma_start3A_110] : memref<100000x64xf32, #tpu.memory_space<hbm>> -> memref<100000x64xf32, #tpu.memory_space<hbm>>
    tpu.enqueue_indirect_dma source(%dma_start3A_111 : memref<100000x64xf32, #tpu.memory_space<hbm>>) target(%dma_start3A_103 : memref<128x64xf32, #tpu.memory_space<vmem>>) offsets(%dma_start3A_108 : memref<128xi32, #tpu.memory_space<vmem>>) semaphore(%arg11 : memref<!tpu.dma_semaphore, #tpu.memory_space<semaphore_mem>>)
    %dma_start3A_112 = arith.constant 0 : i32
    %dma_start3A_113 = arith.constant 0 : i32
    %dma_start3A_114 = arith.constant 0 : i32
    %dma_start3A_115 = arith.constant 0 : i32
    %dma_start3A_116 = tpu.memref_slice %arg8[%dma_start3A_113, %dma_start3A_114, %dma_start3A_115] : memref<2x800x64xf32, #tpu.memory_space<vmem>> -> memref<1x800x64xf32, #tpu.memory_space<vmem>>
    %dma_start3A_117 = tpu.memref_squeeze %dma_start3A_116 : memref<1x800x64xf32, #tpu.memory_space<vmem>> -> memref<800x64xf32, #tpu.memory_space<vmem>>
    %dma_start3A_118 = arith.constant 256 : i32
    %dma_start3A_119 = arith.constant 0 : i32
    %dma_start3A_120 = tpu.memref_slice %dma_start3A_117[%dma_start3A_118, %dma_start3A_119] : memref<800x64xf32, #tpu.memory_space<vmem>> -> memref<128x64xf32, #tpu.memory_space<vmem>>
    %dma_start3A_121 = arith.constant 0 : i32
    %dma_start3A_122 = tpu.memref_slice %arg6[%dma_start3A_112, %dma_start3A_121] : memref<2x800xi32, #tpu.memory_space<vmem>> -> memref<1x800xi32, #tpu.memory_space<vmem>>
    %dma_start3A_123 = tpu.memref_squeeze %dma_start3A_122 : memref<1x800xi32, #tpu.memory_space<vmem>> -> memref<800xi32, #tpu.memory_space<vmem>>
    %dma_start3A_124 = arith.constant 256 : i32
    %dma_start3A_125 = tpu.memref_slice %dma_start3A_123[%dma_start3A_124] : memref<800xi32, #tpu.memory_space<vmem>> -> memref<128xi32, #tpu.memory_space<vmem>>
    %dma_start3A_126 = arith.constant 0 : i32
    %dma_start3A_127 = arith.constant 0 : i32
    %dma_start3A_128 = tpu.memref_slice %arg2[%dma_start3A_126, %dma_start3A_127] : memref<100000x64xf32, #tpu.memory_space<hbm>> -> memref<100000x64xf32, #tpu.memory_space<hbm>>
    tpu.enqueue_indirect_dma source(%dma_start3A_128 : memref<100000x64xf32, #tpu.memory_space<hbm>>) target(%dma_start3A_120 : memref<128x64xf32, #tpu.memory_space<vmem>>) offsets(%dma_start3A_125 : memref<128xi32, #tpu.memory_space<vmem>>) semaphore(%arg11 : memref<!tpu.dma_semaphore, #tpu.memory_space<semaphore_mem>>)
    %dma_start3A_129 = arith.constant 0 : i32
    %dma_start3A_130 = arith.constant 0 : i32
    %dma_start3A_131 = arith.constant 0 : i32
    %dma_start3A_132 = arith.constant 0 : i32
    %dma_start3A_133 = tpu.memref_slice %arg8[%dma_start3A_130, %dma_start3A_131, %dma_start3A_132] : memref<2x800x64xf32, #tpu.memory_space<vmem>> -> memref<1x800x64xf32, #tpu.memory_space<vmem>>
    %dma_start3A_134 = tpu.memref_squeeze %dma_start3A_133 : memref<1x800x64xf32, #tpu.memory_space<vmem>> -> memref<800x64xf32, #tpu.memory_space<vmem>>
    %dma_start3A_135 = arith.constant 384 : i32
    %dma_start3A_136 = arith.constant 0 : i32
    %dma_start3A_137 = tpu.memref_slice %dma_start3A_134[%dma_start3A_135, %dma_start3A_136] : memref<800x64xf32, #tpu.memory_space<vmem>> -> memref<128x64xf32, #tpu.memory_space<vmem>>
    %dma_start3A_138 = arith.constant 0 : i32
    %dma_start3A_139 = tpu.memref_slice %arg6[%dma_start3A_129, %dma_start3A_138] : memref<2x800xi32, #tpu.memory_space<vmem>> -> memref<1x800xi32, #tpu.memory_space<vmem>>
    %dma_start3A_140 = tpu.memref_squeeze %dma_start3A_139 : memref<1x800xi32, #tpu.memory_space<vmem>> -> memref<800xi32, #tpu.memory_space<vmem>>
    %dma_start3A_141 = arith.constant 384 : i32
    %dma_start3A_142 = tpu.memref_slice %dma_start3A_140[%dma_start3A_141] : memref<800xi32, #tpu.memory_space<vmem>> -> memref<128xi32, #tpu.memory_space<vmem>>
    %dma_start3A_143 = arith.constant 0 : i32
    %dma_start3A_144 = arith.constant 0 : i32
    %dma_start3A_145 = tpu.memref_slice %arg2[%dma_start3A_143, %dma_start3A_144] : memref<100000x64xf32, #tpu.memory_space<hbm>> -> memref<100000x64xf32, #tpu.memory_space<hbm>>
    tpu.enqueue_indirect_dma source(%dma_start3A_145 : memref<100000x64xf32, #tpu.memory_space<hbm>>) target(%dma_start3A_137 : memref<128x64xf32, #tpu.memory_space<vmem>>) offsets(%dma_start3A_142 : memref<128xi32, #tpu.memory_space<vmem>>) semaphore(%arg11 : memref<!tpu.dma_semaphore, #tpu.memory_space<semaphore_mem>>)
    %dma_start3A_146 = arith.constant 0 : i32
    %dma_start3A_147 = arith.constant 0 : i32
    %dma_start3A_148 = arith.constant 0 : i32
    %dma_start3A_149 = arith.constant 0 : i32
    %dma_start3A_150 = tpu.memref_slice %arg8[%dma_start3A_147, %dma_start3A_148, %dma_start3A_149] : memref<2x800x64xf32, #tpu.memory_space<vmem>> -> memref<1x800x64xf32, #tpu.memory_space<vmem>>
    %dma_start3A_151 = tpu.memref_squeeze %dma_start3A_150 : memref<1x800x64xf32, #tpu.memory_space<vmem>> -> memref<800x64xf32, #tpu.memory_space<vmem>>
    %dma_start3A_152 = arith.constant 512 : i32
    %dma_start3A_153 = arith.constant 0 : i32
    %dma_start3A_154 = tpu.memref_slice %dma_start3A_151[%dma_start3A_152, %dma_start3A_153] : memref<800x64xf32, #tpu.memory_space<vmem>> -> memref<128x64xf32, #tpu.memory_space<vmem>>
    %dma_start3A_155 = arith.constant 0 : i32
    %dma_start3A_156 = tpu.memref_slice %arg6[%dma_start3A_146, %dma_start3A_155] : memref<2x800xi32, #tpu.memory_space<vmem>> -> memref<1x800xi32, #tpu.memory_space<vmem>>
    %dma_start3A_157 = tpu.memref_squeeze %dma_start3A_156 : memref<1x800xi32, #tpu.memory_space<vmem>> -> memref<800xi32, #tpu.memory_space<vmem>>
    %dma_start3A_158 = arith.constant 512 : i32
    %dma_start3A_159 = tpu.memref_slice %dma_start3A_157[%dma_start3A_158] : memref<800xi32, #tpu.memory_space<vmem>> -> memref<128xi32, #tpu.memory_space<vmem>>
    %dma_start3A_160 = arith.constant 0 : i32
    %dma_start3A_161 = arith.constant 0 : i32
    %dma_start3A_162 = tpu.memref_slice %arg2[%dma_start3A_160, %dma_start3A_161] : memref<100000x64xf32, #tpu.memory_space<hbm>> -> memref<100000x64xf32, #tpu.memory_space<hbm>>
    tpu.enqueue_indirect_dma source(%dma_start3A_162 : memref<100000x64xf32, #tpu.memory_space<hbm>>) target(%dma_start3A_154 : memref<128x64xf32, #tpu.memory_space<vmem>>) offsets(%dma_start3A_159 : memref<128xi32, #tpu.memory_space<vmem>>) semaphore(%arg11 : memref<!tpu.dma_semaphore, #tpu.memory_space<semaphore_mem>>)
    %dma_start3A_163 = arith.constant 0 : i32
    %dma_start3A_164 = arith.constant 0 : i32
    %dma_start3A_165 = arith.constant 0 : i32
    %dma_start3A_166 = arith.constant 0 : i32
    %dma_start3A_167 = tpu.memref_slice %arg8[%dma_start3A_164, %dma_start3A_165, %dma_start3A_166] : memref<2x800x64xf32, #tpu.memory_space<vmem>> -> memref<1x800x64xf32, #tpu.memory_space<vmem>>
    %dma_start3A_168 = tpu.memref_squeeze %dma_start3A_167 : memref<1x800x64xf32, #tpu.memory_space<vmem>> -> memref<800x64xf32, #tpu.memory_space<vmem>>
    %dma_start3A_169 = arith.constant 640 : i32
    %dma_start3A_170 = arith.constant 0 : i32
    %dma_start3A_171 = tpu.memref_slice %dma_start3A_168[%dma_start3A_169, %dma_start3A_170] : memref<800x64xf32, #tpu.memory_space<vmem>> -> memref<128x64xf32, #tpu.memory_space<vmem>>
    %dma_start3A_172 = arith.constant 0 : i32
    %dma_start3A_173 = tpu.memref_slice %arg6[%dma_start3A_163, %dma_start3A_172] : memref<2x800xi32, #tpu.memory_space<vmem>> -> memref<1x800xi32, #tpu.memory_space<vmem>>
    %dma_start3A_174 = tpu.memref_squeeze %dma_start3A_173 : memref<1x800xi32, #tpu.memory_space<vmem>> -> memref<800xi32, #tpu.memory_space<vmem>>
    %dma_start3A_175 = arith.constant 640 : i32
    %dma_start3A_176 = tpu.memref_slice %dma_start3A_174[%dma_start3A_175] : memref<800xi32, #tpu.memory_space<vmem>> -> memref<128xi32, #tpu.memory_space<vmem>>
    %dma_start3A_177 = arith.constant 0 : i32
    %dma_start3A_178 = arith.constant 0 : i32
    %dma_start3A_179 = tpu.memref_slice %arg2[%dma_start3A_177, %dma_start3A_178] : memref<100000x64xf32, #tpu.memory_space<hbm>> -> memref<100000x64xf32, #tpu.memory_space<hbm>>
    tpu.enqueue_indirect_dma source(%dma_start3A_179 : memref<100000x64xf32, #tpu.memory_space<hbm>>) target(%dma_start3A_171 : memref<128x64xf32, #tpu.memory_space<vmem>>) offsets(%dma_start3A_176 : memref<128xi32, #tpu.memory_space<vmem>>) semaphore(%arg11 : memref<!tpu.dma_semaphore, #tpu.memory_space<semaphore_mem>>)
    %dma_start3A_180 = arith.constant 0 : i32
    %dma_start3A_181 = arith.constant 0 : i32
    %dma_start3A_182 = arith.constant 0 : i32
    %dma_start3A_183 = arith.constant 0 : i32
    %dma_start3A_184 = tpu.memref_slice %arg8[%dma_start3A_181, %dma_start3A_182, %dma_start3A_183] : memref<2x800x64xf32, #tpu.memory_space<vmem>> -> memref<1x800x64xf32, #tpu.memory_space<vmem>>
    %dma_start3A_185 = tpu.memref_squeeze %dma_start3A_184 : memref<1x800x64xf32, #tpu.memory_space<vmem>> -> memref<800x64xf32, #tpu.memory_space<vmem>>
    %dma_start3A_186 = arith.constant 768 : i32
    %dma_start3A_187 = arith.constant 0 : i32
    %dma_start3A_188 = tpu.memref_slice %dma_start3A_185[%dma_start3A_186, %dma_start3A_187] : memref<800x64xf32, #tpu.memory_space<vmem>> -> memref<32x64xf32, #tpu.memory_space<vmem>>
    %dma_start3A_189 = arith.constant 0 : i32
    %dma_start3A_190 = tpu.memref_slice %arg6[%dma_start3A_180, %dma_start3A_189] : memref<2x800xi32, #tpu.memory_space<vmem>> -> memref<1x800xi32, #tpu.memory_space<vmem>>
    %dma_start3A_191 = tpu.memref_squeeze %dma_start3A_190 : memref<1x800xi32, #tpu.memory_space<vmem>> -> memref<800xi32, #tpu.memory_space<vmem>>
    %dma_start3A_192 = arith.constant 768 : i32
    %dma_start3A_193 = tpu.memref_slice %dma_start3A_191[%dma_start3A_192] : memref<800xi32, #tpu.memory_space<vmem>> -> memref<32xi32, #tpu.memory_space<vmem>>
    %dma_start3A_194 = arith.constant 0 : i32
    %dma_start3A_195 = arith.constant 0 : i32
    %dma_start3A_196 = tpu.memref_slice %arg2[%dma_start3A_194, %dma_start3A_195] : memref<100000x64xf32, #tpu.memory_space<hbm>> -> memref<100000x64xf32, #tpu.memory_space<hbm>>
    tpu.enqueue_indirect_dma source(%dma_start3A_196 : memref<100000x64xf32, #tpu.memory_space<hbm>>) target(%dma_start3A_188 : memref<32x64xf32, #tpu.memory_space<vmem>>) offsets(%dma_start3A_193 : memref<32xi32, #tpu.memory_space<vmem>>) semaphore(%arg11 : memref<!tpu.dma_semaphore, #tpu.memory_space<semaphore_mem>>)
    %scan3A = arith.constant 0 : i32
    %scan3A_197 = arith.constant 16 : i32
    %scan3A_198 = arith.addi %scan3A, %scan3A_197 : i32
    %scan3A_199 = arith.constant 1 : i32
    scf.for %scan3A_227 = %scan3A to %scan3A_198 step %scan3A_199  : i32 {
      %mul3A_228 = arith.constant 2 : i32
      %mul3A_229 = arith.muli %scan3A_227, %mul3A_228 : i32
      %add3A_230 = arith.constant 0 : i32
      %add3A_231 = arith.addi %add3A_230, %mul3A_229 : i32
      %add3A_232 = arith.constant 0 : i32
      %add3A_233 = arith.addi %add3A_231, %add3A_232 : i32
      %add3A_234 = arith.constant 1 : i32
      %add3A_235 = arith.addi %add3A_233, %add3A_234 : i32
      %lt3A = arith.constant 32 : i32
      %lt3A_236 = arith.cmpi slt, %add3A_235, %lt3A : i32
      %convert_element_type3A = arith.extui %lt3A_236 : i1 to i32
      %cond3A = arith.constant 0 : i32
      %cond3A_237 = arith.cmpi ne, %convert_element_type3A, %cond3A : i32
      scf.if %cond3A_237 {
        %dma_wait3A_541 = arith.constant 0 : i32
        %dma_wait3A_542 = arith.constant 1 : i32
        %dma_wait3A_543 = arith.constant 0 : i32
        %dma_wait3A_544 = tpu.memref_slice %arg6[%dma_wait3A_542, %dma_wait3A_543] : memref<2x800xi32, #tpu.memory_space<vmem>> -> memref<1x800xi32, #tpu.memory_space<vmem>>
        %dma_wait3A_545 = tpu.memref_squeeze %dma_wait3A_544 : memref<1x800xi32, #tpu.memory_space<vmem>> -> memref<800xi32, #tpu.memory_space<vmem>>
        %dma_wait3A_546 = tpu.memref_slice %arg3[%dma_wait3A_541, %mul3A_2] : memref<1x819200xi32, #tpu.memory_space<hbm>> -> memref<1x800xi32, #tpu.memory_space<hbm>>
        %dma_wait3A_547 = tpu.memref_squeeze %dma_wait3A_546 : memref<1x800xi32, #tpu.memory_space<hbm>> -> memref<800xi32, #tpu.memory_space<hbm>>
        %dma_wait3A_548 = arith.constant 0 : i32
        %dma_wait3A_549 = tpu.memref_slice %arg6[%dma_wait3A_542, %dma_wait3A_548] : memref<2x800xi32, #tpu.memory_space<vmem>> -> memref<1x800xi32, #tpu.memory_space<vmem>>
        %dma_wait3A_550 = tpu.memref_squeeze %dma_wait3A_549 : memref<1x800xi32, #tpu.memory_space<vmem>> -> memref<800xi32, #tpu.memory_space<vmem>>
        %dma_wait3A_551 = tpu.memref_slice %arg3[%dma_wait3A_541, %mul3A_2] : memref<1x819200xi32, #tpu.memory_space<hbm>> -> memref<1x800xi32, #tpu.memory_space<hbm>>
        %dma_wait3A_552 = tpu.memref_squeeze %dma_wait3A_551 : memref<1x800xi32, #tpu.memory_space<hbm>> -> memref<800xi32, #tpu.memory_space<hbm>>
        tpu.wait_dma2 semaphore(%arg10 : memref<!tpu.dma_semaphore, #tpu.memory_space<semaphore_mem>>) src(%dma_wait3A_552 : memref<800xi32, #tpu.memory_space<hbm>>) dst(%dma_wait3A_550 : memref<800xi32, #tpu.memory_space<vmem>>)
        %dma_wait3A_553 = arith.constant 0 : i32
        %dma_wait3A_554 = arith.constant 1 : i32
        %dma_wait3A_555 = arith.constant 0 : i32
        %dma_wait3A_556 = tpu.memref_slice %arg7[%dma_wait3A_554, %dma_wait3A_555] : memref<2x800xf32, #tpu.memory_space<vmem>> -> memref<1x800xf32, #tpu.memory_space<vmem>>
        %dma_wait3A_557 = tpu.memref_squeeze %dma_wait3A_556 : memref<1x800xf32, #tpu.memory_space<vmem>> -> memref<800xf32, #tpu.memory_space<vmem>>
        %dma_wait3A_558 = tpu.memref_slice %arg4[%dma_wait3A_553, %mul3A_2] : memref<1x819200xf32, #tpu.memory_space<hbm>> -> memref<1x800xf32, #tpu.memory_space<hbm>>
        %dma_wait3A_559 = tpu.memref_squeeze %dma_wait3A_558 : memref<1x800xf32, #tpu.memory_space<hbm>> -> memref<800xf32, #tpu.memory_space<hbm>>
        %dma_wait3A_560 = arith.constant 0 : i32
        %dma_wait3A_561 = tpu.memref_slice %arg7[%dma_wait3A_554, %dma_wait3A_560] : memref<2x800xf32, #tpu.memory_space<vmem>> -> memref<1x800xf32, #tpu.memory_space<vmem>>
        %dma_wait3A_562 = tpu.memref_squeeze %dma_wait3A_561 : memref<1x800xf32, #tpu.memory_space<vmem>> -> memref<800xf32, #tpu.memory_space<vmem>>
        %dma_wait3A_563 = tpu.memref_slice %arg4[%dma_wait3A_553, %mul3A_2] : memref<1x819200xf32, #tpu.memory_space<hbm>> -> memref<1x800xf32, #tpu.memory_space<hbm>>
        %dma_wait3A_564 = tpu.memref_squeeze %dma_wait3A_563 : memref<1x800xf32, #tpu.memory_space<hbm>> -> memref<800xf32, #tpu.memory_space<hbm>>
        tpu.wait_dma2 semaphore(%arg10 : memref<!tpu.dma_semaphore, #tpu.memory_space<semaphore_mem>>) src(%dma_wait3A_564 : memref<800xf32, #tpu.memory_space<hbm>>) dst(%dma_wait3A_562 : memref<800xf32, #tpu.memory_space<vmem>>)
        %add3A_565 = arith.constant 1 : i32
        %add3A_566 = arith.addi %add3A_233, %add3A_565 : i32
        %ge3A = arith.constant 2 : i32
        %ge3A_567 = arith.cmpi sge, %add3A_566, %ge3A : i32
        %convert_element_type3A_568 = arith.extui %ge3A_567 : i1 to i32
        %cond3A_569 = arith.constant 0 : i32
        %cond3A_570 = arith.cmpi ne, %convert_element_type3A_568, %cond3A_569 : i32
        scf.if %cond3A_570 {
          %dma_wait3A_690 = arith.constant 1 : i32
          %dma_wait3A_691 = arith.constant 0 : i32
          %dma_wait3A_692 = arith.constant 0 : i32
          %dma_wait3A_693 = tpu.memref_slice %arg8[%dma_wait3A_690, %dma_wait3A_691, %dma_wait3A_692] : memref<2x800x64xf32, #tpu.memory_space<vmem>> -> memref<1x800x64xf32, #tpu.memory_space<vmem>>
          %dma_wait3A_694 = tpu.memref_squeeze %dma_wait3A_693 : memref<1x800x64xf32, #tpu.memory_space<vmem>> -> memref<800x64xf32, #tpu.memory_space<vmem>>
          %dma_wait3A_695 = arith.constant 0 : i32
          %dma_wait3A_696 = tpu.memref_slice %arg5[%mul3A_2, %dma_wait3A_695] : memref<819200x128xf32, #tpu.memory_space<hbm>> -> memref<800x64xf32, #tpu.memory_space<hbm>>
          %dma_wait3A_697 = arith.constant 0 : i32
          %dma_wait3A_698 = tpu.memref_slice %arg5[%mul3A_2, %dma_wait3A_697] : memref<819200x128xf32, #tpu.memory_space<hbm>> -> memref<800x64xf32, #tpu.memory_space<hbm>>
          %dma_wait3A_699 = arith.constant 0 : i32
          %dma_wait3A_700 = arith.constant 0 : i32
          %dma_wait3A_701 = tpu.memref_slice %arg8[%dma_wait3A_690, %dma_wait3A_699, %dma_wait3A_700] : memref<2x800x64xf32, #tpu.memory_space<vmem>> -> memref<1x800x64xf32, #tpu.memory_space<vmem>>
          %dma_wait3A_702 = tpu.memref_squeeze %dma_wait3A_701 : memref<1x800x64xf32, #tpu.memory_space<vmem>> -> memref<800x64xf32, #tpu.memory_space<vmem>>
          tpu.wait_dma2 semaphore(%arg14 : memref<!tpu.dma_semaphore, #tpu.memory_space<semaphore_mem>>) src(%dma_wait3A_702 : memref<800x64xf32, #tpu.memory_space<vmem>>) dst(%dma_wait3A_698 : memref<800x64xf32, #tpu.memory_space<hbm>>)
        } else {
        }
        %dma_start3A_571 = arith.constant 1 : i32
        %dma_start3A_572 = arith.constant 1 : i32
        %dma_start3A_573 = arith.constant 0 : i32
        %dma_start3A_574 = arith.constant 0 : i32
        %dma_start3A_575 = tpu.memref_slice %arg8[%dma_start3A_572, %dma_start3A_573, %dma_start3A_574] : memref<2x800x64xf32, #tpu.memory_space<vmem>> -> memref<1x800x64xf32, #tpu.memory_space<vmem>>
        %dma_start3A_576 = tpu.memref_squeeze %dma_start3A_575 : memref<1x800x64xf32, #tpu.memory_space<vmem>> -> memref<800x64xf32, #tpu.memory_space<vmem>>
        %dma_start3A_577 = arith.constant 0 : i32
        %dma_start3A_578 = arith.constant 0 : i32
        %dma_start3A_579 = tpu.memref_slice %dma_start3A_576[%dma_start3A_577, %dma_start3A_578] : memref<800x64xf32, #tpu.memory_space<vmem>> -> memref<128x64xf32, #tpu.memory_space<vmem>>
        %dma_start3A_580 = arith.constant 0 : i32
        %dma_start3A_581 = tpu.memref_slice %arg6[%dma_start3A_571, %dma_start3A_580] : memref<2x800xi32, #tpu.memory_space<vmem>> -> memref<1x800xi32, #tpu.memory_space<vmem>>
        %dma_start3A_582 = tpu.memref_squeeze %dma_start3A_581 : memref<1x800xi32, #tpu.memory_space<vmem>> -> memref<800xi32, #tpu.memory_space<vmem>>
        %dma_start3A_583 = arith.constant 0 : i32
        %dma_start3A_584 = tpu.memref_slice %dma_start3A_582[%dma_start3A_583] : memref<800xi32, #tpu.memory_space<vmem>> -> memref<128xi32, #tpu.memory_space<vmem>>
        %dma_start3A_585 = arith.constant 0 : i32
        %dma_start3A_586 = arith.constant 0 : i32
        %dma_start3A_587 = tpu.memref_slice %arg2[%dma_start3A_585, %dma_start3A_586] : memref<100000x64xf32, #tpu.memory_space<hbm>> -> memref<100000x64xf32, #tpu.memory_space<hbm>>
        tpu.enqueue_indirect_dma source(%dma_start3A_587 : memref<100000x64xf32, #tpu.memory_space<hbm>>) target(%dma_start3A_579 : memref<128x64xf32, #tpu.memory_space<vmem>>) offsets(%dma_start3A_584 : memref<128xi32, #tpu.memory_space<vmem>>) semaphore(%arg12 : memref<!tpu.dma_semaphore, #tpu.memory_space<semaphore_mem>>)
        %dma_start3A_588 = arith.constant 1 : i32
        %dma_start3A_589 = arith.constant 1 : i32
        %dma_start3A_590 = arith.constant 0 : i32
        %dma_start3A_591 = arith.constant 0 : i32
        %dma_start3A_592 = tpu.memref_slice %arg8[%dma_start3A_589, %dma_start3A_590, %dma_start3A_591] : memref<2x800x64xf32, #tpu.memory_space<vmem>> -> memref<1x800x64xf32, #tpu.memory_space<vmem>>
        %dma_start3A_593 = tpu.memref_squeeze %dma_start3A_592 : memref<1x800x64xf32, #tpu.memory_space<vmem>> -> memref<800x64xf32, #tpu.memory_space<vmem>>
        %dma_start3A_594 = arith.constant 128 : i32
        %dma_start3A_595 = arith.constant 0 : i32
        %dma_start3A_596 = tpu.memref_slice %dma_start3A_593[%dma_start3A_594, %dma_start3A_595] : memref<800x64xf32, #tpu.memory_space<vmem>> -> memref<128x64xf32, #tpu.memory_space<vmem>>
        %dma_start3A_597 = arith.constant 0 : i32
        %dma_start3A_598 = tpu.memref_slice %arg6[%dma_start3A_588, %dma_start3A_597] : memref<2x800xi32, #tpu.memory_space<vmem>> -> memref<1x800xi32, #tpu.memory_space<vmem>>
        %dma_start3A_599 = tpu.memref_squeeze %dma_start3A_598 : memref<1x800xi32, #tpu.memory_space<vmem>> -> memref<800xi32, #tpu.memory_space<vmem>>
        %dma_start3A_600 = arith.constant 128 : i32
        %dma_start3A_601 = tpu.memref_slice %dma_start3A_599[%dma_start3A_600] : memref<800xi32, #tpu.memory_space<vmem>> -> memref<128xi32, #tpu.memory_space<vmem>>
        %dma_start3A_602 = arith.constant 0 : i32
        %dma_start3A_603 = arith.constant 0 : i32
        %dma_start3A_604 = tpu.memref_slice %arg2[%dma_start3A_602, %dma_start3A_603] : memref<100000x64xf32, #tpu.memory_space<hbm>> -> memref<100000x64xf32, #tpu.memory_space<hbm>>
        tpu.enqueue_indirect_dma source(%dma_start3A_604 : memref<100000x64xf32, #tpu.memory_space<hbm>>) target(%dma_start3A_596 : memref<128x64xf32, #tpu.memory_space<vmem>>) offsets(%dma_start3A_601 : memref<128xi32, #tpu.memory_space<vmem>>) semaphore(%arg12 : memref<!tpu.dma_semaphore, #tpu.memory_space<semaphore_mem>>)
        %dma_start3A_605 = arith.constant 1 : i32
        %dma_start3A_606 = arith.constant 1 : i32
        %dma_start3A_607 = arith.constant 0 : i32
        %dma_start3A_608 = arith.constant 0 : i32
        %dma_start3A_609 = tpu.memref_slice %arg8[%dma_start3A_606, %dma_start3A_607, %dma_start3A_608] : memref<2x800x64xf32, #tpu.memory_space<vmem>> -> memref<1x800x64xf32, #tpu.memory_space<vmem>>
        %dma_start3A_610 = tpu.memref_squeeze %dma_start3A_609 : memref<1x800x64xf32, #tpu.memory_space<vmem>> -> memref<800x64xf32, #tpu.memory_space<vmem>>
        %dma_start3A_611 = arith.constant 256 : i32
        %dma_start3A_612 = arith.constant 0 : i32
        %dma_start3A_613 = tpu.memref_slice %dma_start3A_610[%dma_start3A_611, %dma_start3A_612] : memref<800x64xf32, #tpu.memory_space<vmem>> -> memref<128x64xf32, #tpu.memory_space<vmem>>
        %dma_start3A_614 = arith.constant 0 : i32
        %dma_start3A_615 = tpu.memref_slice %arg6[%dma_start3A_605, %dma_start3A_614] : memref<2x800xi32, #tpu.memory_space<vmem>> -> memref<1x800xi32, #tpu.memory_space<vmem>>
        %dma_start3A_616 = tpu.memref_squeeze %dma_start3A_615 : memref<1x800xi32, #tpu.memory_space<vmem>> -> memref<800xi32, #tpu.memory_space<vmem>>
        %dma_start3A_617 = arith.constant 256 : i32
        %dma_start3A_618 = tpu.memref_slice %dma_start3A_616[%dma_start3A_617] : memref<800xi32, #tpu.memory_space<vmem>> -> memref<128xi32, #tpu.memory_space<vmem>>
        %dma_start3A_619 = arith.constant 0 : i32
        %dma_start3A_620 = arith.constant 0 : i32
        %dma_start3A_621 = tpu.memref_slice %arg2[%dma_start3A_619, %dma_start3A_620] : memref<100000x64xf32, #tpu.memory_space<hbm>> -> memref<100000x64xf32, #tpu.memory_space<hbm>>
        tpu.enqueue_indirect_dma source(%dma_start3A_621 : memref<100000x64xf32, #tpu.memory_space<hbm>>) target(%dma_start3A_613 : memref<128x64xf32, #tpu.memory_space<vmem>>) offsets(%dma_start3A_618 : memref<128xi32, #tpu.memory_space<vmem>>) semaphore(%arg12 : memref<!tpu.dma_semaphore, #tpu.memory_space<semaphore_mem>>)
        %dma_start3A_622 = arith.constant 1 : i32
        %dma_start3A_623 = arith.constant 1 : i32
        %dma_start3A_624 = arith.constant 0 : i32
        %dma_start3A_625 = arith.constant 0 : i32
        %dma_start3A_626 = tpu.memref_slice %arg8[%dma_start3A_623, %dma_start3A_624, %dma_start3A_625] : memref<2x800x64xf32, #tpu.memory_space<vmem>> -> memref<1x800x64xf32, #tpu.memory_space<vmem>>
        %dma_start3A_627 = tpu.memref_squeeze %dma_start3A_626 : memref<1x800x64xf32, #tpu.memory_space<vmem>> -> memref<800x64xf32, #tpu.memory_space<vmem>>
        %dma_start3A_628 = arith.constant 384 : i32
        %dma_start3A_629 = arith.constant 0 : i32
        %dma_start3A_630 = tpu.memref_slice %dma_start3A_627[%dma_start3A_628, %dma_start3A_629] : memref<800x64xf32, #tpu.memory_space<vmem>> -> memref<128x64xf32, #tpu.memory_space<vmem>>
        %dma_start3A_631 = arith.constant 0 : i32
        %dma_start3A_632 = tpu.memref_slice %arg6[%dma_start3A_622, %dma_start3A_631] : memref<2x800xi32, #tpu.memory_space<vmem>> -> memref<1x800xi32, #tpu.memory_space<vmem>>
        %dma_start3A_633 = tpu.memref_squeeze %dma_start3A_632 : memref<1x800xi32, #tpu.memory_space<vmem>> -> memref<800xi32, #tpu.memory_space<vmem>>
        %dma_start3A_634 = arith.constant 384 : i32
        %dma_start3A_635 = tpu.memref_slice %dma_start3A_633[%dma_start3A_634] : memref<800xi32, #tpu.memory_space<vmem>> -> memref<128xi32, #tpu.memory_space<vmem>>
        %dma_start3A_636 = arith.constant 0 : i32
        %dma_start3A_637 = arith.constant 0 : i32
        %dma_start3A_638 = tpu.memref_slice %arg2[%dma_start3A_636, %dma_start3A_637] : memref<100000x64xf32, #tpu.memory_space<hbm>> -> memref<100000x64xf32, #tpu.memory_space<hbm>>
        tpu.enqueue_indirect_dma source(%dma_start3A_638 : memref<100000x64xf32, #tpu.memory_space<hbm>>) target(%dma_start3A_630 : memref<128x64xf32, #tpu.memory_space<vmem>>) offsets(%dma_start3A_635 : memref<128xi32, #tpu.memory_space<vmem>>) semaphore(%arg12 : memref<!tpu.dma_semaphore, #tpu.memory_space<semaphore_mem>>)
        %dma_start3A_639 = arith.constant 1 : i32
        %dma_start3A_640 = arith.constant 1 : i32
        %dma_start3A_641 = arith.constant 0 : i32
        %dma_start3A_642 = arith.constant 0 : i32
        %dma_start3A_643 = tpu.memref_slice %arg8[%dma_start3A_640, %dma_start3A_641, %dma_start3A_642] : memref<2x800x64xf32, #tpu.memory_space<vmem>> -> memref<1x800x64xf32, #tpu.memory_space<vmem>>
        %dma_start3A_644 = tpu.memref_squeeze %dma_start3A_643 : memref<1x800x64xf32, #tpu.memory_space<vmem>> -> memref<800x64xf32, #tpu.memory_space<vmem>>
        %dma_start3A_645 = arith.constant 512 : i32
        %dma_start3A_646 = arith.constant 0 : i32
        %dma_start3A_647 = tpu.memref_slice %dma_start3A_644[%dma_start3A_645, %dma_start3A_646] : memref<800x64xf32, #tpu.memory_space<vmem>> -> memref<128x64xf32, #tpu.memory_space<vmem>>
        %dma_start3A_648 = arith.constant 0 : i32
        %dma_start3A_649 = tpu.memref_slice %arg6[%dma_start3A_639, %dma_start3A_648] : memref<2x800xi32, #tpu.memory_space<vmem>> -> memref<1x800xi32, #tpu.memory_space<vmem>>
        %dma_start3A_650 = tpu.memref_squeeze %dma_start3A_649 : memref<1x800xi32, #tpu.memory_space<vmem>> -> memref<800xi32, #tpu.memory_space<vmem>>
        %dma_start3A_651 = arith.constant 512 : i32
        %dma_start3A_652 = tpu.memref_slice %dma_start3A_650[%dma_start3A_651] : memref<800xi32, #tpu.memory_space<vmem>> -> memref<128xi32, #tpu.memory_space<vmem>>
        %dma_start3A_653 = arith.constant 0 : i32
        %dma_start3A_654 = arith.constant 0 : i32
        %dma_start3A_655 = tpu.memref_slice %arg2[%dma_start3A_653, %dma_start3A_654] : memref<100000x64xf32, #tpu.memory_space<hbm>> -> memref<100000x64xf32, #tpu.memory_space<hbm>>
        tpu.enqueue_indirect_dma source(%dma_start3A_655 : memref<100000x64xf32, #tpu.memory_space<hbm>>) target(%dma_start3A_647 : memref<128x64xf32, #tpu.memory_space<vmem>>) offsets(%dma_start3A_652 : memref<128xi32, #tpu.memory_space<vmem>>) semaphore(%arg12 : memref<!tpu.dma_semaphore, #tpu.memory_space<semaphore_mem>>)
        %dma_start3A_656 = arith.constant 1 : i32
        %dma_start3A_657 = arith.constant 1 : i32
        %dma_start3A_658 = arith.constant 0 : i32
        %dma_start3A_659 = arith.constant 0 : i32
        %dma_start3A_660 = tpu.memref_slice %arg8[%dma_start3A_657, %dma_start3A_658, %dma_start3A_659] : memref<2x800x64xf32, #tpu.memory_space<vmem>> -> memref<1x800x64xf32, #tpu.memory_space<vmem>>
        %dma_start3A_661 = tpu.memref_squeeze %dma_start3A_660 : memref<1x800x64xf32, #tpu.memory_space<vmem>> -> memref<800x64xf32, #tpu.memory_space<vmem>>
        %dma_start3A_662 = arith.constant 640 : i32
        %dma_start3A_663 = arith.constant 0 : i32
        %dma_start3A_664 = tpu.memref_slice %dma_start3A_661[%dma_start3A_662, %dma_start3A_663] : memref<800x64xf32, #tpu.memory_space<vmem>> -> memref<128x64xf32, #tpu.memory_space<vmem>>
        %dma_start3A_665 = arith.constant 0 : i32
        %dma_start3A_666 = tpu.memref_slice %arg6[%dma_start3A_656, %dma_start3A_665] : memref<2x800xi32, #tpu.memory_space<vmem>> -> memref<1x800xi32, #tpu.memory_space<vmem>>
        %dma_start3A_667 = tpu.memref_squeeze %dma_start3A_666 : memref<1x800xi32, #tpu.memory_space<vmem>> -> memref<800xi32, #tpu.memory_space<vmem>>
        %dma_start3A_668 = arith.constant 640 : i32
        %dma_start3A_669 = tpu.memref_slice %dma_start3A_667[%dma_start3A_668] : memref<800xi32, #tpu.memory_space<vmem>> -> memref<128xi32, #tpu.memory_space<vmem>>
        %dma_start3A_670 = arith.constant 0 : i32
        %dma_start3A_671 = arith.constant 0 : i32
        %dma_start3A_672 = tpu.memref_slice %arg2[%dma_start3A_670, %dma_start3A_671] : memref<100000x64xf32, #tpu.memory_space<hbm>> -> memref<100000x64xf32, #tpu.memory_space<hbm>>
        tpu.enqueue_indirect_dma source(%dma_start3A_672 : memref<100000x64xf32, #tpu.memory_space<hbm>>) target(%dma_start3A_664 : memref<128x64xf32, #tpu.memory_space<vmem>>) offsets(%dma_start3A_669 : memref<128xi32, #tpu.memory_space<vmem>>) semaphore(%arg12 : memref<!tpu.dma_semaphore, #tpu.memory_space<semaphore_mem>>)
        %dma_start3A_673 = arith.constant 1 : i32
        %dma_start3A_674 = arith.constant 1 : i32
        %dma_start3A_675 = arith.constant 0 : i32
        %dma_start3A_676 = arith.constant 0 : i32
        %dma_start3A_677 = tpu.memref_slice %arg8[%dma_start3A_674, %dma_start3A_675, %dma_start3A_676] : memref<2x800x64xf32, #tpu.memory_space<vmem>> -> memref<1x800x64xf32, #tpu.memory_space<vmem>>
        %dma_start3A_678 = tpu.memref_squeeze %dma_start3A_677 : memref<1x800x64xf32, #tpu.memory_space<vmem>> -> memref<800x64xf32, #tpu.memory_space<vmem>>
        %dma_start3A_679 = arith.constant 768 : i32
        %dma_start3A_680 = arith.constant 0 : i32
        %dma_start3A_681 = tpu.memref_slice %dma_start3A_678[%dma_start3A_679, %dma_start3A_680] : memref<800x64xf32, #tpu.memory_space<vmem>> -> memref<32x64xf32, #tpu.memory_space<vmem>>
        %dma_start3A_682 = arith.constant 0 : i32
        %dma_start3A_683 = tpu.memref_slice %arg6[%dma_start3A_673, %dma_start3A_682] : memref<2x800xi32, #tpu.memory_space<vmem>> -> memref<1x800xi32, #tpu.memory_space<vmem>>
        %dma_start3A_684 = tpu.memref_squeeze %dma_start3A_683 : memref<1x800xi32, #tpu.memory_space<vmem>> -> memref<800xi32, #tpu.memory_space<vmem>>
        %dma_start3A_685 = arith.constant 768 : i32
        %dma_start3A_686 = tpu.memref_slice %dma_start3A_684[%dma_start3A_685] : memref<800xi32, #tpu.memory_space<vmem>> -> memref<32xi32, #tpu.memory_space<vmem>>
        %dma_start3A_687 = arith.constant 0 : i32
        %dma_start3A_688 = arith.constant 0 : i32
        %dma_start3A_689 = tpu.memref_slice %arg2[%dma_start3A_687, %dma_start3A_688] : memref<100000x64xf32, #tpu.memory_space<hbm>> -> memref<100000x64xf32, #tpu.memory_space<hbm>>
        tpu.enqueue_indirect_dma source(%dma_start3A_689 : memref<100000x64xf32, #tpu.memory_space<hbm>>) target(%dma_start3A_681 : memref<32x64xf32, #tpu.memory_space<vmem>>) offsets(%dma_start3A_686 : memref<32xi32, #tpu.memory_space<vmem>>) semaphore(%arg12 : memref<!tpu.dma_semaphore, #tpu.memory_space<semaphore_mem>>)
      } else {
      }
      %dma_wait3A_238 = arith.constant 0 : i32
      %dma_wait3A_239 = arith.constant 0 : i32
      %dma_wait3A_240 = arith.constant 0 : i32
      %dma_wait3A_241 = arith.constant 0 : i32
      %dma_wait3A_242 = tpu.memref_slice %arg8[%dma_wait3A_239, %dma_wait3A_240, %dma_wait3A_241] : memref<2x800x64xf32, #tpu.memory_space<vmem>> -> memref<1x800x64xf32, #tpu.memory_space<vmem>>
      %dma_wait3A_243 = tpu.memref_squeeze %dma_wait3A_242 : memref<1x800x64xf32, #tpu.memory_space<vmem>> -> memref<800x64xf32, #tpu.memory_space<vmem>>
      %dma_wait3A_244 = arith.constant 0 : i32
      %dma_wait3A_245 = arith.constant 0 : i32
      %dma_wait3A_246 = tpu.memref_slice %dma_wait3A_243[%dma_wait3A_244, %dma_wait3A_245] : memref<800x64xf32, #tpu.memory_space<vmem>> -> memref<128x64xf32, #tpu.memory_space<vmem>>
      %dma_wait3A_247 = arith.constant 0 : i32
      %dma_wait3A_248 = tpu.memref_slice %arg6[%dma_wait3A_238, %dma_wait3A_247] : memref<2x800xi32, #tpu.memory_space<vmem>> -> memref<1x800xi32, #tpu.memory_space<vmem>>
      %dma_wait3A_249 = tpu.memref_squeeze %dma_wait3A_248 : memref<1x800xi32, #tpu.memory_space<vmem>> -> memref<800xi32, #tpu.memory_space<vmem>>
      %dma_wait3A_250 = arith.constant 0 : i32
      %dma_wait3A_251 = tpu.memref_slice %dma_wait3A_249[%dma_wait3A_250] : memref<800xi32, #tpu.memory_space<vmem>> -> memref<128xi32, #tpu.memory_space<vmem>>
      %dma_wait3A_252 = arith.constant 0 : i32
      %dma_wait3A_253 = arith.constant 0 : i32
      %dma_wait3A_254 = tpu.memref_slice %arg2[%dma_wait3A_252, %dma_wait3A_253] : memref<100000x64xf32, #tpu.memory_space<hbm>> -> memref<100000x64xf32, #tpu.memory_space<hbm>>
      tpu.wait_indirect_dma semaphore(%arg11 : memref<!tpu.dma_semaphore, #tpu.memory_space<semaphore_mem>>) src(%dma_wait3A_254 : memref<100000x64xf32, #tpu.memory_space<hbm>>) dst(%dma_wait3A_246 : memref<128x64xf32, #tpu.memory_space<vmem>>)
      %dma_wait3A_255 = arith.constant 0 : i32
      %dma_wait3A_256 = arith.constant 0 : i32
      %dma_wait3A_257 = arith.constant 0 : i32
      %dma_wait3A_258 = arith.constant 0 : i32
      %dma_wait3A_259 = tpu.memref_slice %arg8[%dma_wait3A_256, %dma_wait3A_257, %dma_wait3A_258] : memref<2x800x64xf32, #tpu.memory_space<vmem>> -> memref<1x800x64xf32, #tpu.memory_space<vmem>>
      %dma_wait3A_260 = tpu.memref_squeeze %dma_wait3A_259 : memref<1x800x64xf32, #tpu.memory_space<vmem>> -> memref<800x64xf32, #tpu.memory_space<vmem>>
      %dma_wait3A_261 = arith.constant 128 : i32
      %dma_wait3A_262 = arith.constant 0 : i32
      %dma_wait3A_263 = tpu.memref_slice %dma_wait3A_260[%dma_wait3A_261, %dma_wait3A_262] : memref<800x64xf32, #tpu.memory_space<vmem>> -> memref<128x64xf32, #tpu.memory_space<vmem>>
      %dma_wait3A_264 = arith.constant 0 : i32
      %dma_wait3A_265 = tpu.memref_slice %arg6[%dma_wait3A_255, %dma_wait3A_264] : memref<2x800xi32, #tpu.memory_space<vmem>> -> memref<1x800xi32, #tpu.memory_space<vmem>>
      %dma_wait3A_266 = tpu.memref_squeeze %dma_wait3A_265 : memref<1x800xi32, #tpu.memory_space<vmem>> -> memref<800xi32, #tpu.memory_space<vmem>>
      %dma_wait3A_267 = arith.constant 128 : i32
      %dma_wait3A_268 = tpu.memref_slice %dma_wait3A_266[%dma_wait3A_267] : memref<800xi32, #tpu.memory_space<vmem>> -> memref<128xi32, #tpu.memory_space<vmem>>
      %dma_wait3A_269 = arith.constant 0 : i32
      %dma_wait3A_270 = arith.constant 0 : i32
      %dma_wait3A_271 = tpu.memref_slice %arg2[%dma_wait3A_269, %dma_wait3A_270] : memref<100000x64xf32, #tpu.memory_space<hbm>> -> memref<100000x64xf32, #tpu.memory_space<hbm>>
      tpu.wait_indirect_dma semaphore(%arg11 : memref<!tpu.dma_semaphore, #tpu.memory_space<semaphore_mem>>) src(%dma_wait3A_271 : memref<100000x64xf32, #tpu.memory_space<hbm>>) dst(%dma_wait3A_263 : memref<128x64xf32, #tpu.memory_space<vmem>>)
      %dma_wait3A_272 = arith.constant 0 : i32
      %dma_wait3A_273 = arith.constant 0 : i32
      %dma_wait3A_274 = arith.constant 0 : i32
      %dma_wait3A_275 = arith.constant 0 : i32
      %dma_wait3A_276 = tpu.memref_slice %arg8[%dma_wait3A_273, %dma_wait3A_274, %dma_wait3A_275] : memref<2x800x64xf32, #tpu.memory_space<vmem>> -> memref<1x800x64xf32, #tpu.memory_space<vmem>>
      %dma_wait3A_277 = tpu.memref_squeeze %dma_wait3A_276 : memref<1x800x64xf32, #tpu.memory_space<vmem>> -> memref<800x64xf32, #tpu.memory_space<vmem>>
      %dma_wait3A_278 = arith.constant 256 : i32
      %dma_wait3A_279 = arith.constant 0 : i32
      %dma_wait3A_280 = tpu.memref_slice %dma_wait3A_277[%dma_wait3A_278, %dma_wait3A_279] : memref<800x64xf32, #tpu.memory_space<vmem>> -> memref<128x64xf32, #tpu.memory_space<vmem>>
      %dma_wait3A_281 = arith.constant 0 : i32
      %dma_wait3A_282 = tpu.memref_slice %arg6[%dma_wait3A_272, %dma_wait3A_281] : memref<2x800xi32, #tpu.memory_space<vmem>> -> memref<1x800xi32, #tpu.memory_space<vmem>>
      %dma_wait3A_283 = tpu.memref_squeeze %dma_wait3A_282 : memref<1x800xi32, #tpu.memory_space<vmem>> -> memref<800xi32, #tpu.memory_space<vmem>>
      %dma_wait3A_284 = arith.constant 256 : i32
      %dma_wait3A_285 = tpu.memref_slice %dma_wait3A_283[%dma_wait3A_284] : memref<800xi32, #tpu.memory_space<vmem>> -> memref<128xi32, #tpu.memory_space<vmem>>
      %dma_wait3A_286 = arith.constant 0 : i32
      %dma_wait3A_287 = arith.constant 0 : i32
      %dma_wait3A_288 = tpu.memref_slice %arg2[%dma_wait3A_286, %dma_wait3A_287] : memref<100000x64xf32, #tpu.memory_space<hbm>> -> memref<100000x64xf32, #tpu.memory_space<hbm>>
      tpu.wait_indirect_dma semaphore(%arg11 : memref<!tpu.dma_semaphore, #tpu.memory_space<semaphore_mem>>) src(%dma_wait3A_288 : memref<100000x64xf32, #tpu.memory_space<hbm>>) dst(%dma_wait3A_280 : memref<128x64xf32, #tpu.memory_space<vmem>>)
      %dma_wait3A_289 = arith.constant 0 : i32
      %dma_wait3A_290 = arith.constant 0 : i32
      %dma_wait3A_291 = arith.constant 0 : i32
      %dma_wait3A_292 = arith.constant 0 : i32
      %dma_wait3A_293 = tpu.memref_slice %arg8[%dma_wait3A_290, %dma_wait3A_291, %dma_wait3A_292] : memref<2x800x64xf32, #tpu.memory_space<vmem>> -> memref<1x800x64xf32, #tpu.memory_space<vmem>>
      %dma_wait3A_294 = tpu.memref_squeeze %dma_wait3A_293 : memref<1x800x64xf32, #tpu.memory_space<vmem>> -> memref<800x64xf32, #tpu.memory_space<vmem>>
      %dma_wait3A_295 = arith.constant 384 : i32
      %dma_wait3A_296 = arith.constant 0 : i32
      %dma_wait3A_297 = tpu.memref_slice %dma_wait3A_294[%dma_wait3A_295, %dma_wait3A_296] : memref<800x64xf32, #tpu.memory_space<vmem>> -> memref<128x64xf32, #tpu.memory_space<vmem>>
      %dma_wait3A_298 = arith.constant 0 : i32
      %dma_wait3A_299 = tpu.memref_slice %arg6[%dma_wait3A_289, %dma_wait3A_298] : memref<2x800xi32, #tpu.memory_space<vmem>> -> memref<1x800xi32, #tpu.memory_space<vmem>>
      %dma_wait3A_300 = tpu.memref_squeeze %dma_wait3A_299 : memref<1x800xi32, #tpu.memory_space<vmem>> -> memref<800xi32, #tpu.memory_space<vmem>>
      %dma_wait3A_301 = arith.constant 384 : i32
      %dma_wait3A_302 = tpu.memref_slice %dma_wait3A_300[%dma_wait3A_301] : memref<800xi32, #tpu.memory_space<vmem>> -> memref<128xi32, #tpu.memory_space<vmem>>
      %dma_wait3A_303 = arith.constant 0 : i32
      %dma_wait3A_304 = arith.constant 0 : i32
      %dma_wait3A_305 = tpu.memref_slice %arg2[%dma_wait3A_303, %dma_wait3A_304] : memref<100000x64xf32, #tpu.memory_space<hbm>> -> memref<100000x64xf32, #tpu.memory_space<hbm>>
      tpu.wait_indirect_dma semaphore(%arg11 : memref<!tpu.dma_semaphore, #tpu.memory_space<semaphore_mem>>) src(%dma_wait3A_305 : memref<100000x64xf32, #tpu.memory_space<hbm>>) dst(%dma_wait3A_297 : memref<128x64xf32, #tpu.memory_space<vmem>>)
      %dma_wait3A_306 = arith.constant 0 : i32
      %dma_wait3A_307 = arith.constant 0 : i32
      %dma_wait3A_308 = arith.constant 0 : i32
      %dma_wait3A_309 = arith.constant 0 : i32
      %dma_wait3A_310 = tpu.memref_slice %arg8[%dma_wait3A_307, %dma_wait3A_308, %dma_wait3A_309] : memref<2x800x64xf32, #tpu.memory_space<vmem>> -> memref<1x800x64xf32, #tpu.memory_space<vmem>>
      %dma_wait3A_311 = tpu.memref_squeeze %dma_wait3A_310 : memref<1x800x64xf32, #tpu.memory_space<vmem>> -> memref<800x64xf32, #tpu.memory_space<vmem>>
      %dma_wait3A_312 = arith.constant 512 : i32
      %dma_wait3A_313 = arith.constant 0 : i32
      %dma_wait3A_314 = tpu.memref_slice %dma_wait3A_311[%dma_wait3A_312, %dma_wait3A_313] : memref<800x64xf32, #tpu.memory_space<vmem>> -> memref<128x64xf32, #tpu.memory_space<vmem>>
      %dma_wait3A_315 = arith.constant 0 : i32
      %dma_wait3A_316 = tpu.memref_slice %arg6[%dma_wait3A_306, %dma_wait3A_315] : memref<2x800xi32, #tpu.memory_space<vmem>> -> memref<1x800xi32, #tpu.memory_space<vmem>>
      %dma_wait3A_317 = tpu.memref_squeeze %dma_wait3A_316 : memref<1x800xi32, #tpu.memory_space<vmem>> -> memref<800xi32, #tpu.memory_space<vmem>>
      %dma_wait3A_318 = arith.constant 512 : i32
      %dma_wait3A_319 = tpu.memref_slice %dma_wait3A_317[%dma_wait3A_318] : memref<800xi32, #tpu.memory_space<vmem>> -> memref<128xi32, #tpu.memory_space<vmem>>
      %dma_wait3A_320 = arith.constant 0 : i32
      %dma_wait3A_321 = arith.constant 0 : i32
      %dma_wait3A_322 = tpu.memref_slice %arg2[%dma_wait3A_320, %dma_wait3A_321] : memref<100000x64xf32, #tpu.memory_space<hbm>> -> memref<100000x64xf32, #tpu.memory_space<hbm>>
      tpu.wait_indirect_dma semaphore(%arg11 : memref<!tpu.dma_semaphore, #tpu.memory_space<semaphore_mem>>) src(%dma_wait3A_322 : memref<100000x64xf32, #tpu.memory_space<hbm>>) dst(%dma_wait3A_314 : memref<128x64xf32, #tpu.memory_space<vmem>>)
      %dma_wait3A_323 = arith.constant 0 : i32
      %dma_wait3A_324 = arith.constant 0 : i32
      %dma_wait3A_325 = arith.constant 0 : i32
      %dma_wait3A_326 = arith.constant 0 : i32
      %dma_wait3A_327 = tpu.memref_slice %arg8[%dma_wait3A_324, %dma_wait3A_325, %dma_wait3A_326] : memref<2x800x64xf32, #tpu.memory_space<vmem>> -> memref<1x800x64xf32, #tpu.memory_space<vmem>>
      %dma_wait3A_328 = tpu.memref_squeeze %dma_wait3A_327 : memref<1x800x64xf32, #tpu.memory_space<vmem>> -> memref<800x64xf32, #tpu.memory_space<vmem>>
      %dma_wait3A_329 = arith.constant 640 : i32
      %dma_wait3A_330 = arith.constant 0 : i32
      %dma_wait3A_331 = tpu.memref_slice %dma_wait3A_328[%dma_wait3A_329, %dma_wait3A_330] : memref<800x64xf32, #tpu.memory_space<vmem>> -> memref<128x64xf32, #tpu.memory_space<vmem>>
      %dma_wait3A_332 = arith.constant 0 : i32
      %dma_wait3A_333 = tpu.memref_slice %arg6[%dma_wait3A_323, %dma_wait3A_332] : memref<2x800xi32, #tpu.memory_space<vmem>> -> memref<1x800xi32, #tpu.memory_space<vmem>>
      %dma_wait3A_334 = tpu.memref_squeeze %dma_wait3A_333 : memref<1x800xi32, #tpu.memory_space<vmem>> -> memref<800xi32, #tpu.memory_space<vmem>>
      %dma_wait3A_335 = arith.constant 640 : i32
      %dma_wait3A_336 = tpu.memref_slice %dma_wait3A_334[%dma_wait3A_335] : memref<800xi32, #tpu.memory_space<vmem>> -> memref<128xi32, #tpu.memory_space<vmem>>
      %dma_wait3A_337 = arith.constant 0 : i32
      %dma_wait3A_338 = arith.constant 0 : i32
      %dma_wait3A_339 = tpu.memref_slice %arg2[%dma_wait3A_337, %dma_wait3A_338] : memref<100000x64xf32, #tpu.memory_space<hbm>> -> memref<100000x64xf32, #tpu.memory_space<hbm>>
      tpu.wait_indirect_dma semaphore(%arg11 : memref<!tpu.dma_semaphore, #tpu.memory_space<semaphore_mem>>) src(%dma_wait3A_339 : memref<100000x64xf32, #tpu.memory_space<hbm>>) dst(%dma_wait3A_331 : memref<128x64xf32, #tpu.memory_space<vmem>>)
      %dma_wait3A_340 = arith.constant 0 : i32
      %dma_wait3A_341 = arith.constant 0 : i32
      %dma_wait3A_342 = arith.constant 0 : i32
      %dma_wait3A_343 = arith.constant 0 : i32
      %dma_wait3A_344 = tpu.memref_slice %arg8[%dma_wait3A_341, %dma_wait3A_342, %dma_wait3A_343] : memref<2x800x64xf32, #tpu.memory_space<vmem>> -> memref<1x800x64xf32, #tpu.memory_space<vmem>>
      %dma_wait3A_345 = tpu.memref_squeeze %dma_wait3A_344 : memref<1x800x64xf32, #tpu.memory_space<vmem>> -> memref<800x64xf32, #tpu.memory_space<vmem>>
      %dma_wait3A_346 = arith.constant 768 : i32
      %dma_wait3A_347 = arith.constant 0 : i32
      %dma_wait3A_348 = tpu.memref_slice %dma_wait3A_345[%dma_wait3A_346, %dma_wait3A_347] : memref<800x64xf32, #tpu.memory_space<vmem>> -> memref<32x64xf32, #tpu.memory_space<vmem>>
      %dma_wait3A_349 = arith.constant 0 : i32
      %dma_wait3A_350 = tpu.memref_slice %arg6[%dma_wait3A_340, %dma_wait3A_349] : memref<2x800xi32, #tpu.memory_space<vmem>> -> memref<1x800xi32, #tpu.memory_space<vmem>>
      %dma_wait3A_351 = tpu.memref_squeeze %dma_wait3A_350 : memref<1x800xi32, #tpu.memory_space<vmem>> -> memref<800xi32, #tpu.memory_space<vmem>>
      %dma_wait3A_352 = arith.constant 768 : i32
      %dma_wait3A_353 = tpu.memref_slice %dma_wait3A_351[%dma_wait3A_352] : memref<800xi32, #tpu.memory_space<vmem>> -> memref<32xi32, #tpu.memory_space<vmem>>
      %dma_wait3A_354 = arith.constant 0 : i32
      %dma_wait3A_355 = arith.constant 0 : i32
      %dma_wait3A_356 = tpu.memref_slice %arg2[%dma_wait3A_354, %dma_wait3A_355] : memref<100000x64xf32, #tpu.memory_space<hbm>> -> memref<100000x64xf32, #tpu.memory_space<hbm>>
      tpu.wait_indirect_dma semaphore(%arg11 : memref<!tpu.dma_semaphore, #tpu.memory_space<semaphore_mem>>) src(%dma_wait3A_356 : memref<100000x64xf32, #tpu.memory_space<hbm>>) dst(%dma_wait3A_348 : memref<32x64xf32, #tpu.memory_space<vmem>>)
      %scan3A_357 = arith.constant 0 : i32
      %scan3A_358 = arith.constant 100 : i32
      %scan3A_359 = arith.addi %scan3A_357, %scan3A_358 : i32
      %scan3A_360 = arith.constant 1 : i32
      scf.for %scan3A_541 = %scan3A_357 to %scan3A_359 step %scan3A_360  : i32 {
        %mul3A_542 = arith.constant 8 : i32
        %mul3A_543 = arith.muli %scan3A_541, %mul3A_542 : i32
        %add3A_544 = arith.constant 0 : i32
        %add3A_545 = arith.addi %add3A_544, %mul3A_543 : i32
        %add3A_546 = arith.constant 0 : i32
        %add3A_547 = arith.addi %add3A_545, %add3A_546 : i32
        %broadcast_in_dim3A_548 = vector.broadcast %add3A_547 : i32 to vector<16xi32>
        %gather3A = arith.constant 0 : i32
        %gather3A_549 = arith.constant 0 : i32
        %gather3A_550 = tpu.memref_slice %arg7[%gather3A, %gather3A_549] : memref<2x800xf32, #tpu.memory_space<vmem>> -> memref<1x800xf32, #tpu.memory_space<vmem>>
        %gather3A_551 = tpu.memref_squeeze %gather3A_550 : memref<1x800xf32, #tpu.memory_space<vmem>> -> memref<800xf32, #tpu.memory_space<vmem>>
        %gather3A_552 = tpu.vector_load_idx %gather3A_551[%broadcast_in_dim3A_548] : memref<800xf32, #tpu.memory_space<vmem>>[vector<16xi32>], vector<16xf32>,
        %add3A_553 = arith.constant 0 : i32
        %add3A_554 = arith.addi %add3A_545, %add3A_553 : i32
        %get3A = arith.constant 0 : i32
        %get3A_555 = arith.index_cast %get3A : i32 to index
        %get3A_556 = arith.index_cast %add3A_554 : i32 to index
        %get3A_557 = arith.constant 0 : index
        %get3A_558 = tpu.vector_load %arg8[%get3A_555, %get3A_556, %get3A_557] {strides = array<i32>} : memref<2x800x64xf32, #tpu.memory_space<vmem>>, vector<16xf32>,
        %mul3A_559 = arith.mulf %get3A_558, %gather3A_552 : vector<16xf32>
        %swap3A = arith.constant 0 : i32
        %swap3A_560 = arith.index_cast %swap3A : i32 to index
        %swap3A_561 = arith.index_cast %add3A_554 : i32 to index
        %swap3A_562 = arith.constant 0 : index
        %swap3A_563 = tpu.vector_load %arg8[%swap3A_560, %swap3A_561, %swap3A_562] {strides = array<i32>} : memref<2x800x64xf32, #tpu.memory_space<vmem>>, vector<16xf32>,
        tpu.vector_store %arg8[%swap3A_560, %swap3A_561, %swap3A_562], %mul3A_559 {strides = array<i32>} : memref<2x800x64xf32, #tpu.memory_space<vmem>>, vector<16xf32>,
        %add3A_564 = arith.constant 0 : i32
        %add3A_565 = arith.addi %add3A_545, %add3A_564 : i32
        %get3A_566 = arith.constant 0 : i32
        %get3A_567 = arith.index_cast %get3A_566 : i32 to index
        %get3A_568 = arith.index_cast %add3A_565 : i32 to index
        %get3A_569 = arith.constant 16 : index
        %get3A_570 = tpu.vector_load %arg8[%get3A_567, %get3A_568, %get3A_569] {strides = array<i32>} : memref<2x800x64xf32, #tpu.memory_space<vmem>>, vector<16xf32>,
        %mul3A_571 = arith.mulf %get3A_570, %gather3A_552 : vector<16xf32>
        %swap3A_572 = arith.constant 0 : i32
        %swap3A_573 = arith.index_cast %swap3A_572 : i32 to index
        %swap3A_574 = arith.index_cast %add3A_565 : i32 to index
        %swap3A_575 = arith.constant 16 : index
        %swap3A_576 = tpu.vector_load %arg8[%swap3A_573, %swap3A_574, %swap3A_575] {strides = array<i32>} : memref<2x800x64xf32, #tpu.memory_space<vmem>>, vector<16xf32>,
        tpu.vector_store %arg8[%swap3A_573, %swap3A_574, %swap3A_575], %mul3A_571 {strides = array<i32>} : memref<2x800x64xf32, #tpu.memory_space<vmem>>, vector<16xf32>,
        %add3A_577 = arith.constant 0 : i32
        %add3A_578 = arith.addi %add3A_545, %add3A_577 : i32
        %get3A_579 = arith.constant 0 : i32
        %get3A_580 = arith.index_cast %get3A_579 : i32 to index
        %get3A_581 = arith.index_cast %add3A_578 : i32 to index
        %get3A_582 = arith.constant 32 : index
        %get3A_583 = tpu.vector_load %arg8[%get3A_580, %get3A_581, %get3A_582] {strides = array<i32>} : memref<2x800x64xf32, #tpu.memory_space<vmem>>, vector<16xf32>,
        %mul3A_584 = arith.mulf %get3A_583, %gather3A_552 : vector<16xf32>
        %swap3A_585 = arith.constant 0 : i32
        %swap3A_586 = arith.index_cast %swap3A_585 : i32 to index
        %swap3A_587 = arith.index_cast %add3A_578 : i32 to index
        %swap3A_588 = arith.constant 32 : index
        %swap3A_589 = tpu.vector_load %arg8[%swap3A_586, %swap3A_587, %swap3A_588] {strides = array<i32>} : memref<2x800x64xf32, #tpu.memory_space<vmem>>, vector<16xf32>,
        tpu.vector_store %arg8[%swap3A_586, %swap3A_587, %swap3A_588], %mul3A_584 {strides = array<i32>} : memref<2x800x64xf32, #tpu.memory_space<vmem>>, vector<16xf32>,
        %add3A_590 = arith.constant 0 : i32
        %add3A_591 = arith.addi %add3A_545, %add3A_590 : i32
        %get3A_592 = arith.constant 0 : i32
        %get3A_593 = arith.index_cast %get3A_592 : i32 to index
        %get3A_594 = arith.index_cast %add3A_591 : i32 to index
        %get3A_595 = arith.constant 48 : index
        %get3A_596 = tpu.vector_load %arg8[%get3A_593, %get3A_594, %get3A_595] {strides = array<i32>} : memref<2x800x64xf32, #tpu.memory_space<vmem>>, vector<16xf32>,
        %mul3A_597 = arith.mulf %get3A_596, %gather3A_552 : vector<16xf32>
        %swap3A_598 = arith.constant 0 : i32
        %swap3A_599 = arith.index_cast %swap3A_598 : i32 to index
        %swap3A_600 = arith.index_cast %add3A_591 : i32 to index
        %swap3A_601 = arith.constant 48 : index
        %swap3A_602 = tpu.vector_load %arg8[%swap3A_599, %swap3A_600, %swap3A_601] {strides = array<i32>} : memref<2x800x64xf32, #tpu.memory_space<vmem>>, vector<16xf32>,
        tpu.vector_store %arg8[%swap3A_599, %swap3A_600, %swap3A_601], %mul3A_597 {strides = array<i32>} : memref<2x800x64xf32, #tpu.memory_space<vmem>>, vector<16xf32>,
        %add3A_603 = arith.constant 1 : i32
        %add3A_604 = arith.addi %add3A_545, %add3A_603 : i32
        %broadcast_in_dim3A_605 = vector.broadcast %add3A_604 : i32 to vector<16xi32>
        %gather3A_606 = arith.constant 0 : i32
        %gather3A_607 = arith.constant 0 : i32
        %gather3A_608 = tpu.memref_slice %arg7[%gather3A_606, %gather3A_607] : memref<2x800xf32, #tpu.memory_space<vmem>> -> memref<1x800xf32, #tpu.memory_space<vmem>>
        %gather3A_609 = tpu.memref_squeeze %gather3A_608 : memref<1x800xf32, #tpu.memory_space<vmem>> -> memref<800xf32, #tpu.memory_space<vmem>>
        %gather3A_610 = tpu.vector_load_idx %gather3A_609[%broadcast_in_dim3A_605] : memref<800xf32, #tpu.memory_space<vmem>>[vector<16xi32>], vector<16xf32>,
        %add3A_611 = arith.constant 1 : i32
        %add3A_612 = arith.addi %add3A_545, %add3A_611 : i32
        %get3A_613 = arith.constant 0 : i32
        %get3A_614 = arith.index_cast %get3A_613 : i32 to index
        %get3A_615 = arith.index_cast %add3A_612 : i32 to index
        %get3A_616 = arith.constant 0 : index
        %get3A_617 = tpu.vector_load %arg8[%get3A_614, %get3A_615, %get3A_616] {strides = array<i32>} : memref<2x800x64xf32, #tpu.memory_space<vmem>>, vector<16xf32>,
        %mul3A_618 = arith.mulf %get3A_617, %gather3A_610 : vector<16xf32>
        %swap3A_619 = arith.constant 0 : i32
        %swap3A_620 = arith.index_cast %swap3A_619 : i32 to index
        %swap3A_621 = arith.index_cast %add3A_612 : i32 to index
        %swap3A_622 = arith.constant 0 : index
        %swap3A_623 = tpu.vector_load %arg8[%swap3A_620, %swap3A_621, %swap3A_622] {strides = array<i32>} : memref<2x800x64xf32, #tpu.memory_space<vmem>>, vector<16xf32>,
        tpu.vector_store %arg8[%swap3A_620, %swap3A_621, %swap3A_622], %mul3A_618 {strides = array<i32>} : memref<2x800x64xf32, #tpu.memory_space<vmem>>, vector<16xf32>,
        %add3A_624 = arith.constant 1 : i32
        %add3A_625 = arith.addi %add3A_545, %add3A_624 : i32
        %get3A_626 = arith.constant 0 : i32
        %get3A_627 = arith.index_cast %get3A_626 : i32 to index
        %get3A_628 = arith.index_cast %add3A_625 : i32 to index
        %get3A_629 = arith.constant 16 : index
        %get3A_630 = tpu.vector_load %arg8[%get3A_627, %get3A_628, %get3A_629] {strides = array<i32>} : memref<2x800x64xf32, #tpu.memory_space<vmem>>, vector<16xf32>,
        %mul3A_631 = arith.mulf %get3A_630, %gather3A_610 : vector<16xf32>
        %swap3A_632 = arith.constant 0 : i32
        %swap3A_633 = arith.index_cast %swap3A_632 : i32 to index
        %swap3A_634 = arith.index_cast %add3A_625 : i32 to index
        %swap3A_635 = arith.constant 16 : index
        %swap3A_636 = tpu.vector_load %arg8[%swap3A_633, %swap3A_634, %swap3A_635] {strides = array<i32>} : memref<2x800x64xf32, #tpu.memory_space<vmem>>, vector<16xf32>,
        tpu.vector_store %arg8[%swap3A_633, %swap3A_634, %swap3A_635], %mul3A_631 {strides = array<i32>} : memref<2x800x64xf32, #tpu.memory_space<vmem>>, vector<16xf32>,
        %add3A_637 = arith.constant 1 : i32
        %add3A_638 = arith.addi %add3A_545, %add3A_637 : i32
        %get3A_639 = arith.constant 0 : i32
        %get3A_640 = arith.index_cast %get3A_639 : i32 to index
        %get3A_641 = arith.index_cast %add3A_638 : i32 to index
        %get3A_642 = arith.constant 32 : index
        %get3A_643 = tpu.vector_load %arg8[%get3A_640, %get3A_641, %get3A_642] {strides = array<i32>} : memref<2x800x64xf32, #tpu.memory_space<vmem>>, vector<16xf32>,
        %mul3A_644 = arith.mulf %get3A_643, %gather3A_610 : vector<16xf32>
        %swap3A_645 = arith.constant 0 : i32
        %swap3A_646 = arith.index_cast %swap3A_645 : i32 to index
        %swap3A_647 = arith.index_cast %add3A_638 : i32 to index
        %swap3A_648 = arith.constant 32 : index
        %swap3A_649 = tpu.vector_load %arg8[%swap3A_646, %swap3A_647, %swap3A_648] {strides = array<i32>} : memref<2x800x64xf32, #tpu.memory_space<vmem>>, vector<16xf32>,
        tpu.vector_store %arg8[%swap3A_646, %swap3A_647, %swap3A_648], %mul3A_644 {strides = array<i32>} : memref<2x800x64xf32, #tpu.memory_space<vmem>>, vector<16xf32>,
        %add3A_650 = arith.constant 1 : i32
        %add3A_651 = arith.addi %add3A_545, %add3A_650 : i32
        %get3A_652 = arith.constant 0 : i32
        %get3A_653 = arith.index_cast %get3A_652 : i32 to index
        %get3A_654 = arith.index_cast %add3A_651 : i32 to index
        %get3A_655 = arith.constant 48 : index
        %get3A_656 = tpu.vector_load %arg8[%get3A_653, %get3A_654, %get3A_655] {strides = array<i32>} : memref<2x800x64xf32, #tpu.memory_space<vmem>>, vector<16xf32>,
        %mul3A_657 = arith.mulf %get3A_656, %gather3A_610 : vector<16xf32>
        %swap3A_658 = arith.constant 0 : i32
        %swap3A_659 = arith.index_cast %swap3A_658 : i32 to index
        %swap3A_660 = arith.index_cast %add3A_651 : i32 to index
        %swap3A_661 = arith.constant 48 : index
        %swap3A_662 = tpu.vector_load %arg8[%swap3A_659, %swap3A_660, %swap3A_661] {strides = array<i32>} : memref<2x800x64xf32, #tpu.memory_space<vmem>>, vector<16xf32>,
        tpu.vector_store %arg8[%swap3A_659, %swap3A_660, %swap3A_661], %mul3A_657 {strides = array<i32>} : memref<2x800x64xf32, #tpu.memory_space<vmem>>, vector<16xf32>,
        %add3A_663 = arith.constant 2 : i32
        %add3A_664 = arith.addi %add3A_545, %add3A_663 : i32
        %broadcast_in_dim3A_665 = vector.broadcast %add3A_664 : i32 to vector<16xi32>
        %gather3A_666 = arith.constant 0 : i32
        %gather3A_667 = arith.constant 0 : i32
        %gather3A_668 = tpu.memref_slice %arg7[%gather3A_666, %gather3A_667] : memref<2x800xf32, #tpu.memory_space<vmem>> -> memref<1x800xf32, #tpu.memory_space<vmem>>
        %gather3A_669 = tpu.memref_squeeze %gather3A_668 : memref<1x800xf32, #tpu.memory_space<vmem>> -> memref<800xf32, #tpu.memory_space<vmem>>
        %gather3A_670 = tpu.vector_load_idx %gather3A_669[%broadcast_in_dim3A_665] : memref<800xf32, #tpu.memory_space<vmem>>[vector<16xi32>], vector<16xf32>,
        %add3A_671 = arith.constant 2 : i32
        %add3A_672 = arith.addi %add3A_545, %add3A_671 : i32
        %get3A_673 = arith.constant 0 : i32
        %get3A_674 = arith.index_cast %get3A_673 : i32 to index
        %get3A_675 = arith.index_cast %add3A_672 : i32 to index
        %get3A_676 = arith.constant 0 : index
        %get3A_677 = tpu.vector_load %arg8[%get3A_674, %get3A_675, %get3A_676] {strides = array<i32>} : memref<2x800x64xf32, #tpu.memory_space<vmem>>, vector<16xf32>,
        %mul3A_678 = arith.mulf %get3A_677, %gather3A_670 : vector<16xf32>
        %swap3A_679 = arith.constant 0 : i32
        %swap3A_680 = arith.index_cast %swap3A_679 : i32 to index
        %swap3A_681 = arith.index_cast %add3A_672 : i32 to index
        %swap3A_682 = arith.constant 0 : index
        %swap3A_683 = tpu.vector_load %arg8[%swap3A_680, %swap3A_681, %swap3A_682] {strides = array<i32>} : memref<2x800x64xf32, #tpu.memory_space<vmem>>, vector<16xf32>,
        tpu.vector_store %arg8[%swap3A_680, %swap3A_681, %swap3A_682], %mul3A_678 {strides = array<i32>} : memref<2x800x64xf32, #tpu.memory_space<vmem>>, vector<16xf32>,
        %add3A_684 = arith.constant 2 : i32
        %add3A_685 = arith.addi %add3A_545, %add3A_684 : i32
        %get3A_686 = arith.constant 0 : i32
        %get3A_687 = arith.index_cast %get3A_686 : i32 to index
        %get3A_688 = arith.index_cast %add3A_685 : i32 to index
        %get3A_689 = arith.constant 16 : index
        %get3A_690 = tpu.vector_load %arg8[%get3A_687, %get3A_688, %get3A_689] {strides = array<i32>} : memref<2x800x64xf32, #tpu.memory_space<vmem>>, vector<16xf32>,
        %mul3A_691 = arith.mulf %get3A_690, %gather3A_670 : vector<16xf32>
        %swap3A_692 = arith.constant 0 : i32
        %swap3A_693 = arith.index_cast %swap3A_692 : i32 to index
        %swap3A_694 = arith.index_cast %add3A_685 : i32 to index
        %swap3A_695 = arith.constant 16 : index
        %swap3A_696 = tpu.vector_load %arg8[%swap3A_693, %swap3A_694, %swap3A_695] {strides = array<i32>} : memref<2x800x64xf32, #tpu.memory_space<vmem>>, vector<16xf32>,
        tpu.vector_store %arg8[%swap3A_693, %swap3A_694, %swap3A_695], %mul3A_691 {strides = array<i32>} : memref<2x800x64xf32, #tpu.memory_space<vmem>>, vector<16xf32>,
        %add3A_697 = arith.constant 2 : i32
        %add3A_698 = arith.addi %add3A_545, %add3A_697 : i32
        %get3A_699 = arith.constant 0 : i32
        %get3A_700 = arith.index_cast %get3A_699 : i32 to index
        %get3A_701 = arith.index_cast %add3A_698 : i32 to index
        %get3A_702 = arith.constant 32 : index
        %get3A_703 = tpu.vector_load %arg8[%get3A_700, %get3A_701, %get3A_702] {strides = array<i32>} : memref<2x800x64xf32, #tpu.memory_space<vmem>>, vector<16xf32>,
        %mul3A_704 = arith.mulf %get3A_703, %gather3A_670 : vector<16xf32>
        %swap3A_705 = arith.constant 0 : i32
        %swap3A_706 = arith.index_cast %swap3A_705 : i32 to index
        %swap3A_707 = arith.index_cast %add3A_698 : i32 to index
        %swap3A_708 = arith.constant 32 : index
        %swap3A_709 = tpu.vector_load %arg8[%swap3A_706, %swap3A_707, %swap3A_708] {strides = array<i32>} : memref<2x800x64xf32, #tpu.memory_space<vmem>>, vector<16xf32>,
        tpu.vector_store %arg8[%swap3A_706, %swap3A_707, %swap3A_708], %mul3A_704 {strides = array<i32>} : memref<2x800x64xf32, #tpu.memory_space<vmem>>, vector<16xf32>,
        %add3A_710 = arith.constant 2 : i32
        %add3A_711 = arith.addi %add3A_545, %add3A_710 : i32
        %get3A_712 = arith.constant 0 : i32
        %get3A_713 = arith.index_cast %get3A_712 : i32 to index
        %get3A_714 = arith.index_cast %add3A_711 : i32 to index
        %get3A_715 = arith.constant 48 : index
        %get3A_716 = tpu.vector_load %arg8[%get3A_713, %get3A_714, %get3A_715] {strides = array<i32>} : memref<2x800x64xf32, #tpu.memory_space<vmem>>, vector<16xf32>,
        %mul3A_717 = arith.mulf %get3A_716, %gather3A_670 : vector<16xf32>
        %swap3A_718 = arith.constant 0 : i32
        %swap3A_719 = arith.index_cast %swap3A_718 : i32 to index
        %swap3A_720 = arith.index_cast %add3A_711 : i32 to index
        %swap3A_721 = arith.constant 48 : index
        %swap3A_722 = tpu.vector_load %arg8[%swap3A_719, %swap3A_720, %swap3A_721] {strides = array<i32>} : memref<2x800x64xf32, #tpu.memory_space<vmem>>, vector<16xf32>,
        tpu.vector_store %arg8[%swap3A_719, %swap3A_720, %swap3A_721], %mul3A_717 {strides = array<i32>} : memref<2x800x64xf32, #tpu.memory_space<vmem>>, vector<16xf32>,
        %add3A_723 = arith.constant 3 : i32
        %add3A_724 = arith.addi %add3A_545, %add3A_723 : i32
        %broadcast_in_dim3A_725 = vector.broadcast %add3A_724 : i32 to vector<16xi32>
        %gather3A_726 = arith.constant 0 : i32
        %gather3A_727 = arith.constant 0 : i32
        %gather3A_728 = tpu.memref_slice %arg7[%gather3A_726, %gather3A_727] : memref<2x800xf32, #tpu.memory_space<vmem>> -> memref<1x800xf32, #tpu.memory_space<vmem>>
        %gather3A_729 = tpu.memref_squeeze %gather3A_728 : memref<1x800xf32, #tpu.memory_space<vmem>> -> memref<800xf32, #tpu.memory_space<vmem>>
        %gather3A_730 = tpu.vector_load_idx %gather3A_729[%broadcast_in_dim3A_725] : memref<800xf32, #tpu.memory_space<vmem>>[vector<16xi32>], vector<16xf32>,
        %add3A_731 = arith.constant 3 : i32
        %add3A_732 = arith.addi %add3A_545, %add3A_731 : i32
        %get3A_733 = arith.constant 0 : i32
        %get3A_734 = arith.index_cast %get3A_733 : i32 to index
        %get3A_735 = arith.index_cast %add3A_732 : i32 to index
        %get3A_736 = arith.constant 0 : index
        %get3A_737 = tpu.vector_load %arg8[%get3A_734, %get3A_735, %get3A_736] {strides = array<i32>} : memref<2x800x64xf32, #tpu.memory_space<vmem>>, vector<16xf32>,
        %mul3A_738 = arith.mulf %get3A_737, %gather3A_730 : vector<16xf32>
        %swap3A_739 = arith.constant 0 : i32
        %swap3A_740 = arith.index_cast %swap3A_739 : i32 to index
        %swap3A_741 = arith.index_cast %add3A_732 : i32 to index
        %swap3A_742 = arith.constant 0 : index
        %swap3A_743 = tpu.vector_load %arg8[%swap3A_740, %swap3A_741, %swap3A_742] {strides = array<i32>} : memref<2x800x64xf32, #tpu.memory_space<vmem>>, vector<16xf32>,
        tpu.vector_store %arg8[%swap3A_740, %swap3A_741, %swap3A_742], %mul3A_738 {strides = array<i32>} : memref<2x800x64xf32, #tpu.memory_space<vmem>>, vector<16xf32>,
        %add3A_744 = arith.constant 3 : i32
        %add3A_745 = arith.addi %add3A_545, %add3A_744 : i32
        %get3A_746 = arith.constant 0 : i32
        %get3A_747 = arith.index_cast %get3A_746 : i32 to index
        %get3A_748 = arith.index_cast %add3A_745 : i32 to index
        %get3A_749 = arith.constant 16 : index
        %get3A_750 = tpu.vector_load %arg8[%get3A_747, %get3A_748, %get3A_749] {strides = array<i32>} : memref<2x800x64xf32, #tpu.memory_space<vmem>>, vector<16xf32>,
        %mul3A_751 = arith.mulf %get3A_750, %gather3A_730 : vector<16xf32>
        %swap3A_752 = arith.constant 0 : i32
        %swap3A_753 = arith.index_cast %swap3A_752 : i32 to index
        %swap3A_754 = arith.index_cast %add3A_745 : i32 to index
        %swap3A_755 = arith.constant 16 : index
        %swap3A_756 = tpu.vector_load %arg8[%swap3A_753, %swap3A_754, %swap3A_755] {strides = array<i32>} : memref<2x800x64xf32, #tpu.memory_space<vmem>>, vector<16xf32>,
        tpu.vector_store %arg8[%swap3A_753, %swap3A_754, %swap3A_755], %mul3A_751 {strides = array<i32>} : memref<2x800x64xf32, #tpu.memory_space<vmem>>, vector<16xf32>,
        %add3A_757 = arith.constant 3 : i32
        %add3A_758 = arith.addi %add3A_545, %add3A_757 : i32
        %get3A_759 = arith.constant 0 : i32
        %get3A_760 = arith.index_cast %get3A_759 : i32 to index
        %get3A_761 = arith.index_cast %add3A_758 : i32 to index
        %get3A_762 = arith.constant 32 : index
        %get3A_763 = tpu.vector_load %arg8[%get3A_760, %get3A_761, %get3A_762] {strides = array<i32>} : memref<2x800x64xf32, #tpu.memory_space<vmem>>, vector<16xf32>,
        %mul3A_764 = arith.mulf %get3A_763, %gather3A_730 : vector<16xf32>
        %swap3A_765 = arith.constant 0 : i32
        %swap3A_766 = arith.index_cast %swap3A_765 : i32 to index
        %swap3A_767 = arith.index_cast %add3A_758 : i32 to index
        %swap3A_768 = arith.constant 32 : index
        %swap3A_769 = tpu.vector_load %arg8[%swap3A_766, %swap3A_767, %swap3A_768] {strides = array<i32>} : memref<2x800x64xf32, #tpu.memory_space<vmem>>, vector<16xf32>,
        tpu.vector_store %arg8[%swap3A_766, %swap3A_767, %swap3A_768], %mul3A_764 {strides = array<i32>} : memref<2x800x64xf32, #tpu.memory_space<vmem>>, vector<16xf32>,
        %add3A_770 = arith.constant 3 : i32
        %add3A_771 = arith.addi %add3A_545, %add3A_770 : i32
        %get3A_772 = arith.constant 0 : i32
        %get3A_773 = arith.index_cast %get3A_772 : i32 to index
        %get3A_774 = arith.index_cast %add3A_771 : i32 to index
        %get3A_775 = arith.constant 48 : index
        %get3A_776 = tpu.vector_load %arg8[%get3A_773, %get3A_774, %get3A_775] {strides = array<i32>} : memref<2x800x64xf32, #tpu.memory_space<vmem>>, vector<16xf32>,
        %mul3A_777 = arith.mulf %get3A_776, %gather3A_730 : vector<16xf32>
        %swap3A_778 = arith.constant 0 : i32
        %swap3A_779 = arith.index_cast %swap3A_778 : i32 to index
        %swap3A_780 = arith.index_cast %add3A_771 : i32 to index
        %swap3A_781 = arith.constant 48 : index
        %swap3A_782 = tpu.vector_load %arg8[%swap3A_779, %swap3A_780, %swap3A_781] {strides = array<i32>} : memref<2x800x64xf32, #tpu.memory_space<vmem>>, vector<16xf32>,
        tpu.vector_store %arg8[%swap3A_779, %swap3A_780, %swap3A_781], %mul3A_777 {strides = array<i32>} : memref<2x800x64xf32, #tpu.memory_space<vmem>>, vector<16xf32>,
        %add3A_783 = arith.constant 4 : i32
        %add3A_784 = arith.addi %add3A_545, %add3A_783 : i32
        %broadcast_in_dim3A_785 = vector.broadcast %add3A_784 : i32 to vector<16xi32>
        %gather3A_786 = arith.constant 0 : i32
        %gather3A_787 = arith.constant 0 : i32
        %gather3A_788 = tpu.memref_slice %arg7[%gather3A_786, %gather3A_787] : memref<2x800xf32, #tpu.memory_space<vmem>> -> memref<1x800xf32, #tpu.memory_space<vmem>>
        %gather3A_789 = tpu.memref_squeeze %gather3A_788 : memref<1x800xf32, #tpu.memory_space<vmem>> -> memref<800xf32, #tpu.memory_space<vmem>>
        %gather3A_790 = tpu.vector_load_idx %gather3A_789[%broadcast_in_dim3A_785] : memref<800xf32, #tpu.memory_space<vmem>>[vector<16xi32>], vector<16xf32>,
        %add3A_791 = arith.constant 4 : i32
        %add3A_792 = arith.addi %add3A_545, %add3A_791 : i32
        %get3A_793 = arith.constant 0 : i32
        %get3A_794 = arith.index_cast %get3A_793 : i32 to index
        %get3A_795 = arith.index_cast %add3A_792 : i32 to index
        %get3A_796 = arith.constant 0 : index
        %get3A_797 = tpu.vector_load %arg8[%get3A_794, %get3A_795, %get3A_796] {strides = array<i32>} : memref<2x800x64xf32, #tpu.memory_space<vmem>>, vector<16xf32>,
        %mul3A_798 = arith.mulf %get3A_797, %gather3A_790 : vector<16xf32>
        %swap3A_799 = arith.constant 0 : i32
        %swap3A_800 = arith.index_cast %swap3A_799 : i32 to index
        %swap3A_801 = arith.index_cast %add3A_792 : i32 to index
        %swap3A_802 = arith.constant 0 : index
        %swap3A_803 = tpu.vector_load %arg8[%swap3A_800, %swap3A_801, %swap3A_802] {strides = array<i32>} : memref<2x800x64xf32, #tpu.memory_space<vmem>>, vector<16xf32>,
        tpu.vector_store %arg8[%swap3A_800, %swap3A_801, %swap3A_802], %mul3A_798 {strides = array<i32>} : memref<2x800x64xf32, #tpu.memory_space<vmem>>, vector<16xf32>,
        %add3A_804 = arith.constant 4 : i32
        %add3A_805 = arith.addi %add3A_545, %add3A_804 : i32
        %get3A_806 = arith.constant 0 : i32
        %get3A_807 = arith.index_cast %get3A_806 : i32 to index
        %get3A_808 = arith.index_cast %add3A_805 : i32 to index
        %get3A_809 = arith.constant 16 : index
        %get3A_810 = tpu.vector_load %arg8[%get3A_807, %get3A_808, %get3A_809] {strides = array<i32>} : memref<2x800x64xf32, #tpu.memory_space<vmem>>, vector<16xf32>,
        %mul3A_811 = arith.mulf %get3A_810, %gather3A_790 : vector<16xf32>
        %swap3A_812 = arith.constant 0 : i32
        %swap3A_813 = arith.index_cast %swap3A_812 : i32 to index
        %swap3A_814 = arith.index_cast %add3A_805 : i32 to index
        %swap3A_815 = arith.constant 16 : index
        %swap3A_816 = tpu.vector_load %arg8[%swap3A_813, %swap3A_814, %swap3A_815] {strides = array<i32>} : memref<2x800x64xf32, #tpu.memory_space<vmem>>, vector<16xf32>,
        tpu.vector_store %arg8[%swap3A_813, %swap3A_814, %swap3A_815], %mul3A_811 {strides = array<i32>} : memref<2x800x64xf32, #tpu.memory_space<vmem>>, vector<16xf32>,
        %add3A_817 = arith.constant 4 : i32
        %add3A_818 = arith.addi %add3A_545, %add3A_817 : i32
        %get3A_819 = arith.constant 0 : i32
        %get3A_820 = arith.index_cast %get3A_819 : i32 to index
        %get3A_821 = arith.index_cast %add3A_818 : i32 to index
        %get3A_822 = arith.constant 32 : index
        %get3A_823 = tpu.vector_load %arg8[%get3A_820, %get3A_821, %get3A_822] {strides = array<i32>} : memref<2x800x64xf32, #tpu.memory_space<vmem>>, vector<16xf32>,
        %mul3A_824 = arith.mulf %get3A_823, %gather3A_790 : vector<16xf32>
        %swap3A_825 = arith.constant 0 : i32
        %swap3A_826 = arith.index_cast %swap3A_825 : i32 to index
        %swap3A_827 = arith.index_cast %add3A_818 : i32 to index
        %swap3A_828 = arith.constant 32 : index
        %swap3A_829 = tpu.vector_load %arg8[%swap3A_826, %swap3A_827, %swap3A_828] {strides = array<i32>} : memref<2x800x64xf32, #tpu.memory_space<vmem>>, vector<16xf32>,
        tpu.vector_store %arg8[%swap3A_826, %swap3A_827, %swap3A_828], %mul3A_824 {strides = array<i32>} : memref<2x800x64xf32, #tpu.memory_space<vmem>>, vector<16xf32>,
        %add3A_830 = arith.constant 4 : i32
        %add3A_831 = arith.addi %add3A_545, %add3A_830 : i32
        %get3A_832 = arith.constant 0 : i32
        %get3A_833 = arith.index_cast %get3A_832 : i32 to index
        %get3A_834 = arith.index_cast %add3A_831 : i32 to index
        %get3A_835 = arith.constant 48 : index
        %get3A_836 = tpu.vector_load %arg8[%get3A_833, %get3A_834, %get3A_835] {strides = array<i32>} : memref<2x800x64xf32, #tpu.memory_space<vmem>>, vector<16xf32>,
        %mul3A_837 = arith.mulf %get3A_836, %gather3A_790 : vector<16xf32>
        %swap3A_838 = arith.constant 0 : i32
        %swap3A_839 = arith.index_cast %swap3A_838 : i32 to index
        %swap3A_840 = arith.index_cast %add3A_831 : i32 to index
        %swap3A_841 = arith.constant 48 : index
        %swap3A_842 = tpu.vector_load %arg8[%swap3A_839, %swap3A_840, %swap3A_841] {strides = array<i32>} : memref<2x800x64xf32, #tpu.memory_space<vmem>>, vector<16xf32>,
        tpu.vector_store %arg8[%swap3A_839, %swap3A_840, %swap3A_841], %mul3A_837 {strides = array<i32>} : memref<2x800x64xf32, #tpu.memory_space<vmem>>, vector<16xf32>,
        %add3A_843 = arith.constant 5 : i32
        %add3A_844 = arith.addi %add3A_545, %add3A_843 : i32
        %broadcast_in_dim3A_845 = vector.broadcast %add3A_844 : i32 to vector<16xi32>
        %gather3A_846 = arith.constant 0 : i32
        %gather3A_847 = arith.constant 0 : i32
        %gather3A_848 = tpu.memref_slice %arg7[%gather3A_846, %gather3A_847] : memref<2x800xf32, #tpu.memory_space<vmem>> -> memref<1x800xf32, #tpu.memory_space<vmem>>
        %gather3A_849 = tpu.memref_squeeze %gather3A_848 : memref<1x800xf32, #tpu.memory_space<vmem>> -> memref<800xf32, #tpu.memory_space<vmem>>
        %gather3A_850 = tpu.vector_load_idx %gather3A_849[%broadcast_in_dim3A_845] : memref<800xf32, #tpu.memory_space<vmem>>[vector<16xi32>], vector<16xf32>,
        %add3A_851 = arith.constant 5 : i32
        %add3A_852 = arith.addi %add3A_545, %add3A_851 : i32
        %get3A_853 = arith.constant 0 : i32
        %get3A_854 = arith.index_cast %get3A_853 : i32 to index
        %get3A_855 = arith.index_cast %add3A_852 : i32 to index
        %get3A_856 = arith.constant 0 : index
        %get3A_857 = tpu.vector_load %arg8[%get3A_854, %get3A_855, %get3A_856] {strides = array<i32>} : memref<2x800x64xf32, #tpu.memory_space<vmem>>, vector<16xf32>,
        %mul3A_858 = arith.mulf %get3A_857, %gather3A_850 : vector<16xf32>
        %swap3A_859 = arith.constant 0 : i32
        %swap3A_860 = arith.index_cast %swap3A_859 : i32 to index
        %swap3A_861 = arith.index_cast %add3A_852 : i32 to index
        %swap3A_862 = arith.constant 0 : index
        %swap3A_863 = tpu.vector_load %arg8[%swap3A_860, %swap3A_861, %swap3A_862] {strides = array<i32>} : memref<2x800x64xf32, #tpu.memory_space<vmem>>, vector<16xf32>,
        tpu.vector_store %arg8[%swap3A_860, %swap3A_861, %swap3A_862], %mul3A_858 {strides = array<i32>} : memref<2x800x64xf32, #tpu.memory_space<vmem>>, vector<16xf32>,
        %add3A_864 = arith.constant 5 : i32
        %add3A_865 = arith.addi %add3A_545, %add3A_864 : i32
        %get3A_866 = arith.constant 0 : i32
        %get3A_867 = arith.index_cast %get3A_866 : i32 to index
        %get3A_868 = arith.index_cast %add3A_865 : i32 to index
        %get3A_869 = arith.constant 16 : index
        %get3A_870 = tpu.vector_load %arg8[%get3A_867, %get3A_868, %get3A_869] {strides = array<i32>} : memref<2x800x64xf32, #tpu.memory_space<vmem>>, vector<16xf32>,
        %mul3A_871 = arith.mulf %get3A_870, %gather3A_850 : vector<16xf32>
        %swap3A_872 = arith.constant 0 : i32
        %swap3A_873 = arith.index_cast %swap3A_872 : i32 to index
        %swap3A_874 = arith.index_cast %add3A_865 : i32 to index
        %swap3A_875 = arith.constant 16 : index
        %swap3A_876 = tpu.vector_load %arg8[%swap3A_873, %swap3A_874, %swap3A_875] {strides = array<i32>} : memref<2x800x64xf32, #tpu.memory_space<vmem>>, vector<16xf32>,
        tpu.vector_store %arg8[%swap3A_873, %swap3A_874, %swap3A_875], %mul3A_871 {strides = array<i32>} : memref<2x800x64xf32, #tpu.memory_space<vmem>>, vector<16xf32>,
        %add3A_877 = arith.constant 5 : i32
        %add3A_878 = arith.addi %add3A_545, %add3A_877 : i32
        %get3A_879 = arith.constant 0 : i32
        %get3A_880 = arith.index_cast %get3A_879 : i32 to index
        %get3A_881 = arith.index_cast %add3A_878 : i32 to index
        %get3A_882 = arith.constant 32 : index
        %get3A_883 = tpu.vector_load %arg8[%get3A_880, %get3A_881, %get3A_882] {strides = array<i32>} : memref<2x800x64xf32, #tpu.memory_space<vmem>>, vector<16xf32>,
        %mul3A_884 = arith.mulf %get3A_883, %gather3A_850 : vector<16xf32>
        %swap3A_885 = arith.constant 0 : i32
        %swap3A_886 = arith.index_cast %swap3A_885 : i32 to index
        %swap3A_887 = arith.index_cast %add3A_878 : i32 to index
        %swap3A_888 = arith.constant 32 : index
        %swap3A_889 = tpu.vector_load %arg8[%swap3A_886, %swap3A_887, %swap3A_888] {strides = array<i32>} : memref<2x800x64xf32, #tpu.memory_space<vmem>>, vector<16xf32>,
        tpu.vector_store %arg8[%swap3A_886, %swap3A_887, %swap3A_888], %mul3A_884 {strides = array<i32>} : memref<2x800x64xf32, #tpu.memory_space<vmem>>, vector<16xf32>,
        %add3A_890 = arith.constant 5 : i32
        %add3A_891 = arith.addi %add3A_545, %add3A_890 : i32
        %get3A_892 = arith.constant 0 : i32
        %get3A_893 = arith.index_cast %get3A_892 : i32 to index
        %get3A_894 = arith.index_cast %add3A_891 : i32 to index
        %get3A_895 = arith.constant 48 : index
        %get3A_896 = tpu.vector_load %arg8[%get3A_893, %get3A_894, %get3A_895] {strides = array<i32>} : memref<2x800x64xf32, #tpu.memory_space<vmem>>, vector<16xf32>,
        %mul3A_897 = arith.mulf %get3A_896, %gather3A_850 : vector<16xf32>
        %swap3A_898 = arith.constant 0 : i32
        %swap3A_899 = arith.index_cast %swap3A_898 : i32 to index
        %swap3A_900 = arith.index_cast %add3A_891 : i32 to index
        %swap3A_901 = arith.constant 48 : index
        %swap3A_902 = tpu.vector_load %arg8[%swap3A_899, %swap3A_900, %swap3A_901] {strides = array<i32>} : memref<2x800x64xf32, #tpu.memory_space<vmem>>, vector<16xf32>,
        tpu.vector_store %arg8[%swap3A_899, %swap3A_900, %swap3A_901], %mul3A_897 {strides = array<i32>} : memref<2x800x64xf32, #tpu.memory_space<vmem>>, vector<16xf32>,
        %add3A_903 = arith.constant 6 : i32
        %add3A_904 = arith.addi %add3A_545, %add3A_903 : i32
        %broadcast_in_dim3A_905 = vector.broadcast %add3A_904 : i32 to vector<16xi32>
        %gather3A_906 = arith.constant 0 : i32
        %gather3A_907 = arith.constant 0 : i32
        %gather3A_908 = tpu.memref_slice %arg7[%gather3A_906, %gather3A_907] : memref<2x800xf32, #tpu.memory_space<vmem>> -> memref<1x800xf32, #tpu.memory_space<vmem>>
        %gather3A_909 = tpu.memref_squeeze %gather3A_908 : memref<1x800xf32, #tpu.memory_space<vmem>> -> memref<800xf32, #tpu.memory_space<vmem>>
        %gather3A_910 = tpu.vector_load_idx %gather3A_909[%broadcast_in_dim3A_905] : memref<800xf32, #tpu.memory_space<vmem>>[vector<16xi32>], vector<16xf32>,
        %add3A_911 = arith.constant 6 : i32
        %add3A_912 = arith.addi %add3A_545, %add3A_911 : i32
        %get3A_913 = arith.constant 0 : i32
        %get3A_914 = arith.index_cast %get3A_913 : i32 to index
        %get3A_915 = arith.index_cast %add3A_912 : i32 to index
        %get3A_916 = arith.constant 0 : index
        %get3A_917 = tpu.vector_load %arg8[%get3A_914, %get3A_915, %get3A_916] {strides = array<i32>} : memref<2x800x64xf32, #tpu.memory_space<vmem>>, vector<16xf32>,
        %mul3A_918 = arith.mulf %get3A_917, %gather3A_910 : vector<16xf32>
        %swap3A_919 = arith.constant 0 : i32
        %swap3A_920 = arith.index_cast %swap3A_919 : i32 to index
        %swap3A_921 = arith.index_cast %add3A_912 : i32 to index
        %swap3A_922 = arith.constant 0 : index
        %swap3A_923 = tpu.vector_load %arg8[%swap3A_920, %swap3A_921, %swap3A_922] {strides = array<i32>} : memref<2x800x64xf32, #tpu.memory_space<vmem>>, vector<16xf32>,
        tpu.vector_store %arg8[%swap3A_920, %swap3A_921, %swap3A_922], %mul3A_918 {strides = array<i32>} : memref<2x800x64xf32, #tpu.memory_space<vmem>>, vector<16xf32>,
        %add3A_924 = arith.constant 6 : i32
        %add3A_925 = arith.addi %add3A_545, %add3A_924 : i32
        %get3A_926 = arith.constant 0 : i32
        %get3A_927 = arith.index_cast %get3A_926 : i32 to index
        %get3A_928 = arith.index_cast %add3A_925 : i32 to index
        %get3A_929 = arith.constant 16 : index
        %get3A_930 = tpu.vector_load %arg8[%get3A_927, %get3A_928, %get3A_929] {strides = array<i32>} : memref<2x800x64xf32, #tpu.memory_space<vmem>>, vector<16xf32>,
        %mul3A_931 = arith.mulf %get3A_930, %gather3A_910 : vector<16xf32>
        %swap3A_932 = arith.constant 0 : i32
        %swap3A_933 = arith.index_cast %swap3A_932 : i32 to index
        %swap3A_934 = arith.index_cast %add3A_925 : i32 to index
        %swap3A_935 = arith.constant 16 : index
        %swap3A_936 = tpu.vector_load %arg8[%swap3A_933, %swap3A_934, %swap3A_935] {strides = array<i32>} : memref<2x800x64xf32, #tpu.memory_space<vmem>>, vector<16xf32>,
        tpu.vector_store %arg8[%swap3A_933, %swap3A_934, %swap3A_935], %mul3A_931 {strides = array<i32>} : memref<2x800x64xf32, #tpu.memory_space<vmem>>, vector<16xf32>,
        %add3A_937 = arith.constant 6 : i32
        %add3A_938 = arith.addi %add3A_545, %add3A_937 : i32
        %get3A_939 = arith.constant 0 : i32
        %get3A_940 = arith.index_cast %get3A_939 : i32 to index
        %get3A_941 = arith.index_cast %add3A_938 : i32 to index
        %get3A_942 = arith.constant 32 : index
        %get3A_943 = tpu.vector_load %arg8[%get3A_940, %get3A_941, %get3A_942] {strides = array<i32>} : memref<2x800x64xf32, #tpu.memory_space<vmem>>, vector<16xf32>,
        %mul3A_944 = arith.mulf %get3A_943, %gather3A_910 : vector<16xf32>
        %swap3A_945 = arith.constant 0 : i32
        %swap3A_946 = arith.index_cast %swap3A_945 : i32 to index
        %swap3A_947 = arith.index_cast %add3A_938 : i32 to index
        %swap3A_948 = arith.constant 32 : index
        %swap3A_949 = tpu.vector_load %arg8[%swap3A_946, %swap3A_947, %swap3A_948] {strides = array<i32>} : memref<2x800x64xf32, #tpu.memory_space<vmem>>, vector<16xf32>,
        tpu.vector_store %arg8[%swap3A_946, %swap3A_947, %swap3A_948], %mul3A_944 {strides = array<i32>} : memref<2x800x64xf32, #tpu.memory_space<vmem>>, vector<16xf32>,
        %add3A_950 = arith.constant 6 : i32
        %add3A_951 = arith.addi %add3A_545, %add3A_950 : i32
        %get3A_952 = arith.constant 0 : i32
        %get3A_953 = arith.index_cast %get3A_952 : i32 to index
        %get3A_954 = arith.index_cast %add3A_951 : i32 to index
        %get3A_955 = arith.constant 48 : index
        %get3A_956 = tpu.vector_load %arg8[%get3A_953, %get3A_954, %get3A_955] {strides = array<i32>} : memref<2x800x64xf32, #tpu.memory_space<vmem>>, vector<16xf32>,
        %mul3A_957 = arith.mulf %get3A_956, %gather3A_910 : vector<16xf32>
        %swap3A_958 = arith.constant 0 : i32
        %swap3A_959 = arith.index_cast %swap3A_958 : i32 to index
        %swap3A_960 = arith.index_cast %add3A_951 : i32 to index
        %swap3A_961 = arith.constant 48 : index
        %swap3A_962 = tpu.vector_load %arg8[%swap3A_959, %swap3A_960, %swap3A_961] {strides = array<i32>} : memref<2x800x64xf32, #tpu.memory_space<vmem>>, vector<16xf32>,
        tpu.vector_store %arg8[%swap3A_959, %swap3A_960, %swap3A_961], %mul3A_957 {strides = array<i32>} : memref<2x800x64xf32, #tpu.memory_space<vmem>>, vector<16xf32>,
        %add3A_963 = arith.constant 7 : i32
        %add3A_964 = arith.addi %add3A_545, %add3A_963 : i32
        %broadcast_in_dim3A_965 = vector.broadcast %add3A_964 : i32 to vector<16xi32>
        %gather3A_966 = arith.constant 0 : i32
        %gather3A_967 = arith.constant 0 : i32
        %gather3A_968 = tpu.memref_slice %arg7[%gather3A_966, %gather3A_967] : memref<2x800xf32, #tpu.memory_space<vmem>> -> memref<1x800xf32, #tpu.memory_space<vmem>>
        %gather3A_969 = tpu.memref_squeeze %gather3A_968 : memref<1x800xf32, #tpu.memory_space<vmem>> -> memref<800xf32, #tpu.memory_space<vmem>>
        %gather3A_970 = tpu.vector_load_idx %gather3A_969[%broadcast_in_dim3A_965] : memref<800xf32, #tpu.memory_space<vmem>>[vector<16xi32>], vector<16xf32>,
        %add3A_971 = arith.constant 7 : i32
        %add3A_972 = arith.addi %add3A_545, %add3A_971 : i32
        %get3A_973 = arith.constant 0 : i32
        %get3A_974 = arith.index_cast %get3A_973 : i32 to index
        %get3A_975 = arith.index_cast %add3A_972 : i32 to index
        %get3A_976 = arith.constant 0 : index
        %get3A_977 = tpu.vector_load %arg8[%get3A_974, %get3A_975, %get3A_976] {strides = array<i32>} : memref<2x800x64xf32, #tpu.memory_space<vmem>>, vector<16xf32>,
        %mul3A_978 = arith.mulf %get3A_977, %gather3A_970 : vector<16xf32>
        %swap3A_979 = arith.constant 0 : i32
        %swap3A_980 = arith.index_cast %swap3A_979 : i32 to index
        %swap3A_981 = arith.index_cast %add3A_972 : i32 to index
        %swap3A_982 = arith.constant 0 : index
        %swap3A_983 = tpu.vector_load %arg8[%swap3A_980, %swap3A_981, %swap3A_982] {strides = array<i32>} : memref<2x800x64xf32, #tpu.memory_space<vmem>>, vector<16xf32>,
        tpu.vector_store %arg8[%swap3A_980, %swap3A_981, %swap3A_982], %mul3A_978 {strides = array<i32>} : memref<2x800x64xf32, #tpu.memory_space<vmem>>, vector<16xf32>,
        %add3A_984 = arith.constant 7 : i32
        %add3A_985 = arith.addi %add3A_545, %add3A_984 : i32
        %get3A_986 = arith.constant 0 : i32
        %get3A_987 = arith.index_cast %get3A_986 : i32 to index
        %get3A_988 = arith.index_cast %add3A_985 : i32 to index
        %get3A_989 = arith.constant 16 : index
        %get3A_990 = tpu.vector_load %arg8[%get3A_987, %get3A_988, %get3A_989] {strides = array<i32>} : memref<2x800x64xf32, #tpu.memory_space<vmem>>, vector<16xf32>,
        %mul3A_991 = arith.mulf %get3A_990, %gather3A_970 : vector<16xf32>
        %swap3A_992 = arith.constant 0 : i32
        %swap3A_993 = arith.index_cast %swap3A_992 : i32 to index
        %swap3A_994 = arith.index_cast %add3A_985 : i32 to index
        %swap3A_995 = arith.constant 16 : index
        %swap3A_996 = tpu.vector_load %arg8[%swap3A_993, %swap3A_994, %swap3A_995] {strides = array<i32>} : memref<2x800x64xf32, #tpu.memory_space<vmem>>, vector<16xf32>,
        tpu.vector_store %arg8[%swap3A_993, %swap3A_994, %swap3A_995], %mul3A_991 {strides = array<i32>} : memref<2x800x64xf32, #tpu.memory_space<vmem>>, vector<16xf32>,
        %add3A_997 = arith.constant 7 : i32
        %add3A_998 = arith.addi %add3A_545, %add3A_997 : i32
        %get3A_999 = arith.constant 0 : i32
        %get3A_1000 = arith.index_cast %get3A_999 : i32 to index
        %get3A_1001 = arith.index_cast %add3A_998 : i32 to index
        %get3A_1002 = arith.constant 32 : index
        %get3A_1003 = tpu.vector_load %arg8[%get3A_1000, %get3A_1001, %get3A_1002] {strides = array<i32>} : memref<2x800x64xf32, #tpu.memory_space<vmem>>, vector<16xf32>,
        %mul3A_1004 = arith.mulf %get3A_1003, %gather3A_970 : vector<16xf32>
        %swap3A_1005 = arith.constant 0 : i32
        %swap3A_1006 = arith.index_cast %swap3A_1005 : i32 to index
        %swap3A_1007 = arith.index_cast %add3A_998 : i32 to index
        %swap3A_1008 = arith.constant 32 : index
        %swap3A_1009 = tpu.vector_load %arg8[%swap3A_1006, %swap3A_1007, %swap3A_1008] {strides = array<i32>} : memref<2x800x64xf32, #tpu.memory_space<vmem>>, vector<16xf32>,
        tpu.vector_store %arg8[%swap3A_1006, %swap3A_1007, %swap3A_1008], %mul3A_1004 {strides = array<i32>} : memref<2x800x64xf32, #tpu.memory_space<vmem>>, vector<16xf32>,
        %add3A_1010 = arith.constant 7 : i32
        %add3A_1011 = arith.addi %add3A_545, %add3A_1010 : i32
        %get3A_1012 = arith.constant 0 : i32
        %get3A_1013 = arith.index_cast %get3A_1012 : i32 to index
        %get3A_1014 = arith.index_cast %add3A_1011 : i32 to index
        %get3A_1015 = arith.constant 48 : index
        %get3A_1016 = tpu.vector_load %arg8[%get3A_1013, %get3A_1014, %get3A_1015] {strides = array<i32>} : memref<2x800x64xf32, #tpu.memory_space<vmem>>, vector<16xf32>,
        %mul3A_1017 = arith.mulf %get3A_1016, %gather3A_970 : vector<16xf32>
        %swap3A_1018 = arith.constant 0 : i32
        %swap3A_1019 = arith.index_cast %swap3A_1018 : i32 to index
        %swap3A_1020 = arith.index_cast %add3A_1011 : i32 to index
        %swap3A_1021 = arith.constant 48 : index
        %swap3A_1022 = tpu.vector_load %arg8[%swap3A_1019, %swap3A_1020, %swap3A_1021] {strides = array<i32>} : memref<2x800x64xf32, #tpu.memory_space<vmem>>, vector<16xf32>,
        tpu.vector_store %arg8[%swap3A_1019, %swap3A_1020, %swap3A_1021], %mul3A_1017 {strides = array<i32>} : memref<2x800x64xf32, #tpu.memory_space<vmem>>, vector<16xf32>,
      }
      %scan3A_361 = arith.constant 100 : i32
      %mul3A_362 = arith.constant 800 : i32
      %mul3A_363 = arith.muli %add3A_233, %mul3A_362 : i32
      %add3A_364 = arith.addi %mul3A_2, %mul3A_363 : i32
      %dma_start3A_365 = arith.constant 0 : i32
      %dma_start3A_366 = arith.constant 0 : i32
      %dma_start3A_367 = arith.constant 0 : i32
      %dma_start3A_368 = tpu.memref_slice %arg8[%dma_start3A_365, %dma_start3A_366, %dma_start3A_367] : memref<2x800x64xf32, #tpu.memory_space<vmem>> -> memref<1x800x64xf32, #tpu.memory_space<vmem>>
      %dma_start3A_369 = tpu.memref_squeeze %dma_start3A_368 : memref<1x800x64xf32, #tpu.memory_space<vmem>> -> memref<800x64xf32, #tpu.memory_space<vmem>>
      %dma_start3A_370 = arith.constant 0 : i32
      %dma_start3A_371 = tpu.memref_slice %arg5[%add3A_364, %dma_start3A_370] : memref<819200x128xf32, #tpu.memory_space<hbm>> -> memref<800x64xf32, #tpu.memory_space<hbm>>
      %dma_start3A_372 = arith.constant 0 : i32
      %dma_start3A_373 = tpu.memref_slice %arg5[%add3A_364, %dma_start3A_372] : memref<819200x128xf32, #tpu.memory_space<hbm>> -> memref<800x64xf32, #tpu.memory_space<hbm>>
      %dma_start3A_374 = arith.constant 0 : i32
      %dma_start3A_375 = arith.constant 0 : i32
      %dma_start3A_376 = tpu.memref_slice %arg8[%dma_start3A_365, %dma_start3A_374, %dma_start3A_375] : memref<2x800x64xf32, #tpu.memory_space<vmem>> -> memref<1x800x64xf32, #tpu.memory_space<vmem>>
      %dma_start3A_377 = tpu.memref_squeeze %dma_start3A_376 : memref<1x800x64xf32, #tpu.memory_space<vmem>> -> memref<800x64xf32, #tpu.memory_space<vmem>>
      tpu.enqueue_dma source(%dma_start3A_377 : memref<800x64xf32, #tpu.memory_space<vmem>>) target(%dma_start3A_373 : memref<800x64xf32, #tpu.memory_space<hbm>>) target_semaphore(%arg13 : memref<!tpu.dma_semaphore, #tpu.memory_space<semaphore_mem>>)
      %add3A_378 = arith.constant 2 : i32
      %add3A_379 = arith.addi %add3A_233, %add3A_378 : i32
      %lt3A_380 = arith.constant 32 : i32
      %lt3A_381 = arith.cmpi slt, %add3A_379, %lt3A_380 : i32
      %convert_element_type3A_382 = arith.extui %lt3A_381 : i1 to i32
      %cond3A_383 = arith.constant 0 : i32
      %cond3A_384 = arith.cmpi ne, %convert_element_type3A_382, %cond3A_383 : i32
      scf.if %cond3A_384 {
        %add3A_541 = arith.constant 2 : i32
        %add3A_542 = arith.addi %add3A_233, %add3A_541 : i32
        %mul3A_543 = arith.constant 800 : i32
        %mul3A_544 = arith.muli %add3A_542, %mul3A_543 : i32
        %add3A_545 = arith.addi %mul3A_2, %mul3A_544 : i32
        %dma_start3A_546 = arith.constant 0 : i32
        %dma_start3A_547 = arith.constant 0 : i32
        %dma_start3A_548 = arith.constant 0 : i32
        %dma_start3A_549 = tpu.memref_slice %arg6[%dma_start3A_547, %dma_start3A_548] : memref<2x800xi32, #tpu.memory_space<vmem>> -> memref<1x800xi32, #tpu.memory_space<vmem>>
        %dma_start3A_550 = tpu.memref_squeeze %dma_start3A_549 : memref<1x800xi32, #tpu.memory_space<vmem>> -> memref<800xi32, #tpu.memory_space<vmem>>
        %dma_start3A_551 = tpu.memref_slice %arg3[%dma_start3A_546, %add3A_545] : memref<1x819200xi32, #tpu.memory_space<hbm>> -> memref<1x800xi32, #tpu.memory_space<hbm>>
        %dma_start3A_552 = tpu.memref_squeeze %dma_start3A_551 : memref<1x800xi32, #tpu.memory_space<hbm>> -> memref<800xi32, #tpu.memory_space<hbm>>
        %dma_start3A_553 = arith.constant 0 : i32
        %dma_start3A_554 = tpu.memref_slice %arg6[%dma_start3A_547, %dma_start3A_553] : memref<2x800xi32, #tpu.memory_space<vmem>> -> memref<1x800xi32, #tpu.memory_space<vmem>>
        %dma_start3A_555 = tpu.memref_squeeze %dma_start3A_554 : memref<1x800xi32, #tpu.memory_space<vmem>> -> memref<800xi32, #tpu.memory_space<vmem>>
        %dma_start3A_556 = tpu.memref_slice %arg3[%dma_start3A_546, %add3A_545] : memref<1x819200xi32, #tpu.memory_space<hbm>> -> memref<1x800xi32, #tpu.memory_space<hbm>>
        %dma_start3A_557 = tpu.memref_squeeze %dma_start3A_556 : memref<1x800xi32, #tpu.memory_space<hbm>> -> memref<800xi32, #tpu.memory_space<hbm>>
        tpu.enqueue_dma source(%dma_start3A_557 : memref<800xi32, #tpu.memory_space<hbm>>) target(%dma_start3A_555 : memref<800xi32, #tpu.memory_space<vmem>>) target_semaphore(%arg9 : memref<!tpu.dma_semaphore, #tpu.memory_space<semaphore_mem>>)
        %dma_start3A_558 = arith.constant 0 : i32
        %dma_start3A_559 = arith.constant 0 : i32
        %dma_start3A_560 = arith.constant 0 : i32
        %dma_start3A_561 = tpu.memref_slice %arg7[%dma_start3A_559, %dma_start3A_560] : memref<2x800xf32, #tpu.memory_space<vmem>> -> memref<1x800xf32, #tpu.memory_space<vmem>>
        %dma_start3A_562 = tpu.memref_squeeze %dma_start3A_561 : memref<1x800xf32, #tpu.memory_space<vmem>> -> memref<800xf32, #tpu.memory_space<vmem>>
        %dma_start3A_563 = tpu.memref_slice %arg4[%dma_start3A_558, %add3A_545] : memref<1x819200xf32, #tpu.memory_space<hbm>> -> memref<1x800xf32, #tpu.memory_space<hbm>>
        %dma_start3A_564 = tpu.memref_squeeze %dma_start3A_563 : memref<1x800xf32, #tpu.memory_space<hbm>> -> memref<800xf32, #tpu.memory_space<hbm>>
        %dma_start3A_565 = arith.constant 0 : i32
        %dma_start3A_566 = tpu.memref_slice %arg7[%dma_start3A_559, %dma_start3A_565] : memref<2x800xf32, #tpu.memory_space<vmem>> -> memref<1x800xf32, #tpu.memory_space<vmem>>
        %dma_start3A_567 = tpu.memref_squeeze %dma_start3A_566 : memref<1x800xf32, #tpu.memory_space<vmem>> -> memref<800xf32, #tpu.memory_space<vmem>>
        %dma_start3A_568 = tpu.memref_slice %arg4[%dma_start3A_558, %add3A_545] : memref<1x819200xf32, #tpu.memory_space<hbm>> -> memref<1x800xf32, #tpu.memory_space<hbm>>
        %dma_start3A_569 = tpu.memref_squeeze %dma_start3A_568 : memref<1x800xf32, #tpu.memory_space<hbm>> -> memref<800xf32, #tpu.memory_space<hbm>>
        tpu.enqueue_dma source(%dma_start3A_569 : memref<800xf32, #tpu.memory_space<hbm>>) target(%dma_start3A_567 : memref<800xf32, #tpu.memory_space<vmem>>) target_semaphore(%arg9 : memref<!tpu.dma_semaphore, #tpu.memory_space<semaphore_mem>>)
      } else {
      }
      %add3A_385 = arith.constant 1 : i32
      %add3A_386 = arith.addi %add3A_231, %add3A_385 : i32
      %add3A_387 = arith.constant 1 : i32
      %add3A_388 = arith.addi %add3A_386, %add3A_387 : i32
      %lt3A_389 = arith.constant 32 : i32
      %lt3A_390 = arith.cmpi slt, %add3A_388, %lt3A_389 : i32
      %convert_element_type3A_391 = arith.extui %lt3A_390 : i1 to i32
      %cond3A_392 = arith.constant 0 : i32
      %cond3A_393 = arith.cmpi ne, %convert_element_type3A_391, %cond3A_392 : i32
      scf.if %cond3A_393 {
        %dma_wait3A_541 = arith.constant 0 : i32
        %dma_wait3A_542 = arith.constant 0 : i32
        %dma_wait3A_543 = arith.constant 0 : i32
        %dma_wait3A_544 = tpu.memref_slice %arg6[%dma_wait3A_542, %dma_wait3A_543] : memref<2x800xi32, #tpu.memory_space<vmem>> -> memref<1x800xi32, #tpu.memory_space<vmem>>
        %dma_wait3A_545 = tpu.memref_squeeze %dma_wait3A_544 : memref<1x800xi32, #tpu.memory_space<vmem>> -> memref<800xi32, #tpu.memory_space<vmem>>
        %dma_wait3A_546 = tpu.memref_slice %arg3[%dma_wait3A_541, %mul3A_2] : memref<1x819200xi32, #tpu.memory_space<hbm>> -> memref<1x800xi32, #tpu.memory_space<hbm>>
        %dma_wait3A_547 = tpu.memref_squeeze %dma_wait3A_546 : memref<1x800xi32, #tpu.memory_space<hbm>> -> memref<800xi32, #tpu.memory_space<hbm>>
        %dma_wait3A_548 = arith.constant 0 : i32
        %dma_wait3A_549 = tpu.memref_slice %arg6[%dma_wait3A_542, %dma_wait3A_548] : memref<2x800xi32, #tpu.memory_space<vmem>> -> memref<1x800xi32, #tpu.memory_space<vmem>>
        %dma_wait3A_550 = tpu.memref_squeeze %dma_wait3A_549 : memref<1x800xi32, #tpu.memory_space<vmem>> -> memref<800xi32, #tpu.memory_space<vmem>>
        %dma_wait3A_551 = tpu.memref_slice %arg3[%dma_wait3A_541, %mul3A_2] : memref<1x819200xi32, #tpu.memory_space<hbm>> -> memref<1x800xi32, #tpu.memory_space<hbm>>
        %dma_wait3A_552 = tpu.memref_squeeze %dma_wait3A_551 : memref<1x800xi32, #tpu.memory_space<hbm>> -> memref<800xi32, #tpu.memory_space<hbm>>
        tpu.wait_dma2 semaphore(%arg9 : memref<!tpu.dma_semaphore, #tpu.memory_space<semaphore_mem>>) src(%dma_wait3A_552 : memref<800xi32, #tpu.memory_space<hbm>>) dst(%dma_wait3A_550 : memref<800xi32, #tpu.memory_space<vmem>>)
        %dma_wait3A_553 = arith.constant 0 : i32
        %dma_wait3A_554 = arith.constant 0 : i32
        %dma_wait3A_555 = arith.constant 0 : i32
        %dma_wait3A_556 = tpu.memref_slice %arg7[%dma_wait3A_554, %dma_wait3A_555] : memref<2x800xf32, #tpu.memory_space<vmem>> -> memref<1x800xf32, #tpu.memory_space<vmem>>
        %dma_wait3A_557 = tpu.memref_squeeze %dma_wait3A_556 : memref<1x800xf32, #tpu.memory_space<vmem>> -> memref<800xf32, #tpu.memory_space<vmem>>
        %dma_wait3A_558 = tpu.memref_slice %arg4[%dma_wait3A_553, %mul3A_2] : memref<1x819200xf32, #tpu.memory_space<hbm>> -> memref<1x800xf32, #tpu.memory_space<hbm>>
        %dma_wait3A_559 = tpu.memref_squeeze %dma_wait3A_558 : memref<1x800xf32, #tpu.memory_space<hbm>> -> memref<800xf32, #tpu.memory_space<hbm>>
        %dma_wait3A_560 = arith.constant 0 : i32
        %dma_wait3A_561 = tpu.memref_slice %arg7[%dma_wait3A_554, %dma_wait3A_560] : memref<2x800xf32, #tpu.memory_space<vmem>> -> memref<1x800xf32, #tpu.memory_space<vmem>>
        %dma_wait3A_562 = tpu.memref_squeeze %dma_wait3A_561 : memref<1x800xf32, #tpu.memory_space<vmem>> -> memref<800xf32, #tpu.memory_space<vmem>>
        %dma_wait3A_563 = tpu.memref_slice %arg4[%dma_wait3A_553, %mul3A_2] : memref<1x819200xf32, #tpu.memory_space<hbm>> -> memref<1x800xf32, #tpu.memory_space<hbm>>
        %dma_wait3A_564 = tpu.memref_squeeze %dma_wait3A_563 : memref<1x800xf32, #tpu.memory_space<hbm>> -> memref<800xf32, #tpu.memory_space<hbm>>
        tpu.wait_dma2 semaphore(%arg9 : memref<!tpu.dma_semaphore, #tpu.memory_space<semaphore_mem>>) src(%dma_wait3A_564 : memref<800xf32, #tpu.memory_space<hbm>>) dst(%dma_wait3A_562 : memref<800xf32, #tpu.memory_space<vmem>>)
        %add3A_565 = arith.constant 1 : i32
        %add3A_566 = arith.addi %add3A_386, %add3A_565 : i32
        %ge3A = arith.constant 2 : i32
        %ge3A_567 = arith.cmpi sge, %add3A_566, %ge3A : i32
        %convert_element_type3A_568 = arith.extui %ge3A_567 : i1 to i32
        %cond3A_569 = arith.constant 0 : i32
        %cond3A_570 = arith.cmpi ne, %convert_element_type3A_568, %cond3A_569 : i32
        scf.if %cond3A_570 {
          %dma_wait3A_690 = arith.constant 0 : i32
          %dma_wait3A_691 = arith.constant 0 : i32
          %dma_wait3A_692 = arith.constant 0 : i32
          %dma_wait3A_693 = tpu.memref_slice %arg8[%dma_wait3A_690, %dma_wait3A_691, %dma_wait3A_692] : memref<2x800x64xf32, #tpu.memory_space<vmem>> -> memref<1x800x64xf32, #tpu.memory_space<vmem>>
          %dma_wait3A_694 = tpu.memref_squeeze %dma_wait3A_693 : memref<1x800x64xf32, #tpu.memory_space<vmem>> -> memref<800x64xf32, #tpu.memory_space<vmem>>
          %dma_wait3A_695 = arith.constant 0 : i32
          %dma_wait3A_696 = tpu.memref_slice %arg5[%mul3A_2, %dma_wait3A_695] : memref<819200x128xf32, #tpu.memory_space<hbm>> -> memref<800x64xf32, #tpu.memory_space<hbm>>
          %dma_wait3A_697 = arith.constant 0 : i32
          %dma_wait3A_698 = tpu.memref_slice %arg5[%mul3A_2, %dma_wait3A_697] : memref<819200x128xf32, #tpu.memory_space<hbm>> -> memref<800x64xf32, #tpu.memory_space<hbm>>
          %dma_wait3A_699 = arith.constant 0 : i32
          %dma_wait3A_700 = arith.constant 0 : i32
          %dma_wait3A_701 = tpu.memref_slice %arg8[%dma_wait3A_690, %dma_wait3A_699, %dma_wait3A_700] : memref<2x800x64xf32, #tpu.memory_space<vmem>> -> memref<1x800x64xf32, #tpu.memory_space<vmem>>
          %dma_wait3A_702 = tpu.memref_squeeze %dma_wait3A_701 : memref<1x800x64xf32, #tpu.memory_space<vmem>> -> memref<800x64xf32, #tpu.memory_space<vmem>>
          tpu.wait_dma2 semaphore(%arg13 : memref<!tpu.dma_semaphore, #tpu.memory_space<semaphore_mem>>) src(%dma_wait3A_702 : memref<800x64xf32, #tpu.memory_space<vmem>>) dst(%dma_wait3A_698 : memref<800x64xf32, #tpu.memory_space<hbm>>)
        } else {
        }
        %dma_start3A_571 = arith.constant 0 : i32
        %dma_start3A_572 = arith.constant 0 : i32
        %dma_start3A_573 = arith.constant 0 : i32
        %dma_start3A_574 = arith.constant 0 : i32
        %dma_start3A_575 = tpu.memref_slice %arg8[%dma_start3A_572, %dma_start3A_573, %dma_start3A_574] : memref<2x800x64xf32, #tpu.memory_space<vmem>> -> memref<1x800x64xf32, #tpu.memory_space<vmem>>
        %dma_start3A_576 = tpu.memref_squeeze %dma_start3A_575 : memref<1x800x64xf32, #tpu.memory_space<vmem>> -> memref<800x64xf32, #tpu.memory_space<vmem>>
        %dma_start3A_577 = arith.constant 0 : i32
        %dma_start3A_578 = arith.constant 0 : i32
        %dma_start3A_579 = tpu.memref_slice %dma_start3A_576[%dma_start3A_577, %dma_start3A_578] : memref<800x64xf32, #tpu.memory_space<vmem>> -> memref<128x64xf32, #tpu.memory_space<vmem>>
        %dma_start3A_580 = arith.constant 0 : i32
        %dma_start3A_581 = tpu.memref_slice %arg6[%dma_start3A_571, %dma_start3A_580] : memref<2x800xi32, #tpu.memory_space<vmem>> -> memref<1x800xi32, #tpu.memory_space<vmem>>
        %dma_start3A_582 = tpu.memref_squeeze %dma_start3A_581 : memref<1x800xi32, #tpu.memory_space<vmem>> -> memref<800xi32, #tpu.memory_space<vmem>>
        %dma_start3A_583 = arith.constant 0 : i32
        %dma_start3A_584 = tpu.memref_slice %dma_start3A_582[%dma_start3A_583] : memref<800xi32, #tpu.memory_space<vmem>> -> memref<128xi32, #tpu.memory_space<vmem>>
        %dma_start3A_585 = arith.constant 0 : i32
        %dma_start3A_586 = arith.constant 0 : i32
        %dma_start3A_587 = tpu.memref_slice %arg2[%dma_start3A_585, %dma_start3A_586] : memref<100000x64xf32, #tpu.memory_space<hbm>> -> memref<100000x64xf32, #tpu.memory_space<hbm>>
        tpu.enqueue_indirect_dma source(%dma_start3A_587 : memref<100000x64xf32, #tpu.memory_space<hbm>>) target(%dma_start3A_579 : memref<128x64xf32, #tpu.memory_space<vmem>>) offsets(%dma_start3A_584 : memref<128xi32, #tpu.memory_space<vmem>>) semaphore(%arg11 : memref<!tpu.dma_semaphore, #tpu.memory_space<semaphore_mem>>)
        %dma_start3A_588 = arith.constant 0 : i32
        %dma_start3A_589 = arith.constant 0 : i32
        %dma_start3A_590 = arith.constant 0 : i32
        %dma_start3A_591 = arith.constant 0 : i32
        %dma_start3A_592 = tpu.memref_slice %arg8[%dma_start3A_589, %dma_start3A_590, %dma_start3A_591] : memref<2x800x64xf32, #tpu.memory_space<vmem>> -> memref<1x800x64xf32, #tpu.memory_space<vmem>>
        %dma_start3A_593 = tpu.memref_squeeze %dma_start3A_592 : memref<1x800x64xf32, #tpu.memory_space<vmem>> -> memref<800x64xf32, #tpu.memory_space<vmem>>
        %dma_start3A_594 = arith.constant 128 : i32
        %dma_start3A_595 = arith.constant 0 : i32
        %dma_start3A_596 = tpu.memref_slice %dma_start3A_593[%dma_start3A_594, %dma_start3A_595] : memref<800x64xf32, #tpu.memory_space<vmem>> -> memref<128x64xf32, #tpu.memory_space<vmem>>
        %dma_start3A_597 = arith.constant 0 : i32
        %dma_start3A_598 = tpu.memref_slice %arg6[%dma_start3A_588, %dma_start3A_597] : memref<2x800xi32, #tpu.memory_space<vmem>> -> memref<1x800xi32, #tpu.memory_space<vmem>>
        %dma_start3A_599 = tpu.memref_squeeze %dma_start3A_598 : memref<1x800xi32, #tpu.memory_space<vmem>> -> memref<800xi32, #tpu.memory_space<vmem>>
        %dma_start3A_600 = arith.constant 128 : i32
        %dma_start3A_601 = tpu.memref_slice %dma_start3A_599[%dma_start3A_600] : memref<800xi32, #tpu.memory_space<vmem>> -> memref<128xi32, #tpu.memory_space<vmem>>
        %dma_start3A_602 = arith.constant 0 : i32
        %dma_start3A_603 = arith.constant 0 : i32
        %dma_start3A_604 = tpu.memref_slice %arg2[%dma_start3A_602, %dma_start3A_603] : memref<100000x64xf32, #tpu.memory_space<hbm>> -> memref<100000x64xf32, #tpu.memory_space<hbm>>
        tpu.enqueue_indirect_dma source(%dma_start3A_604 : memref<100000x64xf32, #tpu.memory_space<hbm>>) target(%dma_start3A_596 : memref<128x64xf32, #tpu.memory_space<vmem>>) offsets(%dma_start3A_601 : memref<128xi32, #tpu.memory_space<vmem>>) semaphore(%arg11 : memref<!tpu.dma_semaphore, #tpu.memory_space<semaphore_mem>>)
        %dma_start3A_605 = arith.constant 0 : i32
        %dma_start3A_606 = arith.constant 0 : i32
        %dma_start3A_607 = arith.constant 0 : i32
        %dma_start3A_608 = arith.constant 0 : i32
        %dma_start3A_609 = tpu.memref_slice %arg8[%dma_start3A_606, %dma_start3A_607, %dma_start3A_608] : memref<2x800x64xf32, #tpu.memory_space<vmem>> -> memref<1x800x64xf32, #tpu.memory_space<vmem>>
        %dma_start3A_610 = tpu.memref_squeeze %dma_start3A_609 : memref<1x800x64xf32, #tpu.memory_space<vmem>> -> memref<800x64xf32, #tpu.memory_space<vmem>>
        %dma_start3A_611 = arith.constant 256 : i32
        %dma_start3A_612 = arith.constant 0 : i32
        %dma_start3A_613 = tpu.memref_slice %dma_start3A_610[%dma_start3A_611, %dma_start3A_612] : memref<800x64xf32, #tpu.memory_space<vmem>> -> memref<128x64xf32, #tpu.memory_space<vmem>>
        %dma_start3A_614 = arith.constant 0 : i32
        %dma_start3A_615 = tpu.memref_slice %arg6[%dma_start3A_605, %dma_start3A_614] : memref<2x800xi32, #tpu.memory_space<vmem>> -> memref<1x800xi32, #tpu.memory_space<vmem>>
        %dma_start3A_616 = tpu.memref_squeeze %dma_start3A_615 : memref<1x800xi32, #tpu.memory_space<vmem>> -> memref<800xi32, #tpu.memory_space<vmem>>
        %dma_start3A_617 = arith.constant 256 : i32
        %dma_start3A_618 = tpu.memref_slice %dma_start3A_616[%dma_start3A_617] : memref<800xi32, #tpu.memory_space<vmem>> -> memref<128xi32, #tpu.memory_space<vmem>>
        %dma_start3A_619 = arith.constant 0 : i32
        %dma_start3A_620 = arith.constant 0 : i32
        %dma_start3A_621 = tpu.memref_slice %arg2[%dma_start3A_619, %dma_start3A_620] : memref<100000x64xf32, #tpu.memory_space<hbm>> -> memref<100000x64xf32, #tpu.memory_space<hbm>>
        tpu.enqueue_indirect_dma source(%dma_start3A_621 : memref<100000x64xf32, #tpu.memory_space<hbm>>) target(%dma_start3A_613 : memref<128x64xf32, #tpu.memory_space<vmem>>) offsets(%dma_start3A_618 : memref<128xi32, #tpu.memory_space<vmem>>) semaphore(%arg11 : memref<!tpu.dma_semaphore, #tpu.memory_space<semaphore_mem>>)
        %dma_start3A_622 = arith.constant 0 : i32
        %dma_start3A_623 = arith.constant 0 : i32
        %dma_start3A_624 = arith.constant 0 : i32
        %dma_start3A_625 = arith.constant 0 : i32
        %dma_start3A_626 = tpu.memref_slice %arg8[%dma_start3A_623, %dma_start3A_624, %dma_start3A_625] : memref<2x800x64xf32, #tpu.memory_space<vmem>> -> memref<1x800x64xf32, #tpu.memory_space<vmem>>
        %dma_start3A_627 = tpu.memref_squeeze %dma_start3A_626 : memref<1x800x64xf32, #tpu.memory_space<vmem>> -> memref<800x64xf32, #tpu.memory_space<vmem>>
        %dma_start3A_628 = arith.constant 384 : i32
        %dma_start3A_629 = arith.constant 0 : i32
        %dma_start3A_630 = tpu.memref_slice %dma_start3A_627[%dma_start3A_628, %dma_start3A_629] : memref<800x64xf32, #tpu.memory_space<vmem>> -> memref<128x64xf32, #tpu.memory_space<vmem>>
        %dma_start3A_631 = arith.constant 0 : i32
        %dma_start3A_632 = tpu.memref_slice %arg6[%dma_start3A_622, %dma_start3A_631] : memref<2x800xi32, #tpu.memory_space<vmem>> -> memref<1x800xi32, #tpu.memory_space<vmem>>
        %dma_start3A_633 = tpu.memref_squeeze %dma_start3A_632 : memref<1x800xi32, #tpu.memory_space<vmem>> -> memref<800xi32, #tpu.memory_space<vmem>>
        %dma_start3A_634 = arith.constant 384 : i32
        %dma_start3A_635 = tpu.memref_slice %dma_start3A_633[%dma_start3A_634] : memref<800xi32, #tpu.memory_space<vmem>> -> memref<128xi32, #tpu.memory_space<vmem>>
        %dma_start3A_636 = arith.constant 0 : i32
        %dma_start3A_637 = arith.constant 0 : i32
        %dma_start3A_638 = tpu.memref_slice %arg2[%dma_start3A_636, %dma_start3A_637] : memref<100000x64xf32, #tpu.memory_space<hbm>> -> memref<100000x64xf32, #tpu.memory_space<hbm>>
        tpu.enqueue_indirect_dma source(%dma_start3A_638 : memref<100000x64xf32, #tpu.memory_space<hbm>>) target(%dma_start3A_630 : memref<128x64xf32, #tpu.memory_space<vmem>>) offsets(%dma_start3A_635 : memref<128xi32, #tpu.memory_space<vmem>>) semaphore(%arg11 : memref<!tpu.dma_semaphore, #tpu.memory_space<semaphore_mem>>)
        %dma_start3A_639 = arith.constant 0 : i32
        %dma_start3A_640 = arith.constant 0 : i32
        %dma_start3A_641 = arith.constant 0 : i32
        %dma_start3A_642 = arith.constant 0 : i32
        %dma_start3A_643 = tpu.memref_slice %arg8[%dma_start3A_640, %dma_start3A_641, %dma_start3A_642] : memref<2x800x64xf32, #tpu.memory_space<vmem>> -> memref<1x800x64xf32, #tpu.memory_space<vmem>>
        %dma_start3A_644 = tpu.memref_squeeze %dma_start3A_643 : memref<1x800x64xf32, #tpu.memory_space<vmem>> -> memref<800x64xf32, #tpu.memory_space<vmem>>
        %dma_start3A_645 = arith.constant 512 : i32
        %dma_start3A_646 = arith.constant 0 : i32
        %dma_start3A_647 = tpu.memref_slice %dma_start3A_644[%dma_start3A_645, %dma_start3A_646] : memref<800x64xf32, #tpu.memory_space<vmem>> -> memref<128x64xf32, #tpu.memory_space<vmem>>
        %dma_start3A_648 = arith.constant 0 : i32
        %dma_start3A_649 = tpu.memref_slice %arg6[%dma_start3A_639, %dma_start3A_648] : memref<2x800xi32, #tpu.memory_space<vmem>> -> memref<1x800xi32, #tpu.memory_space<vmem>>
        %dma_start3A_650 = tpu.memref_squeeze %dma_start3A_649 : memref<1x800xi32, #tpu.memory_space<vmem>> -> memref<800xi32, #tpu.memory_space<vmem>>
        %dma_start3A_651 = arith.constant 512 : i32
        %dma_start3A_652 = tpu.memref_slice %dma_start3A_650[%dma_start3A_651] : memref<800xi32, #tpu.memory_space<vmem>> -> memref<128xi32, #tpu.memory_space<vmem>>
        %dma_start3A_653 = arith.constant 0 : i32
        %dma_start3A_654 = arith.constant 0 : i32
        %dma_start3A_655 = tpu.memref_slice %arg2[%dma_start3A_653, %dma_start3A_654] : memref<100000x64xf32, #tpu.memory_space<hbm>> -> memref<100000x64xf32, #tpu.memory_space<hbm>>
        tpu.enqueue_indirect_dma source(%dma_start3A_655 : memref<100000x64xf32, #tpu.memory_space<hbm>>) target(%dma_start3A_647 : memref<128x64xf32, #tpu.memory_space<vmem>>) offsets(%dma_start3A_652 : memref<128xi32, #tpu.memory_space<vmem>>) semaphore(%arg11 : memref<!tpu.dma_semaphore, #tpu.memory_space<semaphore_mem>>)
        %dma_start3A_656 = arith.constant 0 : i32
        %dma_start3A_657 = arith.constant 0 : i32
        %dma_start3A_658 = arith.constant 0 : i32
        %dma_start3A_659 = arith.constant 0 : i32
        %dma_start3A_660 = tpu.memref_slice %arg8[%dma_start3A_657, %dma_start3A_658, %dma_start3A_659] : memref<2x800x64xf32, #tpu.memory_space<vmem>> -> memref<1x800x64xf32, #tpu.memory_space<vmem>>
        %dma_start3A_661 = tpu.memref_squeeze %dma_start3A_660 : memref<1x800x64xf32, #tpu.memory_space<vmem>> -> memref<800x64xf32, #tpu.memory_space<vmem>>
        %dma_start3A_662 = arith.constant 640 : i32
        %dma_start3A_663 = arith.constant 0 : i32
        %dma_start3A_664 = tpu.memref_slice %dma_start3A_661[%dma_start3A_662, %dma_start3A_663] : memref<800x64xf32, #tpu.memory_space<vmem>> -> memref<128x64xf32, #tpu.memory_space<vmem>>
        %dma_start3A_665 = arith.constant 0 : i32
        %dma_start3A_666 = tpu.memref_slice %arg6[%dma_start3A_656, %dma_start3A_665] : memref<2x800xi32, #tpu.memory_space<vmem>> -> memref<1x800xi32, #tpu.memory_space<vmem>>
        %dma_start3A_667 = tpu.memref_squeeze %dma_start3A_666 : memref<1x800xi32, #tpu.memory_space<vmem>> -> memref<800xi32, #tpu.memory_space<vmem>>
        %dma_start3A_668 = arith.constant 640 : i32
        %dma_start3A_669 = tpu.memref_slice %dma_start3A_667[%dma_start3A_668] : memref<800xi32, #tpu.memory_space<vmem>> -> memref<128xi32, #tpu.memory_space<vmem>>
        %dma_start3A_670 = arith.constant 0 : i32
        %dma_start3A_671 = arith.constant 0 : i32
        %dma_start3A_672 = tpu.memref_slice %arg2[%dma_start3A_670, %dma_start3A_671] : memref<100000x64xf32, #tpu.memory_space<hbm>> -> memref<100000x64xf32, #tpu.memory_space<hbm>>
        tpu.enqueue_indirect_dma source(%dma_start3A_672 : memref<100000x64xf32, #tpu.memory_space<hbm>>) target(%dma_start3A_664 : memref<128x64xf32, #tpu.memory_space<vmem>>) offsets(%dma_start3A_669 : memref<128xi32, #tpu.memory_space<vmem>>) semaphore(%arg11 : memref<!tpu.dma_semaphore, #tpu.memory_space<semaphore_mem>>)
        %dma_start3A_673 = arith.constant 0 : i32
        %dma_start3A_674 = arith.constant 0 : i32
        %dma_start3A_675 = arith.constant 0 : i32
        %dma_start3A_676 = arith.constant 0 : i32
        %dma_start3A_677 = tpu.memref_slice %arg8[%dma_start3A_674, %dma_start3A_675, %dma_start3A_676] : memref<2x800x64xf32, #tpu.memory_space<vmem>> -> memref<1x800x64xf32, #tpu.memory_space<vmem>>
        %dma_start3A_678 = tpu.memref_squeeze %dma_start3A_677 : memref<1x800x64xf32, #tpu.memory_space<vmem>> -> memref<800x64xf32, #tpu.memory_space<vmem>>
        %dma_start3A_679 = arith.constant 768 : i32
        %dma_start3A_680 = arith.constant 0 : i32
        %dma_start3A_681 = tpu.memref_slice %dma_start3A_678[%dma_start3A_679, %dma_start3A_680] : memref<800x64xf32, #tpu.memory_space<vmem>> -> memref<32x64xf32, #tpu.memory_space<vmem>>
        %dma_start3A_682 = arith.constant 0 : i32
        %dma_start3A_683 = tpu.memref_slice %arg6[%dma_start3A_673, %dma_start3A_682] : memref<2x800xi32, #tpu.memory_space<vmem>> -> memref<1x800xi32, #tpu.memory_space<vmem>>
        %dma_start3A_684 = tpu.memref_squeeze %dma_start3A_683 : memref<1x800xi32, #tpu.memory_space<vmem>> -> memref<800xi32, #tpu.memory_space<vmem>>
        %dma_start3A_685 = arith.constant 768 : i32
        %dma_start3A_686 = tpu.memref_slice %dma_start3A_684[%dma_start3A_685] : memref<800xi32, #tpu.memory_space<vmem>> -> memref<32xi32, #tpu.memory_space<vmem>>
        %dma_start3A_687 = arith.constant 0 : i32
        %dma_start3A_688 = arith.constant 0 : i32
        %dma_start3A_689 = tpu.memref_slice %arg2[%dma_start3A_687, %dma_start3A_688] : memref<100000x64xf32, #tpu.memory_space<hbm>> -> memref<100000x64xf32, #tpu.memory_space<hbm>>
        tpu.enqueue_indirect_dma source(%dma_start3A_689 : memref<100000x64xf32, #tpu.memory_space<hbm>>) target(%dma_start3A_681 : memref<32x64xf32, #tpu.memory_space<vmem>>) offsets(%dma_start3A_686 : memref<32xi32, #tpu.memory_space<vmem>>) semaphore(%arg11 : memref<!tpu.dma_semaphore, #tpu.memory_space<semaphore_mem>>)
      } else {
      }
      %dma_wait3A_394 = arith.constant 1 : i32
      %dma_wait3A_395 = arith.constant 1 : i32
      %dma_wait3A_396 = arith.constant 0 : i32
      %dma_wait3A_397 = arith.constant 0 : i32
      %dma_wait3A_398 = tpu.memref_slice %arg8[%dma_wait3A_395, %dma_wait3A_396, %dma_wait3A_397] : memref<2x800x64xf32, #tpu.memory_space<vmem>> -> memref<1x800x64xf32, #tpu.memory_space<vmem>>
      %dma_wait3A_399 = tpu.memref_squeeze %dma_wait3A_398 : memref<1x800x64xf32, #tpu.memory_space<vmem>> -> memref<800x64xf32, #tpu.memory_space<vmem>>
      %dma_wait3A_400 = arith.constant 0 : i32
      %dma_wait3A_401 = arith.constant 0 : i32
      %dma_wait3A_402 = tpu.memref_slice %dma_wait3A_399[%dma_wait3A_400, %dma_wait3A_401] : memref<800x64xf32, #tpu.memory_space<vmem>> -> memref<128x64xf32, #tpu.memory_space<vmem>>
      %dma_wait3A_403 = arith.constant 0 : i32
      %dma_wait3A_404 = tpu.memref_slice %arg6[%dma_wait3A_394, %dma_wait3A_403] : memref<2x800xi32, #tpu.memory_space<vmem>> -> memref<1x800xi32, #tpu.memory_space<vmem>>
      %dma_wait3A_405 = tpu.memref_squeeze %dma_wait3A_404 : memref<1x800xi32, #tpu.memory_space<vmem>> -> memref<800xi32, #tpu.memory_space<vmem>>
      %dma_wait3A_406 = arith.constant 0 : i32
      %dma_wait3A_407 = tpu.memref_slice %dma_wait3A_405[%dma_wait3A_406] : memref<800xi32, #tpu.memory_space<vmem>> -> memref<128xi32, #tpu.memory_space<vmem>>
      %dma_wait3A_408 = arith.constant 0 : i32
      %dma_wait3A_409 = arith.constant 0 : i32
      %dma_wait3A_410 = tpu.memref_slice %arg2[%dma_wait3A_408, %dma_wait3A_409] : memref<100000x64xf32, #tpu.memory_space<hbm>> -> memref<100000x64xf32, #tpu.memory_space<hbm>>
      tpu.wait_indirect_dma semaphore(%arg12 : memref<!tpu.dma_semaphore, #tpu.memory_space<semaphore_mem>>) src(%dma_wait3A_410 : memref<100000x64xf32, #tpu.memory_space<hbm>>) dst(%dma_wait3A_402 : memref<128x64xf32, #tpu.memory_space<vmem>>)
      %dma_wait3A_411 = arith.constant 1 : i32
      %dma_wait3A_412 = arith.constant 1 : i32
      %dma_wait3A_413 = arith.constant 0 : i32
      %dma_wait3A_414 = arith.constant 0 : i32
      %dma_wait3A_415 = tpu.memref_slice %arg8[%dma_wait3A_412, %dma_wait3A_413, %dma_wait3A_414] : memref<2x800x64xf32, #tpu.memory_space<vmem>> -> memref<1x800x64xf32, #tpu.memory_space<vmem>>
      %dma_wait3A_416 = tpu.memref_squeeze %dma_wait3A_415 : memref<1x800x64xf32, #tpu.memory_space<vmem>> -> memref<800x64xf32, #tpu.memory_space<vmem>>
      %dma_wait3A_417 = arith.constant 128 : i32
      %dma_wait3A_418 = arith.constant 0 : i32
      %dma_wait3A_419 = tpu.memref_slice %dma_wait3A_416[%dma_wait3A_417, %dma_wait3A_418] : memref<800x64xf32, #tpu.memory_space<vmem>> -> memref<128x64xf32, #tpu.memory_space<vmem>>
      %dma_wait3A_420 = arith.constant 0 : i32
      %dma_wait3A_421 = tpu.memref_slice %arg6[%dma_wait3A_411, %dma_wait3A_420] : memref<2x800xi32, #tpu.memory_space<vmem>> -> memref<1x800xi32, #tpu.memory_space<vmem>>
      %dma_wait3A_422 = tpu.memref_squeeze %dma_wait3A_421 : memref<1x800xi32, #tpu.memory_space<vmem>> -> memref<800xi32, #tpu.memory_space<vmem>>
      %dma_wait3A_423 = arith.constant 128 : i32
      %dma_wait3A_424 = tpu.memref_slice %dma_wait3A_422[%dma_wait3A_423] : memref<800xi32, #tpu.memory_space<vmem>> -> memref<128xi32, #tpu.memory_space<vmem>>
      %dma_wait3A_425 = arith.constant 0 : i32
      %dma_wait3A_426 = arith.constant 0 : i32
      %dma_wait3A_427 = tpu.memref_slice %arg2[%dma_wait3A_425, %dma_wait3A_426] : memref<100000x64xf32, #tpu.memory_space<hbm>> -> memref<100000x64xf32, #tpu.memory_space<hbm>>
      tpu.wait_indirect_dma semaphore(%arg12 : memref<!tpu.dma_semaphore, #tpu.memory_space<semaphore_mem>>) src(%dma_wait3A_427 : memref<100000x64xf32, #tpu.memory_space<hbm>>) dst(%dma_wait3A_419 : memref<128x64xf32, #tpu.memory_space<vmem>>)
      %dma_wait3A_428 = arith.constant 1 : i32
      %dma_wait3A_429 = arith.constant 1 : i32
      %dma_wait3A_430 = arith.constant 0 : i32
      %dma_wait3A_431 = arith.constant 0 : i32
      %dma_wait3A_432 = tpu.memref_slice %arg8[%dma_wait3A_429, %dma_wait3A_430, %dma_wait3A_431] : memref<2x800x64xf32, #tpu.memory_space<vmem>> -> memref<1x800x64xf32, #tpu.memory_space<vmem>>
      %dma_wait3A_433 = tpu.memref_squeeze %dma_wait3A_432 : memref<1x800x64xf32, #tpu.memory_space<vmem>> -> memref<800x64xf32, #tpu.memory_space<vmem>>
      %dma_wait3A_434 = arith.constant 256 : i32
      %dma_wait3A_435 = arith.constant 0 : i32
      %dma_wait3A_436 = tpu.memref_slice %dma_wait3A_433[%dma_wait3A_434, %dma_wait3A_435] : memref<800x64xf32, #tpu.memory_space<vmem>> -> memref<128x64xf32, #tpu.memory_space<vmem>>
      %dma_wait3A_437 = arith.constant 0 : i32
      %dma_wait3A_438 = tpu.memref_slice %arg6[%dma_wait3A_428, %dma_wait3A_437] : memref<2x800xi32, #tpu.memory_space<vmem>> -> memref<1x800xi32, #tpu.memory_space<vmem>>
      %dma_wait3A_439 = tpu.memref_squeeze %dma_wait3A_438 : memref<1x800xi32, #tpu.memory_space<vmem>> -> memref<800xi32, #tpu.memory_space<vmem>>
      %dma_wait3A_440 = arith.constant 256 : i32
      %dma_wait3A_441 = tpu.memref_slice %dma_wait3A_439[%dma_wait3A_440] : memref<800xi32, #tpu.memory_space<vmem>> -> memref<128xi32, #tpu.memory_space<vmem>>
      %dma_wait3A_442 = arith.constant 0 : i32
      %dma_wait3A_443 = arith.constant 0 : i32
      %dma_wait3A_444 = tpu.memref_slice %arg2[%dma_wait3A_442, %dma_wait3A_443] : memref<100000x64xf32, #tpu.memory_space<hbm>> -> memref<100000x64xf32, #tpu.memory_space<hbm>>
      tpu.wait_indirect_dma semaphore(%arg12 : memref<!tpu.dma_semaphore, #tpu.memory_space<semaphore_mem>>) src(%dma_wait3A_444 : memref<100000x64xf32, #tpu.memory_space<hbm>>) dst(%dma_wait3A_436 : memref<128x64xf32, #tpu.memory_space<vmem>>)
      %dma_wait3A_445 = arith.constant 1 : i32
      %dma_wait3A_446 = arith.constant 1 : i32
      %dma_wait3A_447 = arith.constant 0 : i32
      %dma_wait3A_448 = arith.constant 0 : i32
      %dma_wait3A_449 = tpu.memref_slice %arg8[%dma_wait3A_446, %dma_wait3A_447, %dma_wait3A_448] : memref<2x800x64xf32, #tpu.memory_space<vmem>> -> memref<1x800x64xf32, #tpu.memory_space<vmem>>
      %dma_wait3A_450 = tpu.memref_squeeze %dma_wait3A_449 : memref<1x800x64xf32, #tpu.memory_space<vmem>> -> memref<800x64xf32, #tpu.memory_space<vmem>>
      %dma_wait3A_451 = arith.constant 384 : i32
      %dma_wait3A_452 = arith.constant 0 : i32
      %dma_wait3A_453 = tpu.memref_slice %dma_wait3A_450[%dma_wait3A_451, %dma_wait3A_452] : memref<800x64xf32, #tpu.memory_space<vmem>> -> memref<128x64xf32, #tpu.memory_space<vmem>>
      %dma_wait3A_454 = arith.constant 0 : i32
      %dma_wait3A_455 = tpu.memref_slice %arg6[%dma_wait3A_445, %dma_wait3A_454] : memref<2x800xi32, #tpu.memory_space<vmem>> -> memref<1x800xi32, #tpu.memory_space<vmem>>
      %dma_wait3A_456 = tpu.memref_squeeze %dma_wait3A_455 : memref<1x800xi32, #tpu.memory_space<vmem>> -> memref<800xi32, #tpu.memory_space<vmem>>
      %dma_wait3A_457 = arith.constant 384 : i32
      %dma_wait3A_458 = tpu.memref_slice %dma_wait3A_456[%dma_wait3A_457] : memref<800xi32, #tpu.memory_space<vmem>> -> memref<128xi32, #tpu.memory_space<vmem>>
      %dma_wait3A_459 = arith.constant 0 : i32
      %dma_wait3A_460 = arith.constant 0 : i32
      %dma_wait3A_461 = tpu.memref_slice %arg2[%dma_wait3A_459, %dma_wait3A_460] : memref<100000x64xf32, #tpu.memory_space<hbm>> -> memref<100000x64xf32, #tpu.memory_space<hbm>>
      tpu.wait_indirect_dma semaphore(%arg12 : memref<!tpu.dma_semaphore, #tpu.memory_space<semaphore_mem>>) src(%dma_wait3A_461 : memref<100000x64xf32, #tpu.memory_space<hbm>>) dst(%dma_wait3A_453 : memref<128x64xf32, #tpu.memory_space<vmem>>)
      %dma_wait3A_462 = arith.constant 1 : i32
      %dma_wait3A_463 = arith.constant 1 : i32
      %dma_wait3A_464 = arith.constant 0 : i32
      %dma_wait3A_465 = arith.constant 0 : i32
      %dma_wait3A_466 = tpu.memref_slice %arg8[%dma_wait3A_463, %dma_wait3A_464, %dma_wait3A_465] : memref<2x800x64xf32, #tpu.memory_space<vmem>> -> memref<1x800x64xf32, #tpu.memory_space<vmem>>
      %dma_wait3A_467 = tpu.memref_squeeze %dma_wait3A_466 : memref<1x800x64xf32, #tpu.memory_space<vmem>> -> memref<800x64xf32, #tpu.memory_space<vmem>>
      %dma_wait3A_468 = arith.constant 512 : i32
      %dma_wait3A_469 = arith.constant 0 : i32
      %dma_wait3A_470 = tpu.memref_slice %dma_wait3A_467[%dma_wait3A_468, %dma_wait3A_469] : memref<800x64xf32, #tpu.memory_space<vmem>> -> memref<128x64xf32, #tpu.memory_space<vmem>>
      %dma_wait3A_471 = arith.constant 0 : i32
      %dma_wait3A_472 = tpu.memref_slice %arg6[%dma_wait3A_462, %dma_wait3A_471] : memref<2x800xi32, #tpu.memory_space<vmem>> -> memref<1x800xi32, #tpu.memory_space<vmem>>
      %dma_wait3A_473 = tpu.memref_squeeze %dma_wait3A_472 : memref<1x800xi32, #tpu.memory_space<vmem>> -> memref<800xi32, #tpu.memory_space<vmem>>
      %dma_wait3A_474 = arith.constant 512 : i32
      %dma_wait3A_475 = tpu.memref_slice %dma_wait3A_473[%dma_wait3A_474] : memref<800xi32, #tpu.memory_space<vmem>> -> memref<128xi32, #tpu.memory_space<vmem>>
      %dma_wait3A_476 = arith.constant 0 : i32
      %dma_wait3A_477 = arith.constant 0 : i32
      %dma_wait3A_478 = tpu.memref_slice %arg2[%dma_wait3A_476, %dma_wait3A_477] : memref<100000x64xf32, #tpu.memory_space<hbm>> -> memref<100000x64xf32, #tpu.memory_space<hbm>>
      tpu.wait_indirect_dma semaphore(%arg12 : memref<!tpu.dma_semaphore, #tpu.memory_space<semaphore_mem>>) src(%dma_wait3A_478 : memref<100000x64xf32, #tpu.memory_space<hbm>>) dst(%dma_wait3A_470 : memref<128x64xf32, #tpu.memory_space<vmem>>)
      %dma_wait3A_479 = arith.constant 1 : i32
      %dma_wait3A_480 = arith.constant 1 : i32
      %dma_wait3A_481 = arith.constant 0 : i32
      %dma_wait3A_482 = arith.constant 0 : i32
      %dma_wait3A_483 = tpu.memref_slice %arg8[%dma_wait3A_480, %dma_wait3A_481, %dma_wait3A_482] : memref<2x800x64xf32, #tpu.memory_space<vmem>> -> memref<1x800x64xf32, #tpu.memory_space<vmem>>
      %dma_wait3A_484 = tpu.memref_squeeze %dma_wait3A_483 : memref<1x800x64xf32, #tpu.memory_space<vmem>> -> memref<800x64xf32, #tpu.memory_space<vmem>>
      %dma_wait3A_485 = arith.constant 640 : i32
      %dma_wait3A_486 = arith.constant 0 : i32
      %dma_wait3A_487 = tpu.memref_slice %dma_wait3A_484[%dma_wait3A_485, %dma_wait3A_486] : memref<800x64xf32, #tpu.memory_space<vmem>> -> memref<128x64xf32, #tpu.memory_space<vmem>>
      %dma_wait3A_488 = arith.constant 0 : i32
      %dma_wait3A_489 = tpu.memref_slice %arg6[%dma_wait3A_479, %dma_wait3A_488] : memref<2x800xi32, #tpu.memory_space<vmem>> -> memref<1x800xi32, #tpu.memory_space<vmem>>
      %dma_wait3A_490 = tpu.memref_squeeze %dma_wait3A_489 : memref<1x800xi32, #tpu.memory_space<vmem>> -> memref<800xi32, #tpu.memory_space<vmem>>
      %dma_wait3A_491 = arith.constant 640 : i32
      %dma_wait3A_492 = tpu.memref_slice %dma_wait3A_490[%dma_wait3A_491] : memref<800xi32, #tpu.memory_space<vmem>> -> memref<128xi32, #tpu.memory_space<vmem>>
      %dma_wait3A_493 = arith.constant 0 : i32
      %dma_wait3A_494 = arith.constant 0 : i32
      %dma_wait3A_495 = tpu.memref_slice %arg2[%dma_wait3A_493, %dma_wait3A_494] : memref<100000x64xf32, #tpu.memory_space<hbm>> -> memref<100000x64xf32, #tpu.memory_space<hbm>>
      tpu.wait_indirect_dma semaphore(%arg12 : memref<!tpu.dma_semaphore, #tpu.memory_space<semaphore_mem>>) src(%dma_wait3A_495 : memref<100000x64xf32, #tpu.memory_space<hbm>>) dst(%dma_wait3A_487 : memref<128x64xf32, #tpu.memory_space<vmem>>)
      %dma_wait3A_496 = arith.constant 1 : i32
      %dma_wait3A_497 = arith.constant 1 : i32
      %dma_wait3A_498 = arith.constant 0 : i32
      %dma_wait3A_499 = arith.constant 0 : i32
      %dma_wait3A_500 = tpu.memref_slice %arg8[%dma_wait3A_497, %dma_wait3A_498, %dma_wait3A_499] : memref<2x800x64xf32, #tpu.memory_space<vmem>> -> memref<1x800x64xf32, #tpu.memory_space<vmem>>
      %dma_wait3A_501 = tpu.memref_squeeze %dma_wait3A_500 : memref<1x800x64xf32, #tpu.memory_space<vmem>> -> memref<800x64xf32, #tpu.memory_space<vmem>>
      %dma_wait3A_502 = arith.constant 768 : i32
      %dma_wait3A_503 = arith.constant 0 : i32
      %dma_wait3A_504 = tpu.memref_slice %dma_wait3A_501[%dma_wait3A_502, %dma_wait3A_503] : memref<800x64xf32, #tpu.memory_space<vmem>> -> memref<32x64xf32, #tpu.memory_space<vmem>>
      %dma_wait3A_505 = arith.constant 0 : i32
      %dma_wait3A_506 = tpu.memref_slice %arg6[%dma_wait3A_496, %dma_wait3A_505] : memref<2x800xi32, #tpu.memory_space<vmem>> -> memref<1x800xi32, #tpu.memory_space<vmem>>
      %dma_wait3A_507 = tpu.memref_squeeze %dma_wait3A_506 : memref<1x800xi32, #tpu.memory_space<vmem>> -> memref<800xi32, #tpu.memory_space<vmem>>
      %dma_wait3A_508 = arith.constant 768 : i32
      %dma_wait3A_509 = tpu.memref_slice %dma_wait3A_507[%dma_wait3A_508] : memref<800xi32, #tpu.memory_space<vmem>> -> memref<32xi32, #tpu.memory_space<vmem>>
      %dma_wait3A_510 = arith.constant 0 : i32
      %dma_wait3A_511 = arith.constant 0 : i32
      %dma_wait3A_512 = tpu.memref_slice %arg2[%dma_wait3A_510, %dma_wait3A_511] : memref<100000x64xf32, #tpu.memory_space<hbm>> -> memref<100000x64xf32, #tpu.memory_space<hbm>>
      tpu.wait_indirect_dma semaphore(%arg12 : memref<!tpu.dma_semaphore, #tpu.memory_space<semaphore_mem>>) src(%dma_wait3A_512 : memref<100000x64xf32, #tpu.memory_space<hbm>>) dst(%dma_wait3A_504 : memref<32x64xf32, #tpu.memory_space<vmem>>)
      %scan3A_513 = arith.constant 0 : i32
      %scan3A_514 = arith.constant 100 : i32
      %scan3A_515 = arith.addi %scan3A_513, %scan3A_514 : i32
      %scan3A_516 = arith.constant 1 : i32
      scf.for %scan3A_541 = %scan3A_513 to %scan3A_515 step %scan3A_516  : i32 {
        %mul3A_542 = arith.constant 8 : i32
        %mul3A_543 = arith.muli %scan3A_541, %mul3A_542 : i32
        %add3A_544 = arith.constant 0 : i32
        %add3A_545 = arith.addi %add3A_544, %mul3A_543 : i32
        %add3A_546 = arith.constant 0 : i32
        %add3A_547 = arith.addi %add3A_545, %add3A_546 : i32
        %broadcast_in_dim3A_548 = vector.broadcast %add3A_547 : i32 to vector<16xi32>
        %gather3A = arith.constant 1 : i32
        %gather3A_549 = arith.constant 0 : i32
        %gather3A_550 = tpu.memref_slice %arg7[%gather3A, %gather3A_549] : memref<2x800xf32, #tpu.memory_space<vmem>> -> memref<1x800xf32, #tpu.memory_space<vmem>>
        %gather3A_551 = tpu.memref_squeeze %gather3A_550 : memref<1x800xf32, #tpu.memory_space<vmem>> -> memref<800xf32, #tpu.memory_space<vmem>>
        %gather3A_552 = tpu.vector_load_idx %gather3A_551[%broadcast_in_dim3A_548] : memref<800xf32, #tpu.memory_space<vmem>>[vector<16xi32>], vector<16xf32>,
        %add3A_553 = arith.constant 0 : i32
        %add3A_554 = arith.addi %add3A_545, %add3A_553 : i32
        %get3A = arith.constant 1 : i32
        %get3A_555 = arith.index_cast %get3A : i32 to index
        %get3A_556 = arith.index_cast %add3A_554 : i32 to index
        %get3A_557 = arith.constant 0 : index
        %get3A_558 = tpu.vector_load %arg8[%get3A_555, %get3A_556, %get3A_557] {strides = array<i32>} : memref<2x800x64xf32, #tpu.memory_space<vmem>>, vector<16xf32>,
        %mul3A_559 = arith.mulf %get3A_558, %gather3A_552 : vector<16xf32>
        %swap3A = arith.constant 1 : i32
        %swap3A_560 = arith.index_cast %swap3A : i32 to index
        %swap3A_561 = arith.index_cast %add3A_554 : i32 to index
        %swap3A_562 = arith.constant 0 : index
        %swap3A_563 = tpu.vector_load %arg8[%swap3A_560, %swap3A_561, %swap3A_562] {strides = array<i32>} : memref<2x800x64xf32, #tpu.memory_space<vmem>>, vector<16xf32>,
        tpu.vector_store %arg8[%swap3A_560, %swap3A_561, %swap3A_562], %mul3A_559 {strides = array<i32>} : memref<2x800x64xf32, #tpu.memory_space<vmem>>, vector<16xf32>,
        %add3A_564 = arith.constant 0 : i32
        %add3A_565 = arith.addi %add3A_545, %add3A_564 : i32
        %get3A_566 = arith.constant 1 : i32
        %get3A_567 = arith.index_cast %get3A_566 : i32 to index
        %get3A_568 = arith.index_cast %add3A_565 : i32 to index
        %get3A_569 = arith.constant 16 : index
        %get3A_570 = tpu.vector_load %arg8[%get3A_567, %get3A_568, %get3A_569] {strides = array<i32>} : memref<2x800x64xf32, #tpu.memory_space<vmem>>, vector<16xf32>,
        %mul3A_571 = arith.mulf %get3A_570, %gather3A_552 : vector<16xf32>
        %swap3A_572 = arith.constant 1 : i32
        %swap3A_573 = arith.index_cast %swap3A_572 : i32 to index
        %swap3A_574 = arith.index_cast %add3A_565 : i32 to index
        %swap3A_575 = arith.constant 16 : index
        %swap3A_576 = tpu.vector_load %arg8[%swap3A_573, %swap3A_574, %swap3A_575] {strides = array<i32>} : memref<2x800x64xf32, #tpu.memory_space<vmem>>, vector<16xf32>,
        tpu.vector_store %arg8[%swap3A_573, %swap3A_574, %swap3A_575], %mul3A_571 {strides = array<i32>} : memref<2x800x64xf32, #tpu.memory_space<vmem>>, vector<16xf32>,
        %add3A_577 = arith.constant 0 : i32
        %add3A_578 = arith.addi %add3A_545, %add3A_577 : i32
        %get3A_579 = arith.constant 1 : i32
        %get3A_580 = arith.index_cast %get3A_579 : i32 to index
        %get3A_581 = arith.index_cast %add3A_578 : i32 to index
        %get3A_582 = arith.constant 32 : index
        %get3A_583 = tpu.vector_load %arg8[%get3A_580, %get3A_581, %get3A_582] {strides = array<i32>} : memref<2x800x64xf32, #tpu.memory_space<vmem>>, vector<16xf32>,
        %mul3A_584 = arith.mulf %get3A_583, %gather3A_552 : vector<16xf32>
        %swap3A_585 = arith.constant 1 : i32
        %swap3A_586 = arith.index_cast %swap3A_585 : i32 to index
        %swap3A_587 = arith.index_cast %add3A_578 : i32 to index
        %swap3A_588 = arith.constant 32 : index
        %swap3A_589 = tpu.vector_load %arg8[%swap3A_586, %swap3A_587, %swap3A_588] {strides = array<i32>} : memref<2x800x64xf32, #tpu.memory_space<vmem>>, vector<16xf32>,
        tpu.vector_store %arg8[%swap3A_586, %swap3A_587, %swap3A_588], %mul3A_584 {strides = array<i32>} : memref<2x800x64xf32, #tpu.memory_space<vmem>>, vector<16xf32>,
        %add3A_590 = arith.constant 0 : i32
        %add3A_591 = arith.addi %add3A_545, %add3A_590 : i32
        %get3A_592 = arith.constant 1 : i32
        %get3A_593 = arith.index_cast %get3A_592 : i32 to index
        %get3A_594 = arith.index_cast %add3A_591 : i32 to index
        %get3A_595 = arith.constant 48 : index
        %get3A_596 = tpu.vector_load %arg8[%get3A_593, %get3A_594, %get3A_595] {strides = array<i32>} : memref<2x800x64xf32, #tpu.memory_space<vmem>>, vector<16xf32>,
        %mul3A_597 = arith.mulf %get3A_596, %gather3A_552 : vector<16xf32>
        %swap3A_598 = arith.constant 1 : i32
        %swap3A_599 = arith.index_cast %swap3A_598 : i32 to index
        %swap3A_600 = arith.index_cast %add3A_591 : i32 to index
        %swap3A_601 = arith.constant 48 : index
        %swap3A_602 = tpu.vector_load %arg8[%swap3A_599, %swap3A_600, %swap3A_601] {strides = array<i32>} : memref<2x800x64xf32, #tpu.memory_space<vmem>>, vector<16xf32>,
        tpu.vector_store %arg8[%swap3A_599, %swap3A_600, %swap3A_601], %mul3A_597 {strides = array<i32>} : memref<2x800x64xf32, #tpu.memory_space<vmem>>, vector<16xf32>,
        %add3A_603 = arith.constant 1 : i32
        %add3A_604 = arith.addi %add3A_545, %add3A_603 : i32
        %broadcast_in_dim3A_605 = vector.broadcast %add3A_604 : i32 to vector<16xi32>
        %gather3A_606 = arith.constant 1 : i32
        %gather3A_607 = arith.constant 0 : i32
        %gather3A_608 = tpu.memref_slice %arg7[%gather3A_606, %gather3A_607] : memref<2x800xf32, #tpu.memory_space<vmem>> -> memref<1x800xf32, #tpu.memory_space<vmem>>
        %gather3A_609 = tpu.memref_squeeze %gather3A_608 : memref<1x800xf32, #tpu.memory_space<vmem>> -> memref<800xf32, #tpu.memory_space<vmem>>
        %gather3A_610 = tpu.vector_load_idx %gather3A_609[%broadcast_in_dim3A_605] : memref<800xf32, #tpu.memory_space<vmem>>[vector<16xi32>], vector<16xf32>,
        %add3A_611 = arith.constant 1 : i32
        %add3A_612 = arith.addi %add3A_545, %add3A_611 : i32
        %get3A_613 = arith.constant 1 : i32
        %get3A_614 = arith.index_cast %get3A_613 : i32 to index
        %get3A_615 = arith.index_cast %add3A_612 : i32 to index
        %get3A_616 = arith.constant 0 : index
        %get3A_617 = tpu.vector_load %arg8[%get3A_614, %get3A_615, %get3A_616] {strides = array<i32>} : memref<2x800x64xf32, #tpu.memory_space<vmem>>, vector<16xf32>,
        %mul3A_618 = arith.mulf %get3A_617, %gather3A_610 : vector<16xf32>
        %swap3A_619 = arith.constant 1 : i32
        %swap3A_620 = arith.index_cast %swap3A_619 : i32 to index
        %swap3A_621 = arith.index_cast %add3A_612 : i32 to index
        %swap3A_622 = arith.constant 0 : index
        %swap3A_623 = tpu.vector_load %arg8[%swap3A_620, %swap3A_621, %swap3A_622] {strides = array<i32>} : memref<2x800x64xf32, #tpu.memory_space<vmem>>, vector<16xf32>,
        tpu.vector_store %arg8[%swap3A_620, %swap3A_621, %swap3A_622], %mul3A_618 {strides = array<i32>} : memref<2x800x64xf32, #tpu.memory_space<vmem>>, vector<16xf32>,
        %add3A_624 = arith.constant 1 : i32
        %add3A_625 = arith.addi %add3A_545, %add3A_624 : i32
        %get3A_626 = arith.constant 1 : i32
        %get3A_627 = arith.index_cast %get3A_626 : i32 to index
        %get3A_628 = arith.index_cast %add3A_625 : i32 to index
        %get3A_629 = arith.constant 16 : index
        %get3A_630 = tpu.vector_load %arg8[%get3A_627, %get3A_628, %get3A_629] {strides = array<i32>} : memref<2x800x64xf32, #tpu.memory_space<vmem>>, vector<16xf32>,
        %mul3A_631 = arith.mulf %get3A_630, %gather3A_610 : vector<16xf32>
        %swap3A_632 = arith.constant 1 : i32
        %swap3A_633 = arith.index_cast %swap3A_632 : i32 to index
        %swap3A_634 = arith.index_cast %add3A_625 : i32 to index
        %swap3A_635 = arith.constant 16 : index
        %swap3A_636 = tpu.vector_load %arg8[%swap3A_633, %swap3A_634, %swap3A_635] {strides = array<i32>} : memref<2x800x64xf32, #tpu.memory_space<vmem>>, vector<16xf32>,
        tpu.vector_store %arg8[%swap3A_633, %swap3A_634, %swap3A_635], %mul3A_631 {strides = array<i32>} : memref<2x800x64xf32, #tpu.memory_space<vmem>>, vector<16xf32>,
        %add3A_637 = arith.constant 1 : i32
        %add3A_638 = arith.addi %add3A_545, %add3A_637 : i32
        %get3A_639 = arith.constant 1 : i32
        %get3A_640 = arith.index_cast %get3A_639 : i32 to index
        %get3A_641 = arith.index_cast %add3A_638 : i32 to index
        %get3A_642 = arith.constant 32 : index
        %get3A_643 = tpu.vector_load %arg8[%get3A_640, %get3A_641, %get3A_642] {strides = array<i32>} : memref<2x800x64xf32, #tpu.memory_space<vmem>>, vector<16xf32>,
        %mul3A_644 = arith.mulf %get3A_643, %gather3A_610 : vector<16xf32>
        %swap3A_645 = arith.constant 1 : i32
        %swap3A_646 = arith.index_cast %swap3A_645 : i32 to index
        %swap3A_647 = arith.index_cast %add3A_638 : i32 to index
        %swap3A_648 = arith.constant 32 : index
        %swap3A_649 = tpu.vector_load %arg8[%swap3A_646, %swap3A_647, %swap3A_648] {strides = array<i32>} : memref<2x800x64xf32, #tpu.memory_space<vmem>>, vector<16xf32>,
        tpu.vector_store %arg8[%swap3A_646, %swap3A_647, %swap3A_648], %mul3A_644 {strides = array<i32>} : memref<2x800x64xf32, #tpu.memory_space<vmem>>, vector<16xf32>,
        %add3A_650 = arith.constant 1 : i32
        %add3A_651 = arith.addi %add3A_545, %add3A_650 : i32
        %get3A_652 = arith.constant 1 : i32
        %get3A_653 = arith.index_cast %get3A_652 : i32 to index
        %get3A_654 = arith.index_cast %add3A_651 : i32 to index
        %get3A_655 = arith.constant 48 : index
        %get3A_656 = tpu.vector_load %arg8[%get3A_653, %get3A_654, %get3A_655] {strides = array<i32>} : memref<2x800x64xf32, #tpu.memory_space<vmem>>, vector<16xf32>,
        %mul3A_657 = arith.mulf %get3A_656, %gather3A_610 : vector<16xf32>
        %swap3A_658 = arith.constant 1 : i32
        %swap3A_659 = arith.index_cast %swap3A_658 : i32 to index
        %swap3A_660 = arith.index_cast %add3A_651 : i32 to index
        %swap3A_661 = arith.constant 48 : index
        %swap3A_662 = tpu.vector_load %arg8[%swap3A_659, %swap3A_660, %swap3A_661] {strides = array<i32>} : memref<2x800x64xf32, #tpu.memory_space<vmem>>, vector<16xf32>,
        tpu.vector_store %arg8[%swap3A_659, %swap3A_660, %swap3A_661], %mul3A_657 {strides = array<i32>} : memref<2x800x64xf32, #tpu.memory_space<vmem>>, vector<16xf32>,
        %add3A_663 = arith.constant 2 : i32
        %add3A_664 = arith.addi %add3A_545, %add3A_663 : i32
        %broadcast_in_dim3A_665 = vector.broadcast %add3A_664 : i32 to vector<16xi32>
        %gather3A_666 = arith.constant 1 : i32
        %gather3A_667 = arith.constant 0 : i32
        %gather3A_668 = tpu.memref_slice %arg7[%gather3A_666, %gather3A_667] : memref<2x800xf32, #tpu.memory_space<vmem>> -> memref<1x800xf32, #tpu.memory_space<vmem>>
        %gather3A_669 = tpu.memref_squeeze %gather3A_668 : memref<1x800xf32, #tpu.memory_space<vmem>> -> memref<800xf32, #tpu.memory_space<vmem>>
        %gather3A_670 = tpu.vector_load_idx %gather3A_669[%broadcast_in_dim3A_665] : memref<800xf32, #tpu.memory_space<vmem>>[vector<16xi32>], vector<16xf32>,
        %add3A_671 = arith.constant 2 : i32
        %add3A_672 = arith.addi %add3A_545, %add3A_671 : i32
        %get3A_673 = arith.constant 1 : i32
        %get3A_674 = arith.index_cast %get3A_673 : i32 to index
        %get3A_675 = arith.index_cast %add3A_672 : i32 to index
        %get3A_676 = arith.constant 0 : index
        %get3A_677 = tpu.vector_load %arg8[%get3A_674, %get3A_675, %get3A_676] {strides = array<i32>} : memref<2x800x64xf32, #tpu.memory_space<vmem>>, vector<16xf32>,
        %mul3A_678 = arith.mulf %get3A_677, %gather3A_670 : vector<16xf32>
        %swap3A_679 = arith.constant 1 : i32
        %swap3A_680 = arith.index_cast %swap3A_679 : i32 to index
        %swap3A_681 = arith.index_cast %add3A_672 : i32 to index
        %swap3A_682 = arith.constant 0 : index
        %swap3A_683 = tpu.vector_load %arg8[%swap3A_680, %swap3A_681, %swap3A_682] {strides = array<i32>} : memref<2x800x64xf32, #tpu.memory_space<vmem>>, vector<16xf32>,
        tpu.vector_store %arg8[%swap3A_680, %swap3A_681, %swap3A_682], %mul3A_678 {strides = array<i32>} : memref<2x800x64xf32, #tpu.memory_space<vmem>>, vector<16xf32>,
        %add3A_684 = arith.constant 2 : i32
        %add3A_685 = arith.addi %add3A_545, %add3A_684 : i32
        %get3A_686 = arith.constant 1 : i32
        %get3A_687 = arith.index_cast %get3A_686 : i32 to index
        %get3A_688 = arith.index_cast %add3A_685 : i32 to index
        %get3A_689 = arith.constant 16 : index
        %get3A_690 = tpu.vector_load %arg8[%get3A_687, %get3A_688, %get3A_689] {strides = array<i32>} : memref<2x800x64xf32, #tpu.memory_space<vmem>>, vector<16xf32>,
        %mul3A_691 = arith.mulf %get3A_690, %gather3A_670 : vector<16xf32>
        %swap3A_692 = arith.constant 1 : i32
        %swap3A_693 = arith.index_cast %swap3A_692 : i32 to index
        %swap3A_694 = arith.index_cast %add3A_685 : i32 to index
        %swap3A_695 = arith.constant 16 : index
        %swap3A_696 = tpu.vector_load %arg8[%swap3A_693, %swap3A_694, %swap3A_695] {strides = array<i32>} : memref<2x800x64xf32, #tpu.memory_space<vmem>>, vector<16xf32>,
        tpu.vector_store %arg8[%swap3A_693, %swap3A_694, %swap3A_695], %mul3A_691 {strides = array<i32>} : memref<2x800x64xf32, #tpu.memory_space<vmem>>, vector<16xf32>,
        %add3A_697 = arith.constant 2 : i32
        %add3A_698 = arith.addi %add3A_545, %add3A_697 : i32
        %get3A_699 = arith.constant 1 : i32
        %get3A_700 = arith.index_cast %get3A_699 : i32 to index
        %get3A_701 = arith.index_cast %add3A_698 : i32 to index
        %get3A_702 = arith.constant 32 : index
        %get3A_703 = tpu.vector_load %arg8[%get3A_700, %get3A_701, %get3A_702] {strides = array<i32>} : memref<2x800x64xf32, #tpu.memory_space<vmem>>, vector<16xf32>,
        %mul3A_704 = arith.mulf %get3A_703, %gather3A_670 : vector<16xf32>
        %swap3A_705 = arith.constant 1 : i32
        %swap3A_706 = arith.index_cast %swap3A_705 : i32 to index
        %swap3A_707 = arith.index_cast %add3A_698 : i32 to index
        %swap3A_708 = arith.constant 32 : index
        %swap3A_709 = tpu.vector_load %arg8[%swap3A_706, %swap3A_707, %swap3A_708] {strides = array<i32>} : memref<2x800x64xf32, #tpu.memory_space<vmem>>, vector<16xf32>,
        tpu.vector_store %arg8[%swap3A_706, %swap3A_707, %swap3A_708], %mul3A_704 {strides = array<i32>} : memref<2x800x64xf32, #tpu.memory_space<vmem>>, vector<16xf32>,
        %add3A_710 = arith.constant 2 : i32
        %add3A_711 = arith.addi %add3A_545, %add3A_710 : i32
        %get3A_712 = arith.constant 1 : i32
        %get3A_713 = arith.index_cast %get3A_712 : i32 to index
        %get3A_714 = arith.index_cast %add3A_711 : i32 to index
        %get3A_715 = arith.constant 48 : index
        %get3A_716 = tpu.vector_load %arg8[%get3A_713, %get3A_714, %get3A_715] {strides = array<i32>} : memref<2x800x64xf32, #tpu.memory_space<vmem>>, vector<16xf32>,
        %mul3A_717 = arith.mulf %get3A_716, %gather3A_670 : vector<16xf32>
        %swap3A_718 = arith.constant 1 : i32
        %swap3A_719 = arith.index_cast %swap3A_718 : i32 to index
        %swap3A_720 = arith.index_cast %add3A_711 : i32 to index
        %swap3A_721 = arith.constant 48 : index
        %swap3A_722 = tpu.vector_load %arg8[%swap3A_719, %swap3A_720, %swap3A_721] {strides = array<i32>} : memref<2x800x64xf32, #tpu.memory_space<vmem>>, vector<16xf32>,
        tpu.vector_store %arg8[%swap3A_719, %swap3A_720, %swap3A_721], %mul3A_717 {strides = array<i32>} : memref<2x800x64xf32, #tpu.memory_space<vmem>>, vector<16xf32>,
        %add3A_723 = arith.constant 3 : i32
        %add3A_724 = arith.addi %add3A_545, %add3A_723 : i32
        %broadcast_in_dim3A_725 = vector.broadcast %add3A_724 : i32 to vector<16xi32>
        %gather3A_726 = arith.constant 1 : i32
        %gather3A_727 = arith.constant 0 : i32
        %gather3A_728 = tpu.memref_slice %arg7[%gather3A_726, %gather3A_727] : memref<2x800xf32, #tpu.memory_space<vmem>> -> memref<1x800xf32, #tpu.memory_space<vmem>>
        %gather3A_729 = tpu.memref_squeeze %gather3A_728 : memref<1x800xf32, #tpu.memory_space<vmem>> -> memref<800xf32, #tpu.memory_space<vmem>>
        %gather3A_730 = tpu.vector_load_idx %gather3A_729[%broadcast_in_dim3A_725] : memref<800xf32, #tpu.memory_space<vmem>>[vector<16xi32>], vector<16xf32>,
        %add3A_731 = arith.constant 3 : i32
        %add3A_732 = arith.addi %add3A_545, %add3A_731 : i32
        %get3A_733 = arith.constant 1 : i32
        %get3A_734 = arith.index_cast %get3A_733 : i32 to index
        %get3A_735 = arith.index_cast %add3A_732 : i32 to index
        %get3A_736 = arith.constant 0 : index
        %get3A_737 = tpu.vector_load %arg8[%get3A_734, %get3A_735, %get3A_736] {strides = array<i32>} : memref<2x800x64xf32, #tpu.memory_space<vmem>>, vector<16xf32>,
        %mul3A_738 = arith.mulf %get3A_737, %gather3A_730 : vector<16xf32>
        %swap3A_739 = arith.constant 1 : i32
        %swap3A_740 = arith.index_cast %swap3A_739 : i32 to index
        %swap3A_741 = arith.index_cast %add3A_732 : i32 to index
        %swap3A_742 = arith.constant 0 : index
        %swap3A_743 = tpu.vector_load %arg8[%swap3A_740, %swap3A_741, %swap3A_742] {strides = array<i32>} : memref<2x800x64xf32, #tpu.memory_space<vmem>>, vector<16xf32>,
        tpu.vector_store %arg8[%swap3A_740, %swap3A_741, %swap3A_742], %mul3A_738 {strides = array<i32>} : memref<2x800x64xf32, #tpu.memory_space<vmem>>, vector<16xf32>,
        %add3A_744 = arith.constant 3 : i32
        %add3A_745 = arith.addi %add3A_545, %add3A_744 : i32
        %get3A_746 = arith.constant 1 : i32
        %get3A_747 = arith.index_cast %get3A_746 : i32 to index
        %get3A_748 = arith.index_cast %add3A_745 : i32 to index
        %get3A_749 = arith.constant 16 : index
        %get3A_750 = tpu.vector_load %arg8[%get3A_747, %get3A_748, %get3A_749] {strides = array<i32>} : memref<2x800x64xf32, #tpu.memory_space<vmem>>, vector<16xf32>,
        %mul3A_751 = arith.mulf %get3A_750, %gather3A_730 : vector<16xf32>
        %swap3A_752 = arith.constant 1 : i32
        %swap3A_753 = arith.index_cast %swap3A_752 : i32 to index
        %swap3A_754 = arith.index_cast %add3A_745 : i32 to index
        %swap3A_755 = arith.constant 16 : index
        %swap3A_756 = tpu.vector_load %arg8[%swap3A_753, %swap3A_754, %swap3A_755] {strides = array<i32>} : memref<2x800x64xf32, #tpu.memory_space<vmem>>, vector<16xf32>,
        tpu.vector_store %arg8[%swap3A_753, %swap3A_754, %swap3A_755], %mul3A_751 {strides = array<i32>} : memref<2x800x64xf32, #tpu.memory_space<vmem>>, vector<16xf32>,
        %add3A_757 = arith.constant 3 : i32
        %add3A_758 = arith.addi %add3A_545, %add3A_757 : i32
        %get3A_759 = arith.constant 1 : i32
        %get3A_760 = arith.index_cast %get3A_759 : i32 to index
        %get3A_761 = arith.index_cast %add3A_758 : i32 to index
        %get3A_762 = arith.constant 32 : index
        %get3A_763 = tpu.vector_load %arg8[%get3A_760, %get3A_761, %get3A_762] {strides = array<i32>} : memref<2x800x64xf32, #tpu.memory_space<vmem>>, vector<16xf32>,
        %mul3A_764 = arith.mulf %get3A_763, %gather3A_730 : vector<16xf32>
        %swap3A_765 = arith.constant 1 : i32
        %swap3A_766 = arith.index_cast %swap3A_765 : i32 to index
        %swap3A_767 = arith.index_cast %add3A_758 : i32 to index
        %swap3A_768 = arith.constant 32 : index
        %swap3A_769 = tpu.vector_load %arg8[%swap3A_766, %swap3A_767, %swap3A_768] {strides = array<i32>} : memref<2x800x64xf32, #tpu.memory_space<vmem>>, vector<16xf32>,
        tpu.vector_store %arg8[%swap3A_766, %swap3A_767, %swap3A_768], %mul3A_764 {strides = array<i32>} : memref<2x800x64xf32, #tpu.memory_space<vmem>>, vector<16xf32>,
        %add3A_770 = arith.constant 3 : i32
        %add3A_771 = arith.addi %add3A_545, %add3A_770 : i32
        %get3A_772 = arith.constant 1 : i32
        %get3A_773 = arith.index_cast %get3A_772 : i32 to index
        %get3A_774 = arith.index_cast %add3A_771 : i32 to index
        %get3A_775 = arith.constant 48 : index
        %get3A_776 = tpu.vector_load %arg8[%get3A_773, %get3A_774, %get3A_775] {strides = array<i32>} : memref<2x800x64xf32, #tpu.memory_space<vmem>>, vector<16xf32>,
        %mul3A_777 = arith.mulf %get3A_776, %gather3A_730 : vector<16xf32>
        %swap3A_778 = arith.constant 1 : i32
        %swap3A_779 = arith.index_cast %swap3A_778 : i32 to index
        %swap3A_780 = arith.index_cast %add3A_771 : i32 to index
        %swap3A_781 = arith.constant 48 : index
        %swap3A_782 = tpu.vector_load %arg8[%swap3A_779, %swap3A_780, %swap3A_781] {strides = array<i32>} : memref<2x800x64xf32, #tpu.memory_space<vmem>>, vector<16xf32>,
        tpu.vector_store %arg8[%swap3A_779, %swap3A_780, %swap3A_781], %mul3A_777 {strides = array<i32>} : memref<2x800x64xf32, #tpu.memory_space<vmem>>, vector<16xf32>,
        %add3A_783 = arith.constant 4 : i32
        %add3A_784 = arith.addi %add3A_545, %add3A_783 : i32
        %broadcast_in_dim3A_785 = vector.broadcast %add3A_784 : i32 to vector<16xi32>
        %gather3A_786 = arith.constant 1 : i32
        %gather3A_787 = arith.constant 0 : i32
        %gather3A_788 = tpu.memref_slice %arg7[%gather3A_786, %gather3A_787] : memref<2x800xf32, #tpu.memory_space<vmem>> -> memref<1x800xf32, #tpu.memory_space<vmem>>
        %gather3A_789 = tpu.memref_squeeze %gather3A_788 : memref<1x800xf32, #tpu.memory_space<vmem>> -> memref<800xf32, #tpu.memory_space<vmem>>
        %gather3A_790 = tpu.vector_load_idx %gather3A_789[%broadcast_in_dim3A_785] : memref<800xf32, #tpu.memory_space<vmem>>[vector<16xi32>], vector<16xf32>,
        %add3A_791 = arith.constant 4 : i32
        %add3A_792 = arith.addi %add3A_545, %add3A_791 : i32
        %get3A_793 = arith.constant 1 : i32
        %get3A_794 = arith.index_cast %get3A_793 : i32 to index
        %get3A_795 = arith.index_cast %add3A_792 : i32 to index
        %get3A_796 = arith.constant 0 : index
        %get3A_797 = tpu.vector_load %arg8[%get3A_794, %get3A_795, %get3A_796] {strides = array<i32>} : memref<2x800x64xf32, #tpu.memory_space<vmem>>, vector<16xf32>,
        %mul3A_798 = arith.mulf %get3A_797, %gather3A_790 : vector<16xf32>
        %swap3A_799 = arith.constant 1 : i32
        %swap3A_800 = arith.index_cast %swap3A_799 : i32 to index
        %swap3A_801 = arith.index_cast %add3A_792 : i32 to index
        %swap3A_802 = arith.constant 0 : index
        %swap3A_803 = tpu.vector_load %arg8[%swap3A_800, %swap3A_801, %swap3A_802] {strides = array<i32>} : memref<2x800x64xf32, #tpu.memory_space<vmem>>, vector<16xf32>,
        tpu.vector_store %arg8[%swap3A_800, %swap3A_801, %swap3A_802], %mul3A_798 {strides = array<i32>} : memref<2x800x64xf32, #tpu.memory_space<vmem>>, vector<16xf32>,
        %add3A_804 = arith.constant 4 : i32
        %add3A_805 = arith.addi %add3A_545, %add3A_804 : i32
        %get3A_806 = arith.constant 1 : i32
        %get3A_807 = arith.index_cast %get3A_806 : i32 to index
        %get3A_808 = arith.index_cast %add3A_805 : i32 to index
        %get3A_809 = arith.constant 16 : index
        %get3A_810 = tpu.vector_load %arg8[%get3A_807, %get3A_808, %get3A_809] {strides = array<i32>} : memref<2x800x64xf32, #tpu.memory_space<vmem>>, vector<16xf32>,
        %mul3A_811 = arith.mulf %get3A_810, %gather3A_790 : vector<16xf32>
        %swap3A_812 = arith.constant 1 : i32
        %swap3A_813 = arith.index_cast %swap3A_812 : i32 to index
        %swap3A_814 = arith.index_cast %add3A_805 : i32 to index
        %swap3A_815 = arith.constant 16 : index
        %swap3A_816 = tpu.vector_load %arg8[%swap3A_813, %swap3A_814, %swap3A_815] {strides = array<i32>} : memref<2x800x64xf32, #tpu.memory_space<vmem>>, vector<16xf32>,
        tpu.vector_store %arg8[%swap3A_813, %swap3A_814, %swap3A_815], %mul3A_811 {strides = array<i32>} : memref<2x800x64xf32, #tpu.memory_space<vmem>>, vector<16xf32>,
        %add3A_817 = arith.constant 4 : i32
        %add3A_818 = arith.addi %add3A_545, %add3A_817 : i32
        %get3A_819 = arith.constant 1 : i32
        %get3A_820 = arith.index_cast %get3A_819 : i32 to index
        %get3A_821 = arith.index_cast %add3A_818 : i32 to index
        %get3A_822 = arith.constant 32 : index
        %get3A_823 = tpu.vector_load %arg8[%get3A_820, %get3A_821, %get3A_822] {strides = array<i32>} : memref<2x800x64xf32, #tpu.memory_space<vmem>>, vector<16xf32>,
        %mul3A_824 = arith.mulf %get3A_823, %gather3A_790 : vector<16xf32>
        %swap3A_825 = arith.constant 1 : i32
        %swap3A_826 = arith.index_cast %swap3A_825 : i32 to index
        %swap3A_827 = arith.index_cast %add3A_818 : i32 to index
        %swap3A_828 = arith.constant 32 : index
        %swap3A_829 = tpu.vector_load %arg8[%swap3A_826, %swap3A_827, %swap3A_828] {strides = array<i32>} : memref<2x800x64xf32, #tpu.memory_space<vmem>>, vector<16xf32>,
        tpu.vector_store %arg8[%swap3A_826, %swap3A_827, %swap3A_828], %mul3A_824 {strides = array<i32>} : memref<2x800x64xf32, #tpu.memory_space<vmem>>, vector<16xf32>,
        %add3A_830 = arith.constant 4 : i32
        %add3A_831 = arith.addi %add3A_545, %add3A_830 : i32
        %get3A_832 = arith.constant 1 : i32
        %get3A_833 = arith.index_cast %get3A_832 : i32 to index
        %get3A_834 = arith.index_cast %add3A_831 : i32 to index
        %get3A_835 = arith.constant 48 : index
        %get3A_836 = tpu.vector_load %arg8[%get3A_833, %get3A_834, %get3A_835] {strides = array<i32>} : memref<2x800x64xf32, #tpu.memory_space<vmem>>, vector<16xf32>,
        %mul3A_837 = arith.mulf %get3A_836, %gather3A_790 : vector<16xf32>
        %swap3A_838 = arith.constant 1 : i32
        %swap3A_839 = arith.index_cast %swap3A_838 : i32 to index
        %swap3A_840 = arith.index_cast %add3A_831 : i32 to index
        %swap3A_841 = arith.constant 48 : index
        %swap3A_842 = tpu.vector_load %arg8[%swap3A_839, %swap3A_840, %swap3A_841] {strides = array<i32>} : memref<2x800x64xf32, #tpu.memory_space<vmem>>, vector<16xf32>,
        tpu.vector_store %arg8[%swap3A_839, %swap3A_840, %swap3A_841], %mul3A_837 {strides = array<i32>} : memref<2x800x64xf32, #tpu.memory_space<vmem>>, vector<16xf32>,
        %add3A_843 = arith.constant 5 : i32
        %add3A_844 = arith.addi %add3A_545, %add3A_843 : i32
        %broadcast_in_dim3A_845 = vector.broadcast %add3A_844 : i32 to vector<16xi32>
        %gather3A_846 = arith.constant 1 : i32
        %gather3A_847 = arith.constant 0 : i32
        %gather3A_848 = tpu.memref_slice %arg7[%gather3A_846, %gather3A_847] : memref<2x800xf32, #tpu.memory_space<vmem>> -> memref<1x800xf32, #tpu.memory_space<vmem>>
        %gather3A_849 = tpu.memref_squeeze %gather3A_848 : memref<1x800xf32, #tpu.memory_space<vmem>> -> memref<800xf32, #tpu.memory_space<vmem>>
        %gather3A_850 = tpu.vector_load_idx %gather3A_849[%broadcast_in_dim3A_845] : memref<800xf32, #tpu.memory_space<vmem>>[vector<16xi32>], vector<16xf32>,
        %add3A_851 = arith.constant 5 : i32
        %add3A_852 = arith.addi %add3A_545, %add3A_851 : i32
        %get3A_853 = arith.constant 1 : i32
        %get3A_854 = arith.index_cast %get3A_853 : i32 to index
        %get3A_855 = arith.index_cast %add3A_852 : i32 to index
        %get3A_856 = arith.constant 0 : index
        %get3A_857 = tpu.vector_load %arg8[%get3A_854, %get3A_855, %get3A_856] {strides = array<i32>} : memref<2x800x64xf32, #tpu.memory_space<vmem>>, vector<16xf32>,
        %mul3A_858 = arith.mulf %get3A_857, %gather3A_850 : vector<16xf32>
        %swap3A_859 = arith.constant 1 : i32
        %swap3A_860 = arith.index_cast %swap3A_859 : i32 to index
        %swap3A_861 = arith.index_cast %add3A_852 : i32 to index
        %swap3A_862 = arith.constant 0 : index
        %swap3A_863 = tpu.vector_load %arg8[%swap3A_860, %swap3A_861, %swap3A_862] {strides = array<i32>} : memref<2x800x64xf32, #tpu.memory_space<vmem>>, vector<16xf32>,
        tpu.vector_store %arg8[%swap3A_860, %swap3A_861, %swap3A_862], %mul3A_858 {strides = array<i32>} : memref<2x800x64xf32, #tpu.memory_space<vmem>>, vector<16xf32>,
        %add3A_864 = arith.constant 5 : i32
        %add3A_865 = arith.addi %add3A_545, %add3A_864 : i32
        %get3A_866 = arith.constant 1 : i32
        %get3A_867 = arith.index_cast %get3A_866 : i32 to index
        %get3A_868 = arith.index_cast %add3A_865 : i32 to index
        %get3A_869 = arith.constant 16 : index
        %get3A_870 = tpu.vector_load %arg8[%get3A_867, %get3A_868, %get3A_869] {strides = array<i32>} : memref<2x800x64xf32, #tpu.memory_space<vmem>>, vector<16xf32>,
        %mul3A_871 = arith.mulf %get3A_870, %gather3A_850 : vector<16xf32>
        %swap3A_872 = arith.constant 1 : i32
        %swap3A_873 = arith.index_cast %swap3A_872 : i32 to index
        %swap3A_874 = arith.index_cast %add3A_865 : i32 to index
        %swap3A_875 = arith.constant 16 : index
        %swap3A_876 = tpu.vector_load %arg8[%swap3A_873, %swap3A_874, %swap3A_875] {strides = array<i32>} : memref<2x800x64xf32, #tpu.memory_space<vmem>>, vector<16xf32>,
        tpu.vector_store %arg8[%swap3A_873, %swap3A_874, %swap3A_875], %mul3A_871 {strides = array<i32>} : memref<2x800x64xf32, #tpu.memory_space<vmem>>, vector<16xf32>,
        %add3A_877 = arith.constant 5 : i32
        %add3A_878 = arith.addi %add3A_545, %add3A_877 : i32
        %get3A_879 = arith.constant 1 : i32
        %get3A_880 = arith.index_cast %get3A_879 : i32 to index
        %get3A_881 = arith.index_cast %add3A_878 : i32 to index
        %get3A_882 = arith.constant 32 : index
        %get3A_883 = tpu.vector_load %arg8[%get3A_880, %get3A_881, %get3A_882] {strides = array<i32>} : memref<2x800x64xf32, #tpu.memory_space<vmem>>, vector<16xf32>,
        %mul3A_884 = arith.mulf %get3A_883, %gather3A_850 : vector<16xf32>
        %swap3A_885 = arith.constant 1 : i32
        %swap3A_886 = arith.index_cast %swap3A_885 : i32 to index
        %swap3A_887 = arith.index_cast %add3A_878 : i32 to index
        %swap3A_888 = arith.constant 32 : index
        %swap3A_889 = tpu.vector_load %arg8[%swap3A_886, %swap3A_887, %swap3A_888] {strides = array<i32>} : memref<2x800x64xf32, #tpu.memory_space<vmem>>, vector<16xf32>,
        tpu.vector_store %arg8[%swap3A_886, %swap3A_887, %swap3A_888], %mul3A_884 {strides = array<i32>} : memref<2x800x64xf32, #tpu.memory_space<vmem>>, vector<16xf32>,
        %add3A_890 = arith.constant 5 : i32
        %add3A_891 = arith.addi %add3A_545, %add3A_890 : i32
        %get3A_892 = arith.constant 1 : i32
        %get3A_893 = arith.index_cast %get3A_892 : i32 to index
        %get3A_894 = arith.index_cast %add3A_891 : i32 to index
        %get3A_895 = arith.constant 48 : index
        %get3A_896 = tpu.vector_load %arg8[%get3A_893, %get3A_894, %get3A_895] {strides = array<i32>} : memref<2x800x64xf32, #tpu.memory_space<vmem>>, vector<16xf32>,
        %mul3A_897 = arith.mulf %get3A_896, %gather3A_850 : vector<16xf32>
        %swap3A_898 = arith.constant 1 : i32
        %swap3A_899 = arith.index_cast %swap3A_898 : i32 to index
        %swap3A_900 = arith.index_cast %add3A_891 : i32 to index
        %swap3A_901 = arith.constant 48 : index
        %swap3A_902 = tpu.vector_load %arg8[%swap3A_899, %swap3A_900, %swap3A_901] {strides = array<i32>} : memref<2x800x64xf32, #tpu.memory_space<vmem>>, vector<16xf32>,
        tpu.vector_store %arg8[%swap3A_899, %swap3A_900, %swap3A_901], %mul3A_897 {strides = array<i32>} : memref<2x800x64xf32, #tpu.memory_space<vmem>>, vector<16xf32>,
        %add3A_903 = arith.constant 6 : i32
        %add3A_904 = arith.addi %add3A_545, %add3A_903 : i32
        %broadcast_in_dim3A_905 = vector.broadcast %add3A_904 : i32 to vector<16xi32>
        %gather3A_906 = arith.constant 1 : i32
        %gather3A_907 = arith.constant 0 : i32
        %gather3A_908 = tpu.memref_slice %arg7[%gather3A_906, %gather3A_907] : memref<2x800xf32, #tpu.memory_space<vmem>> -> memref<1x800xf32, #tpu.memory_space<vmem>>
        %gather3A_909 = tpu.memref_squeeze %gather3A_908 : memref<1x800xf32, #tpu.memory_space<vmem>> -> memref<800xf32, #tpu.memory_space<vmem>>
        %gather3A_910 = tpu.vector_load_idx %gather3A_909[%broadcast_in_dim3A_905] : memref<800xf32, #tpu.memory_space<vmem>>[vector<16xi32>], vector<16xf32>,
        %add3A_911 = arith.constant 6 : i32
        %add3A_912 = arith.addi %add3A_545, %add3A_911 : i32
        %get3A_913 = arith.constant 1 : i32
        %get3A_914 = arith.index_cast %get3A_913 : i32 to index
        %get3A_915 = arith.index_cast %add3A_912 : i32 to index
        %get3A_916 = arith.constant 0 : index
        %get3A_917 = tpu.vector_load %arg8[%get3A_914, %get3A_915, %get3A_916] {strides = array<i32>} : memref<2x800x64xf32, #tpu.memory_space<vmem>>, vector<16xf32>,
        %mul3A_918 = arith.mulf %get3A_917, %gather3A_910 : vector<16xf32>
        %swap3A_919 = arith.constant 1 : i32
        %swap3A_920 = arith.index_cast %swap3A_919 : i32 to index
        %swap3A_921 = arith.index_cast %add3A_912 : i32 to index
        %swap3A_922 = arith.constant 0 : index
        %swap3A_923 = tpu.vector_load %arg8[%swap3A_920, %swap3A_921, %swap3A_922] {strides = array<i32>} : memref<2x800x64xf32, #tpu.memory_space<vmem>>, vector<16xf32>,
        tpu.vector_store %arg8[%swap3A_920, %swap3A_921, %swap3A_922], %mul3A_918 {strides = array<i32>} : memref<2x800x64xf32, #tpu.memory_space<vmem>>, vector<16xf32>,
        %add3A_924 = arith.constant 6 : i32
        %add3A_925 = arith.addi %add3A_545, %add3A_924 : i32
        %get3A_926 = arith.constant 1 : i32
        %get3A_927 = arith.index_cast %get3A_926 : i32 to index
        %get3A_928 = arith.index_cast %add3A_925 : i32 to index
        %get3A_929 = arith.constant 16 : index
        %get3A_930 = tpu.vector_load %arg8[%get3A_927, %get3A_928, %get3A_929] {strides = array<i32>} : memref<2x800x64xf32, #tpu.memory_space<vmem>>, vector<16xf32>,
        %mul3A_931 = arith.mulf %get3A_930, %gather3A_910 : vector<16xf32>
        %swap3A_932 = arith.constant 1 : i32
        %swap3A_933 = arith.index_cast %swap3A_932 : i32 to index
        %swap3A_934 = arith.index_cast %add3A_925 : i32 to index
        %swap3A_935 = arith.constant 16 : index
        %swap3A_936 = tpu.vector_load %arg8[%swap3A_933, %swap3A_934, %swap3A_935] {strides = array<i32>} : memref<2x800x64xf32, #tpu.memory_space<vmem>>, vector<16xf32>,
        tpu.vector_store %arg8[%swap3A_933, %swap3A_934, %swap3A_935], %mul3A_931 {strides = array<i32>} : memref<2x800x64xf32, #tpu.memory_space<vmem>>, vector<16xf32>,
        %add3A_937 = arith.constant 6 : i32
        %add3A_938 = arith.addi %add3A_545, %add3A_937 : i32
        %get3A_939 = arith.constant 1 : i32
        %get3A_940 = arith.index_cast %get3A_939 : i32 to index
        %get3A_941 = arith.index_cast %add3A_938 : i32 to index
        %get3A_942 = arith.constant 32 : index
        %get3A_943 = tpu.vector_load %arg8[%get3A_940, %get3A_941, %get3A_942] {strides = array<i32>} : memref<2x800x64xf32, #tpu.memory_space<vmem>>, vector<16xf32>,
        %mul3A_944 = arith.mulf %get3A_943, %gather3A_910 : vector<16xf32>
        %swap3A_945 = arith.constant 1 : i32
        %swap3A_946 = arith.index_cast %swap3A_945 : i32 to index
        %swap3A_947 = arith.index_cast %add3A_938 : i32 to index
        %swap3A_948 = arith.constant 32 : index
        %swap3A_949 = tpu.vector_load %arg8[%swap3A_946, %swap3A_947, %swap3A_948] {strides = array<i32>} : memref<2x800x64xf32, #tpu.memory_space<vmem>>, vector<16xf32>,
        tpu.vector_store %arg8[%swap3A_946, %swap3A_947, %swap3A_948], %mul3A_944 {strides = array<i32>} : memref<2x800x64xf32, #tpu.memory_space<vmem>>, vector<16xf32>,
        %add3A_950 = arith.constant 6 : i32
        %add3A_951 = arith.addi %add3A_545, %add3A_950 : i32
        %get3A_952 = arith.constant 1 : i32
        %get3A_953 = arith.index_cast %get3A_952 : i32 to index
        %get3A_954 = arith.index_cast %add3A_951 : i32 to index
        %get3A_955 = arith.constant 48 : index
        %get3A_956 = tpu.vector_load %arg8[%get3A_953, %get3A_954, %get3A_955] {strides = array<i32>} : memref<2x800x64xf32, #tpu.memory_space<vmem>>, vector<16xf32>,
        %mul3A_957 = arith.mulf %get3A_956, %gather3A_910 : vector<16xf32>
        %swap3A_958 = arith.constant 1 : i32
        %swap3A_959 = arith.index_cast %swap3A_958 : i32 to index
        %swap3A_960 = arith.index_cast %add3A_951 : i32 to index
        %swap3A_961 = arith.constant 48 : index
        %swap3A_962 = tpu.vector_load %arg8[%swap3A_959, %swap3A_960, %swap3A_961] {strides = array<i32>} : memref<2x800x64xf32, #tpu.memory_space<vmem>>, vector<16xf32>,
        tpu.vector_store %arg8[%swap3A_959, %swap3A_960, %swap3A_961], %mul3A_957 {strides = array<i32>} : memref<2x800x64xf32, #tpu.memory_space<vmem>>, vector<16xf32>,
        %add3A_963 = arith.constant 7 : i32
        %add3A_964 = arith.addi %add3A_545, %add3A_963 : i32
        %broadcast_in_dim3A_965 = vector.broadcast %add3A_964 : i32 to vector<16xi32>
        %gather3A_966 = arith.constant 1 : i32
        %gather3A_967 = arith.constant 0 : i32
        %gather3A_968 = tpu.memref_slice %arg7[%gather3A_966, %gather3A_967] : memref<2x800xf32, #tpu.memory_space<vmem>> -> memref<1x800xf32, #tpu.memory_space<vmem>>
        %gather3A_969 = tpu.memref_squeeze %gather3A_968 : memref<1x800xf32, #tpu.memory_space<vmem>> -> memref<800xf32, #tpu.memory_space<vmem>>
        %gather3A_970 = tpu.vector_load_idx %gather3A_969[%broadcast_in_dim3A_965] : memref<800xf32, #tpu.memory_space<vmem>>[vector<16xi32>], vector<16xf32>,
        %add3A_971 = arith.constant 7 : i32
        %add3A_972 = arith.addi %add3A_545, %add3A_971 : i32
        %get3A_973 = arith.constant 1 : i32
        %get3A_974 = arith.index_cast %get3A_973 : i32 to index
        %get3A_975 = arith.index_cast %add3A_972 : i32 to index
        %get3A_976 = arith.constant 0 : index
        %get3A_977 = tpu.vector_load %arg8[%get3A_974, %get3A_975, %get3A_976] {strides = array<i32>} : memref<2x800x64xf32, #tpu.memory_space<vmem>>, vector<16xf32>,
        %mul3A_978 = arith.mulf %get3A_977, %gather3A_970 : vector<16xf32>
        %swap3A_979 = arith.constant 1 : i32
        %swap3A_980 = arith.index_cast %swap3A_979 : i32 to index
        %swap3A_981 = arith.index_cast %add3A_972 : i32 to index
        %swap3A_982 = arith.constant 0 : index
        %swap3A_983 = tpu.vector_load %arg8[%swap3A_980, %swap3A_981, %swap3A_982] {strides = array<i32>} : memref<2x800x64xf32, #tpu.memory_space<vmem>>, vector<16xf32>,
        tpu.vector_store %arg8[%swap3A_980, %swap3A_981, %swap3A_982], %mul3A_978 {strides = array<i32>} : memref<2x800x64xf32, #tpu.memory_space<vmem>>, vector<16xf32>,
        %add3A_984 = arith.constant 7 : i32
        %add3A_985 = arith.addi %add3A_545, %add3A_984 : i32
        %get3A_986 = arith.constant 1 : i32
        %get3A_987 = arith.index_cast %get3A_986 : i32 to index
        %get3A_988 = arith.index_cast %add3A_985 : i32 to index
        %get3A_989 = arith.constant 16 : index
        %get3A_990 = tpu.vector_load %arg8[%get3A_987, %get3A_988, %get3A_989] {strides = array<i32>} : memref<2x800x64xf32, #tpu.memory_space<vmem>>, vector<16xf32>,
        %mul3A_991 = arith.mulf %get3A_990, %gather3A_970 : vector<16xf32>
        %swap3A_992 = arith.constant 1 : i32
        %swap3A_993 = arith.index_cast %swap3A_992 : i32 to index
        %swap3A_994 = arith.index_cast %add3A_985 : i32 to index
        %swap3A_995 = arith.constant 16 : index
        %swap3A_996 = tpu.vector_load %arg8[%swap3A_993, %swap3A_994, %swap3A_995] {strides = array<i32>} : memref<2x800x64xf32, #tpu.memory_space<vmem>>, vector<16xf32>,
        tpu.vector_store %arg8[%swap3A_993, %swap3A_994, %swap3A_995], %mul3A_991 {strides = array<i32>} : memref<2x800x64xf32, #tpu.memory_space<vmem>>, vector<16xf32>,
        %add3A_997 = arith.constant 7 : i32
        %add3A_998 = arith.addi %add3A_545, %add3A_997 : i32
        %get3A_999 = arith.constant 1 : i32
        %get3A_1000 = arith.index_cast %get3A_999 : i32 to index
        %get3A_1001 = arith.index_cast %add3A_998 : i32 to index
        %get3A_1002 = arith.constant 32 : index
        %get3A_1003 = tpu.vector_load %arg8[%get3A_1000, %get3A_1001, %get3A_1002] {strides = array<i32>} : memref<2x800x64xf32, #tpu.memory_space<vmem>>, vector<16xf32>,
        %mul3A_1004 = arith.mulf %get3A_1003, %gather3A_970 : vector<16xf32>
        %swap3A_1005 = arith.constant 1 : i32
        %swap3A_1006 = arith.index_cast %swap3A_1005 : i32 to index
        %swap3A_1007 = arith.index_cast %add3A_998 : i32 to index
        %swap3A_1008 = arith.constant 32 : index
        %swap3A_1009 = tpu.vector_load %arg8[%swap3A_1006, %swap3A_1007, %swap3A_1008] {strides = array<i32>} : memref<2x800x64xf32, #tpu.memory_space<vmem>>, vector<16xf32>,
        tpu.vector_store %arg8[%swap3A_1006, %swap3A_1007, %swap3A_1008], %mul3A_1004 {strides = array<i32>} : memref<2x800x64xf32, #tpu.memory_space<vmem>>, vector<16xf32>,
        %add3A_1010 = arith.constant 7 : i32
        %add3A_1011 = arith.addi %add3A_545, %add3A_1010 : i32
        %get3A_1012 = arith.constant 1 : i32
        %get3A_1013 = arith.index_cast %get3A_1012 : i32 to index
        %get3A_1014 = arith.index_cast %add3A_1011 : i32 to index
        %get3A_1015 = arith.constant 48 : index
        %get3A_1016 = tpu.vector_load %arg8[%get3A_1013, %get3A_1014, %get3A_1015] {strides = array<i32>} : memref<2x800x64xf32, #tpu.memory_space<vmem>>, vector<16xf32>,
        %mul3A_1017 = arith.mulf %get3A_1016, %gather3A_970 : vector<16xf32>
        %swap3A_1018 = arith.constant 1 : i32
        %swap3A_1019 = arith.index_cast %swap3A_1018 : i32 to index
        %swap3A_1020 = arith.index_cast %add3A_1011 : i32 to index
        %swap3A_1021 = arith.constant 48 : index
        %swap3A_1022 = tpu.vector_load %arg8[%swap3A_1019, %swap3A_1020, %swap3A_1021] {strides = array<i32>} : memref<2x800x64xf32, #tpu.memory_space<vmem>>, vector<16xf32>,
        tpu.vector_store %arg8[%swap3A_1019, %swap3A_1020, %swap3A_1021], %mul3A_1017 {strides = array<i32>} : memref<2x800x64xf32, #tpu.memory_space<vmem>>, vector<16xf32>,
      }
      %scan3A_517 = arith.constant 100 : i32
      %mul3A_518 = arith.constant 800 : i32
      %mul3A_519 = arith.muli %add3A_386, %mul3A_518 : i32
      %add3A_520 = arith.addi %mul3A_2, %mul3A_519 : i32
      %dma_start3A_521 = arith.constant 1 : i32
      %dma_start3A_522 = arith.constant 0 : i32
      %dma_start3A_523 = arith.constant 0 : i32
      %dma_start3A_524 = tpu.memref_slice %arg8[%dma_start3A_521, %dma_start3A_522, %dma_start3A_523] : memref<2x800x64xf32, #tpu.memory_space<vmem>> -> memref<1x800x64xf32, #tpu.memory_space<vmem>>
      %dma_start3A_525 = tpu.memref_squeeze %dma_start3A_524 : memref<1x800x64xf32, #tpu.memory_space<vmem>> -> memref<800x64xf32, #tpu.memory_space<vmem>>
      %dma_start3A_526 = arith.constant 0 : i32
      %dma_start3A_527 = tpu.memref_slice %arg5[%add3A_520, %dma_start3A_526] : memref<819200x128xf32, #tpu.memory_space<hbm>> -> memref<800x64xf32, #tpu.memory_space<hbm>>
      %dma_start3A_528 = arith.constant 0 : i32
      %dma_start3A_529 = tpu.memref_slice %arg5[%add3A_520, %dma_start3A_528] : memref<819200x128xf32, #tpu.memory_space<hbm>> -> memref<800x64xf32, #tpu.memory_space<hbm>>
      %dma_start3A_530 = arith.constant 0 : i32
      %dma_start3A_531 = arith.constant 0 : i32
      %dma_start3A_532 = tpu.memref_slice %arg8[%dma_start3A_521, %dma_start3A_530, %dma_start3A_531] : memref<2x800x64xf32, #tpu.memory_space<vmem>> -> memref<1x800x64xf32, #tpu.memory_space<vmem>>
      %dma_start3A_533 = tpu.memref_squeeze %dma_start3A_532 : memref<1x800x64xf32, #tpu.memory_space<vmem>> -> memref<800x64xf32, #tpu.memory_space<vmem>>
      tpu.enqueue_dma source(%dma_start3A_533 : memref<800x64xf32, #tpu.memory_space<vmem>>) target(%dma_start3A_529 : memref<800x64xf32, #tpu.memory_space<hbm>>) target_semaphore(%arg14 : memref<!tpu.dma_semaphore, #tpu.memory_space<semaphore_mem>>)
      %add3A_534 = arith.constant 2 : i32
      %add3A_535 = arith.addi %add3A_386, %add3A_534 : i32
      %lt3A_536 = arith.constant 32 : i32
      %lt3A_537 = arith.cmpi slt, %add3A_535, %lt3A_536 : i32
      %convert_element_type3A_538 = arith.extui %lt3A_537 : i1 to i32
      %cond3A_539 = arith.constant 0 : i32
      %cond3A_540 = arith.cmpi ne, %convert_element_type3A_538, %cond3A_539 : i32
      scf.if %cond3A_540 {
        %add3A_541 = arith.constant 2 : i32
        %add3A_542 = arith.addi %add3A_386, %add3A_541 : i32
        %mul3A_543 = arith.constant 800 : i32
        %mul3A_544 = arith.muli %add3A_542, %mul3A_543 : i32
        %add3A_545 = arith.addi %mul3A_2, %mul3A_544 : i32
        %dma_start3A_546 = arith.constant 0 : i32
        %dma_start3A_547 = arith.constant 1 : i32
        %dma_start3A_548 = arith.constant 0 : i32
        %dma_start3A_549 = tpu.memref_slice %arg6[%dma_start3A_547, %dma_start3A_548] : memref<2x800xi32, #tpu.memory_space<vmem>> -> memref<1x800xi32, #tpu.memory_space<vmem>>
        %dma_start3A_550 = tpu.memref_squeeze %dma_start3A_549 : memref<1x800xi32, #tpu.memory_space<vmem>> -> memref<800xi32, #tpu.memory_space<vmem>>
        %dma_start3A_551 = tpu.memref_slice %arg3[%dma_start3A_546, %add3A_545] : memref<1x819200xi32, #tpu.memory_space<hbm>> -> memref<1x800xi32, #tpu.memory_space<hbm>>
        %dma_start3A_552 = tpu.memref_squeeze %dma_start3A_551 : memref<1x800xi32, #tpu.memory_space<hbm>> -> memref<800xi32, #tpu.memory_space<hbm>>
        %dma_start3A_553 = arith.constant 0 : i32
        %dma_start3A_554 = tpu.memref_slice %arg6[%dma_start3A_547, %dma_start3A_553] : memref<2x800xi32, #tpu.memory_space<vmem>> -> memref<1x800xi32, #tpu.memory_space<vmem>>
        %dma_start3A_555 = tpu.memref_squeeze %dma_start3A_554 : memref<1x800xi32, #tpu.memory_space<vmem>> -> memref<800xi32, #tpu.memory_space<vmem>>
        %dma_start3A_556 = tpu.memref_slice %arg3[%dma_start3A_546, %add3A_545] : memref<1x819200xi32, #tpu.memory_space<hbm>> -> memref<1x800xi32, #tpu.memory_space<hbm>>
        %dma_start3A_557 = tpu.memref_squeeze %dma_start3A_556 : memref<1x800xi32, #tpu.memory_space<hbm>> -> memref<800xi32, #tpu.memory_space<hbm>>
        tpu.enqueue_dma source(%dma_start3A_557 : memref<800xi32, #tpu.memory_space<hbm>>) target(%dma_start3A_555 : memref<800xi32, #tpu.memory_space<vmem>>) target_semaphore(%arg10 : memref<!tpu.dma_semaphore, #tpu.memory_space<semaphore_mem>>)
        %dma_start3A_558 = arith.constant 0 : i32
        %dma_start3A_559 = arith.constant 1 : i32
        %dma_start3A_560 = arith.constant 0 : i32
        %dma_start3A_561 = tpu.memref_slice %arg7[%dma_start3A_559, %dma_start3A_560] : memref<2x800xf32, #tpu.memory_space<vmem>> -> memref<1x800xf32, #tpu.memory_space<vmem>>
        %dma_start3A_562 = tpu.memref_squeeze %dma_start3A_561 : memref<1x800xf32, #tpu.memory_space<vmem>> -> memref<800xf32, #tpu.memory_space<vmem>>
        %dma_start3A_563 = tpu.memref_slice %arg4[%dma_start3A_558, %add3A_545] : memref<1x819200xf32, #tpu.memory_space<hbm>> -> memref<1x800xf32, #tpu.memory_space<hbm>>
        %dma_start3A_564 = tpu.memref_squeeze %dma_start3A_563 : memref<1x800xf32, #tpu.memory_space<hbm>> -> memref<800xf32, #tpu.memory_space<hbm>>
        %dma_start3A_565 = arith.constant 0 : i32
        %dma_start3A_566 = tpu.memref_slice %arg7[%dma_start3A_559, %dma_start3A_565] : memref<2x800xf32, #tpu.memory_space<vmem>> -> memref<1x800xf32, #tpu.memory_space<vmem>>
        %dma_start3A_567 = tpu.memref_squeeze %dma_start3A_566 : memref<1x800xf32, #tpu.memory_space<vmem>> -> memref<800xf32, #tpu.memory_space<vmem>>
        %dma_start3A_568 = tpu.memref_slice %arg4[%dma_start3A_558, %add3A_545] : memref<1x819200xf32, #tpu.memory_space<hbm>> -> memref<1x800xf32, #tpu.memory_space<hbm>>
        %dma_start3A_569 = tpu.memref_squeeze %dma_start3A_568 : memref<1x800xf32, #tpu.memory_space<hbm>> -> memref<800xf32, #tpu.memory_space<hbm>>
        tpu.enqueue_dma source(%dma_start3A_569 : memref<800xf32, #tpu.memory_space<hbm>>) target(%dma_start3A_567 : memref<800xf32, #tpu.memory_space<vmem>>) target_semaphore(%arg10 : memref<!tpu.dma_semaphore, #tpu.memory_space<semaphore_mem>>)
      } else {
      }
    }
    %scan3A_200 = arith.constant 16 : i32
    %dma_wait3A_201 = arith.constant 0 : i32
    %dma_wait3A_202 = arith.constant 0 : i32
    %dma_wait3A_203 = arith.constant 0 : i32
    %dma_wait3A_204 = tpu.memref_slice %arg8[%dma_wait3A_201, %dma_wait3A_202, %dma_wait3A_203] : memref<2x800x64xf32, #tpu.memory_space<vmem>> -> memref<1x800x64xf32, #tpu.memory_space<vmem>>
    %dma_wait3A_205 = tpu.memref_squeeze %dma_wait3A_204 : memref<1x800x64xf32, #tpu.memory_space<vmem>> -> memref<800x64xf32, #tpu.memory_space<vmem>>
    %dma_wait3A_206 = arith.constant 0 : i32
    %dma_wait3A_207 = tpu.memref_slice %arg5[%mul3A_2, %dma_wait3A_206] : memref<819200x128xf32, #tpu.memory_space<hbm>> -> memref<800x64xf32, #tpu.memory_space<hbm>>
    %dma_wait3A_208 = arith.constant 0 : i32
    %dma_wait3A_209 = tpu.memref_slice %arg5[%mul3A_2, %dma_wait3A_208] : memref<819200x128xf32, #tpu.memory_space<hbm>> -> memref<800x64xf32, #tpu.memory_space<hbm>>
    %dma_wait3A_210 = arith.constant 0 : i32
    %dma_wait3A_211 = arith.constant 0 : i32
    %dma_wait3A_212 = tpu.memref_slice %arg8[%dma_wait3A_201, %dma_wait3A_210, %dma_wait3A_211] : memref<2x800x64xf32, #tpu.memory_space<vmem>> -> memref<1x800x64xf32, #tpu.memory_space<vmem>>
    %dma_wait3A_213 = tpu.memref_squeeze %dma_wait3A_212 : memref<1x800x64xf32, #tpu.memory_space<vmem>> -> memref<800x64xf32, #tpu.memory_space<vmem>>
    tpu.wait_dma2 semaphore(%arg13 : memref<!tpu.dma_semaphore, #tpu.memory_space<semaphore_mem>>) src(%dma_wait3A_213 : memref<800x64xf32, #tpu.memory_space<vmem>>) dst(%dma_wait3A_209 : memref<800x64xf32, #tpu.memory_space<hbm>>)
    %dma_wait3A_214 = arith.constant 1 : i32
    %dma_wait3A_215 = arith.constant 0 : i32
    %dma_wait3A_216 = arith.constant 0 : i32
    %dma_wait3A_217 = tpu.memref_slice %arg8[%dma_wait3A_214, %dma_wait3A_215, %dma_wait3A_216] : memref<2x800x64xf32, #tpu.memory_space<vmem>> -> memref<1x800x64xf32, #tpu.memory_space<vmem>>
    %dma_wait3A_218 = tpu.memref_squeeze %dma_wait3A_217 : memref<1x800x64xf32, #tpu.memory_space<vmem>> -> memref<800x64xf32, #tpu.memory_space<vmem>>
    %dma_wait3A_219 = arith.constant 0 : i32
    %dma_wait3A_220 = tpu.memref_slice %arg5[%mul3A_2, %dma_wait3A_219] : memref<819200x128xf32, #tpu.memory_space<hbm>> -> memref<800x64xf32, #tpu.memory_space<hbm>>
    %dma_wait3A_221 = arith.constant 0 : i32
    %dma_wait3A_222 = tpu.memref_slice %arg5[%mul3A_2, %dma_wait3A_221] : memref<819200x128xf32, #tpu.memory_space<hbm>> -> memref<800x64xf32, #tpu.memory_space<hbm>>
    %dma_wait3A_223 = arith.constant 0 : i32
    %dma_wait3A_224 = arith.constant 0 : i32
    %dma_wait3A_225 = tpu.memref_slice %arg8[%dma_wait3A_214, %dma_wait3A_223, %dma_wait3A_224] : memref<2x800x64xf32, #tpu.memory_space<vmem>> -> memref<1x800x64xf32, #tpu.memory_space<vmem>>
    %dma_wait3A_226 = tpu.memref_squeeze %dma_wait3A_225 : memref<1x800x64xf32, #tpu.memory_space<vmem>> -> memref<800x64xf32, #tpu.memory_space<vmem>>
    tpu.wait_dma2 semaphore(%arg14 : memref<!tpu.dma_semaphore, #tpu.memory_space<semaphore_mem>>) src(%dma_wait3A_226 : memref<800x64xf32, #tpu.memory_space<vmem>>) dst(%dma_wait3A_222 : memref<800x64xf32, #tpu.memory_space<hbm>>)
    return
  }
}

module attributes {stable_mosaic.version = 14 : i64} {
  func.func @_ln_body(%arg0: i32, %arg1: memref<2000x128xf32, #tpu.memory_space<vmem>>, %arg2: memref<1x128xf32, #tpu.memory_space<vmem>>, %arg3: memref<1x128xf32, #tpu.memory_space<vmem>>, %arg4: memref<2000x128xf32, #tpu.memory_space<vmem>>) attributes {dimension_semantics = [#tpu.dimension_semantics<arbitrary>], iteration_bounds = array<i64: 25>, scalar_prefetch = 0 : i64, scratch_operands = 0 : i64, tpu.core_type = #tpu.core_type<tc>, window_params = [{transform_indices = @transform_0, window_bounds = array<i64: 2000, 128>}, {pipeline_mode = #tpu.pipeline_mode<synchronous>, transform_indices = @transform_1, window_bounds = array<i64: 1, 128>}, {pipeline_mode = #tpu.pipeline_mode<synchronous>, transform_indices = @transform_2, window_bounds = array<i64: 1, 128>}, {transform_indices = @transform_3, window_bounds = array<i64: 2000, 128>}]} {
    %get3A = arith.constant 0 : index
    %get3A_0 = arith.constant 0 : index
    %get3A_1 = vector.load %arg1[%get3A, %get3A_0] : memref<2000x128xf32, #tpu.memory_space<vmem>>, vector<2000x128xf32>
    %mul3A = arith.constant 8.000000e+00 : f32
    %mul3A_2 = vector.broadcast %mul3A : f32 to vector<2000x128xf32>
    %mul3A_3 = arith.mulf %get3A_1, %mul3A_2 : vector<2000x128xf32>
    %slice3A = vector.extract_strided_slice %mul3A_3 {offsets = [0, 0], sizes = [2000, 64], strides = [1, 1]} : vector<2000x128xf32> to vector<2000x64xf32>
    %reduce_sum3A = arith.constant dense<0.000000e+00> : vector<2000xf32>
    %reduce_sum3A_4 = vector.multi_reduction <add>, %slice3A, %reduce_sum3A [1] : vector<2000x64xf32> to vector<2000xf32>
    %broadcast_in_dim3A = vector.shape_cast %reduce_sum3A_4 : vector<2000xf32> to vector<2000x1xf32>
    %div3A = arith.constant 6.400000e+01 : f32
    %div3A_5 = vector.broadcast %div3A : f32 to vector<2000x1xf32>
    %div3A_6 = arith.divf %broadcast_in_dim3A, %div3A_5 : vector<2000x1xf32>
    %sub3A = vector.broadcast %div3A_6 : vector<2000x1xf32> to vector<2000x64xf32>
    %sub3A_7 = arith.subf %slice3A, %sub3A : vector<2000x64xf32>
    %mul3A_8 = arith.mulf %sub3A_7, %sub3A_7 : vector<2000x64xf32>
    %reduce_sum3A_9 = arith.constant dense<0.000000e+00> : vector<2000xf32>
    %reduce_sum3A_10 = vector.multi_reduction <add>, %mul3A_8, %reduce_sum3A_9 [1] : vector<2000x64xf32> to vector<2000xf32>
    %broadcast_in_dim3A_11 = vector.shape_cast %reduce_sum3A_10 : vector<2000xf32> to vector<2000x1xf32>
    %div3A_12 = arith.constant 6.400000e+01 : f32
    %div3A_13 = vector.broadcast %div3A_12 : f32 to vector<2000x1xf32>
    %div3A_14 = arith.divf %broadcast_in_dim3A_11, %div3A_13 : vector<2000x1xf32>
    %add3A = arith.constant 9.99999974E-6 : f32
    %add3A_15 = vector.broadcast %add3A : f32 to vector<2000x1xf32>
    %add3A_16 = arith.addf %div3A_14, %add3A_15 : vector<2000x1xf32>
    %sqrt3A = math.sqrt %add3A_16 : vector<2000x1xf32>
    %div3A_17 = vector.broadcast %sqrt3A : vector<2000x1xf32> to vector<2000x64xf32>
    %div3A_18 = arith.divf %sub3A_7, %div3A_17 : vector<2000x64xf32>
    %slice3A_19 = vector.extract_strided_slice %mul3A_3 {offsets = [0, 64], sizes = [2000, 64], strides = [1, 1]} : vector<2000x128xf32> to vector<2000x64xf32>
    %reduce_sum3A_20 = arith.constant dense<0.000000e+00> : vector<2000xf32>
    %reduce_sum3A_21 = vector.multi_reduction <add>, %slice3A_19, %reduce_sum3A_20 [1] : vector<2000x64xf32> to vector<2000xf32>
    %broadcast_in_dim3A_22 = vector.shape_cast %reduce_sum3A_21 : vector<2000xf32> to vector<2000x1xf32>
    %div3A_23 = arith.constant 6.400000e+01 : f32
    %div3A_24 = vector.broadcast %div3A_23 : f32 to vector<2000x1xf32>
    %div3A_25 = arith.divf %broadcast_in_dim3A_22, %div3A_24 : vector<2000x1xf32>
    %sub3A_26 = vector.broadcast %div3A_25 : vector<2000x1xf32> to vector<2000x64xf32>
    %sub3A_27 = arith.subf %slice3A_19, %sub3A_26 : vector<2000x64xf32>
    %mul3A_28 = arith.mulf %sub3A_27, %sub3A_27 : vector<2000x64xf32>
    %reduce_sum3A_29 = arith.constant dense<0.000000e+00> : vector<2000xf32>
    %reduce_sum3A_30 = vector.multi_reduction <add>, %mul3A_28, %reduce_sum3A_29 [1] : vector<2000x64xf32> to vector<2000xf32>
    %broadcast_in_dim3A_31 = vector.shape_cast %reduce_sum3A_30 : vector<2000xf32> to vector<2000x1xf32>
    %div3A_32 = arith.constant 6.400000e+01 : f32
    %div3A_33 = vector.broadcast %div3A_32 : f32 to vector<2000x1xf32>
    %div3A_34 = arith.divf %broadcast_in_dim3A_31, %div3A_33 : vector<2000x1xf32>
    %add3A_35 = arith.constant 9.99999974E-6 : f32
    %add3A_36 = vector.broadcast %add3A_35 : f32 to vector<2000x1xf32>
    %add3A_37 = arith.addf %div3A_34, %add3A_36 : vector<2000x1xf32>
    %sqrt3A_38 = math.sqrt %add3A_37 : vector<2000x1xf32>
    %div3A_39 = vector.broadcast %sqrt3A_38 : vector<2000x1xf32> to vector<2000x64xf32>
    %div3A_40 = arith.divf %sub3A_27, %div3A_39 : vector<2000x64xf32>
    %concatenate3A = tpu.concatenate %div3A_18, %div3A_40 in 1 : vector<2000x64xf32>, vector<2000x64xf32> -> vector<2000x128xf32>
    %get3A_41 = arith.constant 0 : index
    %get3A_42 = arith.constant 0 : index
    %get3A_43 = vector.load %arg2[%get3A_41, %get3A_42] : memref<1x128xf32, #tpu.memory_space<vmem>>, vector<1x128xf32>
    %mul3A_44 = vector.broadcast %get3A_43 : vector<1x128xf32> to vector<2000x128xf32>
    %mul3A_45 = arith.mulf %concatenate3A, %mul3A_44 : vector<2000x128xf32>
    %get3A_46 = arith.constant 0 : index
    %get3A_47 = arith.constant 0 : index
    %get3A_48 = vector.load %arg3[%get3A_46, %get3A_47] : memref<1x128xf32, #tpu.memory_space<vmem>>, vector<1x128xf32>
    %add3A_49 = vector.broadcast %get3A_48 : vector<1x128xf32> to vector<2000x128xf32>
    %add3A_50 = arith.addf %mul3A_45, %add3A_49 : vector<2000x128xf32>
    %swap3A = arith.constant 0 : index
    %swap3A_51 = arith.constant 0 : index
    %swap3A_52 = vector.load %arg4[%swap3A, %swap3A_51] : memref<2000x128xf32, #tpu.memory_space<vmem>>, vector<2000x128xf32>
    tpu.vector_store %arg4[%swap3A, %swap3A_51], %add3A_50 {strides = array<i32>} : memref<2000x128xf32, #tpu.memory_space<vmem>>, vector<2000x128xf32>,
    return
  }
  func.func @transform_0(%arg0: i32) -> (i32, i32) {
    %c0_i32 = arith.constant 0 : i32
    %c0_i32_0 = arith.constant 0 : i32
    return %arg0, %c0_i32 : i32, i32
  }
  func.func @transform_1(%arg0: i32) -> (i32, i32) {
    %c0_i32 = arith.constant 0 : i32
    %c0_i32_0 = arith.constant 0 : i32
    %c0_i32_1 = arith.constant 0 : i32
    return %c0_i32, %c0_i32_0 : i32, i32
  }
  func.func @transform_2(%arg0: i32) -> (i32, i32) {
    %c0_i32 = arith.constant 0 : i32
    %c0_i32_0 = arith.constant 0 : i32
    %c0_i32_1 = arith.constant 0 : i32
    return %c0_i32, %c0_i32_0 : i32, i32
  }
  func.func @transform_3(%arg0: i32) -> (i32, i32) {
    %c0_i32 = arith.constant 0 : i32
    %c0_i32_0 = arith.constant 0 : i32
    return %arg0, %c0_i32 : i32, i32
  }
}

</mosaic_0001>

<sc_bundles>
// kernel: kernel.4.cloned.1.call-start
scs
__scs_entry_jumppad:
0x0: {  	(pc) =	sbr.rel $0x88, $3  }
0x1: {  	(tag) =	ssettag $0x0;
	lr =	simm.s32 $0x1  }
0x2: {  	[smem:$0x3F9C] =	sst lr;
	_ =	strace $0xD0000000  }
0x3: {  	_ = 	snop  }
0x4: {  	_ = 	snop  }
0x5: {  	_ = 	snop  }
0x6: {  	_ = 	snop  }
0x7: {  	_ = 	snop  }
__scs_overlays_trampoline_lowered:
0x8: {  	[smem:$0x3FAB] =	sst s0  }
0x9: {  	[smem:$0x3FAC] =	sst s1  }
0xa: {  	[smem:$0x3FAD] =	sst s2  }
0xb: {  	[smem:$0x3FAE] =	sst s3  }
0xc: {  	[smem:$0x3FAF] =	sst s4  }
0xd: {  	[smem:$0x3FB0] =	sst s5  }
0xe: {  	[smem:$0x3FB1] =	sst s6  }
0xf: {  	[smem:$0x3FB2] =	sst s7  }
0x10: {  	[smem:$0x3FB3] =	sst s8  }
0x11: {  	[smem:$0x3FB4] =	sst s9;
	s0 =	simm.s32 @!p0 $0x0  }
0x12: {  	s1 =	sld [smem:$0x3F9A];
	s0 =	simm.s32 @p0 $0x1  }
0x13: {  	[smem:$0x3FB5] =	sst s0;
	s0 =	simm.s32 @!p1 $0x0  }
0x14: {  	s2 =	sld [smem:$0x3F99];
	s0 =	simm.s32 @p1 $0x1  }
0x15: {  	[smem:$0x3FB6] =	sst s0;
	s0 =	simm.s32 @!p2 $0x0  }
0x16: {  	s3 =	sld [smem:$0x3FDB];
	s0 =	simm.s32 @p2 $0x1  }
0x17: {  	s4 =	simm.s32 $0x1BF5;
	[smem:$0x3FB8] =	sst s0  }
0x18: {  	s0 =	sld [smem:$0x3F9B];
	_ =	swait.ge [sflag:s4], $0x0  }
0x19: {  	s7 =	sld [smem:$0x3F9C]  }
0x1a: {  	s8 =	sadd.s32 $0xFFFFE003, lr  }
0x1b: {  	s9 =	sadd.s32 $0xFFFFFEF7, lr;
	s5 =	simm.s32 $0xFFFFFFFF;
	p2 =	slt.u32 s8, $0xFFFFF086  }
0x1c: {  	p1 =	slt.u32 s9, $0xF7A;
	s5 =	simm.s32 @!p2 $0x0  }
0x1d: {  	s5 =	simm.s32 @p1 $0x1;
	p0 =	seq.s32 s7, s2  }
0x1e: {  	s7 =	smul.u32 @!p0 $0xF7A, s2;
	p2 =	seq.s32 @!p0 s5, $0x0  }
0x1f: {  	s9 =	smul.u32 $0xF7A, s1;
	s8 =	simm.s32 @!p0 $0x1BF5;
	p2 =	por !p2, p0  }
0x20: {  	[sflag:s8] =	ssyncset.s32 @!p0 $0xFFFFF086;
	s6 =	sadd.s32 @!p0 s3, s7;
	s7 =	simm.s32 @!p0 $0x108  }
0x21: {  	s3 =	sadd.s32 s3, s9;
	s6 =	sadd.s32 @!p0 $0x88, s6;
	s7 =	simm.s32 @p2 $0x1082  }
0x22: {  	[simem:s7], [sflag:s8] =	dma.local @!p0 [hbm:s6], $0xF7A  }
0x23: {  	s9 =	sor.u32 $0xD0000000, s2;
	s6 =	simm.s32 $0x108;
	_ =	swait.ge @!p0 [sflag:s8], $0x0  }
0x24: {  	s3 =	sadd.s32 $0x88, s3;
	s6 =	simm.s32 @!p1 $0x1082;
	[sflag:s4] =	ssyncset.s32 $0xFFFFF086  }
0x25: {  	[simem:s6], [sflag:s4] =	dma.local [hbm:s3], $0xF7A  }
0x26: {  	[smem:$0x3F9C] =	sst s1;
	(tag) =	ssettag s2;
	_ =	strace s9  }
0x27: {  	s1 =	sld [smem:$0x3FAC]  }
0x28: {  	s2 =	sld [smem:$0x3FAD]  }
0x29: {  	s4 =	sld [smem:$0x3FAF]  }
0x2a: {  	p0 =	seq.s32 s5, $0x0;
	s5 =	sld [smem:$0x3FB0]  }
0x2b: {  	s6 =	sld [smem:$0x3FB1]  }
0x2c: {  	s7 =	sld [smem:$0x3FB2]  }
0x2d: {  	s3 =	simm.s32 $0x108;
	s8 =	sld [smem:$0x3FB3]  }
0x2e: {  	s3 =	simm.s32 @!p0 $0x1082;
	s9 =	sld [smem:$0x3FB4]  }
0x2f: {  	lr =	sadd.s32 s0, s3;
	s0 =	sld [smem:$0x3FAB]  }
0x30: {  	s3 =	sld [smem:$0x3FAE]  }
0x31: {  	[smem:$0x3FB7] =	sst s10  }
0x32: {  	s10 =	sld [smem:$0x3FB5];
	_ =	sdelay $0x3  }
0x33: {  	p0 =	seq.s32 s10, $0x1;
	s10 =	sld [smem:$0x3FB7];
	_ =	sdelay $0x3  }
0x34: {  	[smem:$0x3FB7] =	sst s10  }
0x35: {  	s10 =	sld [smem:$0x3FB6];
	_ =	sdelay $0x3  }
0x36: {  	p1 =	seq.s32 s10, $0x1;
	s10 =	sld [smem:$0x3FB7];
	_ =	sdelay $0x3  }
0x37: {  	[smem:$0x3FB7] =	sst s10  }
0x38: {  	s10 =	sld [smem:$0x3FB8]  }
0x39: {  	_ = 	snop;
	(pc) =	sbr.ind lr, $3  }
0x3a: {  	_ = 	snop  }
0x3b: {  	_ = 	snop  }
0x3c: {  	p2 =	seq.s32 s10, $0x1;
	s10 =	sld [smem:$0x3FB7]  }
0x3d: {  	_ =	shalt  }
0x3e: {  	_ =	shalt  }
0x3f: {  	_ =	shalt  }
0x40: {  	_ =	shalt  }
0x41: {  	_ =	shalt  }
0x42: {  	_ =	shalt  }
0x43: {  	_ =	shalt  }
0x44: {  	_ =	shalt  }
0x45: {  	_ =	shalt  }
0x46: {  	_ =	shalt  }
0x47: {  	_ =	shalt  }
0x48: {  	_ =	shalt  }
0x49: {  	_ =	shalt  }
0x4a: {  	_ =	shalt  }
0x4b: {  	_ =	shalt  }
0x4c: {  	_ =	shalt  }
0x4d: {  	_ =	shalt  }
0x4e: {  	_ =	shalt  }
0x4f: {  	_ =	shalt  }
0x50: {  	_ =	shalt  }
0x51: {  	_ =	shalt  }
0x52: {  	_ =	shalt  }
0x53: {  	_ =	shalt  }
0x54: {  	_ =	shalt  }
0x55: {  	_ =	shalt  }
0x56: {  	_ =	shalt  }
0x57: {  	_ =	shalt  }
0x58: {  	_ =	shalt  }
0x59: {  	_ =	shalt  }
0x5a: {  	_ =	shalt  }
0x5b: {  	_ =	shalt  }
0x5c: {  	_ =	shalt  }
0x5d: {  	_ =	shalt  }
0x5e: {  	_ =	shalt  }
0x5f: {  	_ =	shalt  }
0x60: {  	_ =	shalt  }
0x61: {  	_ =	shalt  }
0x62: {  	_ =	shalt  }
0x63: {  	_ =	shalt  }
0x64: {  	_ =	shalt  }
0x65: {  	_ =	shalt  }
0x66: {  	_ =	shalt  }
0x67: {  	_ =	shalt  }
0x68: {  	_ =	shalt  }
0x69: {  	_ =	shalt  }
0x6a: {  	_ =	shalt  }
0x6b: {  	_ =	shalt  }
0x6c: {  	_ =	shalt  }
0x6d: {  	_ =	shalt  }
0x6e: {  	_ =	shalt  }
0x6f: {  	_ =	shalt  }
0x70: {  	_ =	shalt  }
0x71: {  	_ =	shalt  }
0x72: {  	_ =	shalt  }
0x73: {  	_ =	shalt  }
0x74: {  	_ =	shalt  }
0x75: {  	_ =	shalt  }
0x76: {  	_ =	shalt  }
0x77: {  	_ =	shalt  }
0x78: {  	_ =	shalt  }
0x79: {  	_ =	shalt  }
0x7a: {  	_ =	shalt  }
0x7b: {  	_ =	shalt  }
0x7c: {  	_ =	shalt  }
0x7d: {  	_ =	shalt  }
0x7e: {  	_ =	shalt  }
0x7f: {  	_ =	shalt  }
0x80: {  	_ =	shalt  }
0x81: {  	_ =	shalt  }
0x82: {  	_ =	shalt  }
0x83: {  	_ =	shalt  }
0x84: {  	_ =	shalt  }
0x85: {  	_ =	shalt  }
0x86: {  	_ =	shalt  }
0x87: {  	_ =	shalt  }
.Lfunc_end0:
.L_simem_size_0:
called_computation.1_lowered:
.L_overlay_start_0:
0x88: {  	s2 =	sld [smem:$0x3FD9]  }
0x89: {  	s3 =	sld [smem:$0x3FFE];
	_ =	sdelay $0x1  }
0x8a: {  	s1 =	srdreg.scid  }
0x8b: {  	s0 =	sand.u32 $0x1, s1  }
0x8c: {  	s17 =	sshll.u32 s0, $0xA;
	s2 =	sadd.s32 s3, s2  }
0x8d: {  	s2 =	sadd.s32 s2, s17  }
0x8e: {  	[smem:$0x3FC3] =	sst s2  }
0x8f: {  	_ = 	snop  }
0x90: {  	s2 =	sld [smem:$0x3FD0];
	(tm) =	ssettm $0x1  }
0x91: {  	s18 =	sld [smem:$0x3FFB];
	_ =	sdelay $0x3  }
0x92: {  	_ =	strace s18  }
0x93: {  	s3 =	sld [smem:$0x3FFC];
	_ =	sdelay $0x3  }
0x94: {  	_ =	strace s3  }
0x95: {  	s3 =	sld [smem:$0x3FFD];
	_ =	sdelay $0x3  }
0x96: {  	_ =	strace s3  }
0x97: {  	_ =	strace $0x8FFFFFFF  }
0x98: {  	s19 =	sld [smem:$0x3FDB];
	_ =	sdelay $0x1  }
0x99: {  	s4 =	simm.s32 $_scs_section_size  }
0x9a: {  	s5 =	simm.s32 $_size__tile_overlayer_lowered;
	s6 =	simm.s32 $_tile_overlayer_lowered  }
0x9b: {  	s22 =	simm.s32 $0x1BFF;
	s21 =	sshll.u32 s6, $0x1;
	s3 =	sadd.s32 s4, s19  }
0x9c: {  	s7 =	simm.s32 $0x0;
	s20 =	sshll.u32 s5, $0x1;
	s5 =	sadd.s32 s21, s3  }
0x9d: {  	[timem:s7], [sflag:s22] =	dma.local [hbm:s5], s20  }
0x9e: {  	_ =	swait.ge [sflag:s22], s20  }
0x9f: {  	s4 =	ssub.s32 $0x0, s20;
	[sflag:s22] =	ssyncset.done $0x0  }
0xa0: {  	[sflag:s22] =	ssyncadd.s32 s4;
	_ =	sdelay $0x1  }
0xa1: {  	s23 =	simm.s32 $0x1B8B  }
0xa2: {  	_ =	swait.ge [sflag:s23], $0x1  }
0xa3: {  	[sflag:s23] =	ssyncset.done $0x0  }
0xa4: {  	s25 =	simm.s32 $0x1B8E;
	s24 =	sld [smem:$0x3FFE];
	[sflag:s23] =	ssyncadd.s32 $0xFFFFFFFF  }
0xa5: {  	s26 =	simm.s32 $execute0_lowered;
	[smem:$0x3FD2] =	sst s25  }
0xa6: {  	s5 =	sshll.u32 s26, $0x1;
	_ =	strace $0x80000046;
	[dreg:$0x1] =	wrdreg $0xFFFFFFFF  }
0xa7: {  	s28 =	simm.s32 $_size_execute0_lowered;
	s3 =	sadd.s32 s3, s5;
	[dreg:$0x0] =	wrdreg $0x0  }
0xa8: {  	s5 =	sshll.u32 s28, $0x1;
	[dreg:$0x2] =	wrdreg s3  }
0xa9: {  	[dreg:$0x3] =	wrdreg s5  }
0xaa: {  	[dreg:$0x4] =	wrdreg $0xC0  }
0xab: {  	_ =	task [dreg:s7], $0x5FFFF  }
0xac: {  	[dreg:$0x1] =	wrdreg $0xFFFFFFFF  }
0xad: {  	[dreg:$0x0] =	wrdreg $0x60  }
0xae: {  	[dreg:$0x2] =	wrdreg s2  }
0xaf: {  	[dreg:$0x3] =	wrdreg s24  }
0xb0: {  	[dreg:$0x4] =	wrdreg $0x9  }
0xb1: {  	_ =	task.clear_ibuf [dreg:s7], $0x5FFFF;
	_ =	strace $0x90000046  }
0xb2: {  	s29 =	simm.s32 $0x9;
	_ =	strace $0x80000048  }
0xb3: {  	_ =	swait.ge [sflag:s29], $0x1  }
0xb4: {  	[sflag:s29] =	ssyncadd.s32 $0xFFFFFFFF  }
0xb5: {  	_ =	strace $0x90000048  }
0xb6: {  	_ =	sfence  }
0xb7: {  	s30 =	sld [smem:$0x0];
	_ =	sdelay $0x2  }
0xb8: {  	s31 =	sshll.u32 s1, $0xD;
	s1 =	sshrl.u32 s1, $0x2  }
0xb9: {  	s3 =	sand.u32 $0x4000, s31;
	s1 =	sadd.s32 s1, s30  }
0xba: {  	s0 =	sor.u32 s3, s0;
	s1 =	sshll.u32 s1, $0x11  }
0xbb: {  	s0 =	sor.u32 s1, s0  }
0xbc: {  	s0 =	sadd.s32 $0x8F2B, s0  }
0xbd: {  	[sflag:s0] =	ssyncadd.remote.s32 $0x1  }
0xbe: {  	_ =	sfence.sel $0xFFFF  }
0xbf: {  	[dreg:$0x0] =	wrdreg $0xFFFFFFFF;
	(pc) =	sbr.abs _section_cstart, $3  }
0xc0: {  	[dreg:$0x1] =	wrdreg $0xFFFFFFFF  }
0xc1: {  	_ =	task.clear_ibuf [dreg:s7], $0x2FFFF;
	_ =	strace $0x9FFFFFFF  }
0xc2: {  	(tm) =	ssettm $0x7FFFFFFF  }
0xc3: {  	_ =	shalt  }
tec
execute0_lowered:
.L_overlay_start_1:
0x0: {  	(tag) =	ssettag $0x1  }
0x1: {  	s2 =	rddreg [dreg:$0x0]  }
0x2: {  	s0 =	rddreg [dreg:$0x1]  }
0x3: {  	s1 =	srdreg.scid;
	s4 =	stileid.u32  }
0x4: {  	s3 =	simm.s32 $0x0;
	s16 =	simm.s32 $0x640;
	s17 =	simm.s32 $0x320  }
0x5: {  	s18 =	simm.s32 $0x960;
	s20 =	simm.s32 $0x80;
	s21 =	simm.s32 $0xC80  }
0x6: {  	s23 =	simm.s32 $0x2;
	s24 =	simm.s32 $0xD480;
	s9 =	simm.s32 $0x17480  }
0x7: {  	s10 =	simm.s32 $0x620;
	s11 =	simm.s32 $0x19480;
	s15 =	simm.s32 $0x3  }
0x8: {  	s19 =	simm.s32 $0x40;
	s25 =	simm.s32 $0x4;
	s26 =	simm.s32 $0x0  }
0x9: {  	s1 =	sand.u32 $0x1, s1;
	s4 =	sshll.u32 s4, $0x1;
	[smem:$0x7FF] =	sst s3  }
0xa: {  	s5 =	sadd.s32 $0x1000, s0;
	s4 =	sor.u32 s1, s4;
	s1 =	ssub.s32 $0x2, s1  }
0xb: {  	s6 =	sadd.s32 $0x1A000, s0;
	s4 =	smul.u32 $0x6400, s4;
	s28 =	sshrl.u32 s1, $0x1  }
0xc: {  	s7 =	sadd.s32 $0x33000, s0;
	_ =	strace $0x80000047;
	s0 =	ssub.s32 s1, s28  }
0xd: {  	s8 =	sshrl.u32 s4, $0x3;
	s12 =	sadd.s32 $0x640, s4;
	s0 =	smax.u32 s0, $0x1  }
.Ltmp0:
0xe: {  	s29 =	sadd.s32 s5, s8;
	[dreg:$0x7] =	wrdreg s0;
	(pc) =	sbr.rel .LBB2_1-.Ltmp0, $4  }
0xf: {  	s30 =	sor.u32 $0x64, s8;
	s8 =	sadd.s32 s6, s8;
	[dreg:$0x3] =	wrdreg s29  }
0x10: {  	s13 =	sor.u32 $0x320, s4;
	[dreg:$0x4] =	wrdreg s8;
	s31 =	sadd.s32 s5, s30  }
0x11: {  	v0 =	vimm.s32 $0x0;
	vm0 =	vcmask $0x300;
	s14 =	sadd.s32 $0x960, s4;
	s1 =	sadd.s32 s6, s30;
	[dreg:$0x5] =	wrdreg s31  }
0x12: {  	v0 =	vsel vm0, $0x3, v0;
	s0 =	simm.s32 $0x20;
	s8 =	simm.s32 $0x5A0;
	[dreg:$0x6] =	wrdreg s1  }
.LBB2_8:
0x13: {  	s1 =	simm.s32 $0x5  }
0x14: {  	_ =	swait.ge [sflag:s1], $0xC800  }
0x15: {  	[sflag:s1] =	ssyncset.done $0x0  }
0x16: {  	s22 =	simm.s32 $0x6;
	[sflag:s1] =	ssyncadd.s32 $0xFFFF3800  }
0x17: {  	_ =	swait.ge [sflag:s22], $0xC800  }
0x18: {  	s26 =	rddreg [dreg:$0x8]  }
0x19: {  	s31 =	rddreg [dreg:$0x7];
	s26 =	sadd.s32 $0x1, s26  }
0x1a: {  	p0 =	sne.s32 s26, s31  }
.Ltmp1:
0x1b: {  	_ = 	snop;
	(pc) =	sbr.rel @!p0 .LBB2_9-.Ltmp1, $3  }
0x1c: {  	_ =	sdelay $0x1  }
0x1d: {  	[sflag:s22] =	ssyncset.done $0x0  }
0x1e: {  	[sflag:s22] =	ssyncadd.s32 $0xFFFF3800  }
.LBB2_1:
0x1f: {  	[dreg:$0x8] =	wrdreg s26  }
0x20: {  	s1 =	rddreg [dreg:$0x3]  }
0x21: {  	[tilespmem:s3], [sflag:$0x1] =	stream.linear.gather [hbm4b:s1+s3], $0x320, $0x38;
	[tilespmem:$0x19C80] =	vst v63  }
0x22: {  	s30 =	rddreg [dreg:$0x4]  }
0x23: {  	[tilespmem:s16], [sflag:$0x1] =	stream.linear.gather [hbm4b:s30+s3], $0x320, $0x38;
	[tilespmem:$0x19C80] =	vst v63  }
0x24: {  	s31 =	rddreg [dreg:$0x5]  }
0x25: {  	[tilespmem:s17], [sflag:$0x2] =	stream.linear.gather [hbm4b:s31+s3], $0x320, $0x38;
	[tilespmem:$0x19C80] =	vst v63  }
0x26: {  	s22 =	rddreg [dreg:$0x6];
	s26 =	simm.s32 $0x1  }
0x27: {  	[tilespmem:s18], [sflag:$0x2] =	stream.linear.gather [hbm4b:s22+s3], $0x320, $0x38;
	[tilespmem:$0x19C80] =	vst v63  }
0x28: {  	_ =	swait.ge [sflag:s26], $0x320  }
0x29: {  	[sflag:s26] =	ssyncset.done $0x0  }
0x2a: {  	[sflag:s26] =	ssyncadd.s32 $0xFFFFFCE0  }
0x2b: {  	_ =	swait.ge [sflag:s26], $0x320  }
0x2c: {  	[sflag:s26] =	ssyncset.done $0x0  }
0x2d: {  	[sflag:s26] =	ssyncadd.s32 $0xFFFFFCE0  }
0x2e: {  	[tilespmem:s21], [sflag:$0x3] =	stream.indirect.gather [hbm4b:s2+s20], $0x40, s3, s20, $0xb8;
	[tilespmem:$0x19C80] =	vst v63  }
0x2f: {  	s28 =	simm.s32 $0x2C80  }
0x30: {  	[tilespmem:s28], [sflag:$0x3] =	stream.indirect.gather [hbm4b:s2+s20], $0x40, s20, s20, $0xb8;
	[tilespmem:$0x19C80] =	vst v63  }
0x31: {  	s29 =	simm.s32 $0x100;
	s22 =	simm.s32 $0x4C80  }
0x32: {  	[tilespmem:s22], [sflag:$0x3] =	stream.indirect.gather [hbm4b:s2+s20], $0x40, s29, s20, $0xb8;
	[tilespmem:$0x19C80] =	vst v63  }
0x33: {  	s30 =	simm.s32 $0x180;
	s31 =	simm.s32 $0x6C80  }
0x34: {  	[tilespmem:s31], [sflag:$0x3] =	stream.indirect.gather [hbm4b:s2+s20], $0x40, s30, s20, $0xb8;
	[tilespmem:$0x19C80] =	vst v63  }
0x35: {  	s26 =	simm.s32 $0x8C80;
	s22 =	simm.s32 $0x200  }
0x36: {  	[tilespmem:s26], [sflag:$0x3] =	stream.indirect.gather [hbm4b:s2+s20], $0x40, s22, s20, $0xb8;
	[tilespmem:$0x19C80] =	vst v63  }
0x37: {  	s28 =	simm.s32 $0x280;
	s29 =	simm.s32 $0xAC80  }
0x38: {  	[tilespmem:s29], [sflag:$0x3] =	stream.indirect.gather [hbm4b:s2+s20], $0x40, s28, s20, $0xb8;
	[tilespmem:$0x19C80] =	vst v63  }
0x39: {  	s30 =	simm.s32 $0x300;
	s31 =	simm.s32 $0xCC80;
	s26 =	simm.s32 $0x0  }
0x3a: {  	[tilespmem:s31], [sflag:$0x3] =	stream.indirect.gather [hbm4b:s2+s0], $0x40, s30, s0, $0xb8;
	[tilespmem:$0x19C80] =	vst v63  }
.LBB2_2:
0x3b: {  	_ =	swait.ge [sflag:s23], $0x320  }
0x3c: {  	[sflag:s23] =	ssyncset.done $0x0  }
0x3d: {  	[sflag:s23] =	ssyncadd.s32 $0xFFFFFCE0  }
0x3e: {  	_ =	swait.ge [sflag:s23], $0x320  }
0x3f: {  	p0 =	seq.s32 s26, $0x0;
	[sflag:s23] =	ssyncset.done $0x0  }
0x40: {  	s1 =	simm.s32 @!p0 $0x6;
	[sflag:s23] =	ssyncadd.s32 $0xFFFFFCE0  }
0x41: {  	_ =	swait.ge @!p0 [sflag:s1], $0xC800  }
0x42: {  	[sflag:s1] =	ssyncset.done @!p0 $0x0  }
0x43: {  	[sflag:s1] =	ssyncadd.s32 @!p0 $0xFFFF3800  }
0x44: {  	[tilespmem:s24], [sflag:$0x4] =	stream.indirect.gather [hbm4b:s2+s20], $0x40, s17, s20, $0xb8;
	[tilespmem:$0x19C80] =	vst v63  }
0x45: {  	s22 =	simm.s32 $0xF480;
	s1 =	simm.s32 $0x3A0  }
0x46: {  	[tilespmem:s22], [sflag:$0x4] =	stream.indirect.gather [hbm4b:s2+s20], $0x40, s1, s20, $0xb8;
	[tilespmem:$0x19C80] =	vst v63  }
0x47: {  	s1 =	simm.s32 $0x420;
	s22 =	simm.s32 $0x11480  }
0x48: {  	[tilespmem:s22], [sflag:$0x4] =	stream.indirect.gather [hbm4b:s2+s20], $0x40, s1, s20, $0xb8;
	[tilespmem:$0x19C80] =	vst v63  }
0x49: {  	s1 =	simm.s32 $0x4A0;
	s22 =	simm.s32 $0x13480  }
0x4a: {  	[tilespmem:s22], [sflag:$0x4] =	stream.indirect.gather [hbm4b:s2+s20], $0x40, s1, s20, $0xb8;
	[tilespmem:$0x19C80] =	vst v63  }
0x4b: {  	s1 =	simm.s32 $0x520;
	s22 =	simm.s32 $0x15480  }
0x4c: {  	[tilespmem:s22], [sflag:$0x4] =	stream.indirect.gather [hbm4b:s2+s20], $0x40, s1, s20, $0xb8;
	[tilespmem:$0x19C80] =	vst v63  }
0x4d: {  	_ = 	snop  }
0x4e: {  	[tilespmem:s9], [sflag:$0x4] =	stream.indirect.gather [hbm4b:s2+s20], $0x40, s8, s20, $0xb8;
	[tilespmem:$0x19C80] =	vst v63  }
0x4f: {  	_ = 	snop  }
0x50: {  	[tilespmem:s11], [sflag:$0x4] =	stream.indirect.gather [hbm4b:s2+s0], $0x40, s10, s0, $0xb8;
	[tilespmem:$0x19C80] =	vst v63  }
0x51: {  	_ =	swait.ge [sflag:s15], $0x2000  }
0x52: {  	[sflag:s15] =	ssyncset.done $0x0  }
0x53: {  	[sflag:s15] =	ssyncadd.s32 $0xFFFFE000  }
0x54: {  	_ =	swait.ge [sflag:s15], $0x2000  }
0x55: {  	[sflag:s15] =	ssyncset.done $0x0  }
0x56: {  	[sflag:s15] =	ssyncadd.s32 $0xFFFFE000  }
0x57: {  	_ =	swait.ge [sflag:s15], $0x2000  }
0x58: {  	[sflag:s15] =	ssyncset.done $0x0  }
0x59: {  	[sflag:s15] =	ssyncadd.s32 $0xFFFFE000  }
0x5a: {  	_ =	swait.ge [sflag:s15], $0x2000  }
0x5b: {  	[sflag:s15] =	ssyncset.done $0x0  }
0x5c: {  	s22 =	simm.s32 $0x0;
	[sflag:s15] =	ssyncadd.s32 $0xFFFFE000  }
0x5d: {  	v1 =	vmov s22;
	_ =	swait.ge [sflag:s15], $0x2000  }
0x5e: {  	v1 =	vshrl.u32 v1, $0x3;
	[sflag:s15] =	ssyncset.done $0x0  }
0x5f: {  	v1 =	vshll.u32 v1, v0;
	[sflag:s15] =	ssyncadd.s32 $0xFFFFE000  }
0x60: {  	v1 =	vbroadcast v1, $0x0;
	_ =	swait.ge [sflag:s15], $0x2000  }
0x61: {  	[sflag:s15] =	ssyncset.done $0x0  }
0x62: {  	[sflag:s15] =	ssyncadd.s32 $0xFFFFE000  }
0x63: {  	_ =	swait.ge [sflag:s15], $0x800  }
0x64: {  	[sflag:s15] =	ssyncset.done $0x0  }
0x65: {  	[sflag:s15] =	ssyncadd.s32 $0xFFFFF800  }
0x66: {  	s28 =	simm.s32 $0xD80;
	v1 =	vld.idx.msk [tilespmem:v1+s16+$0x0], $0xffff  }
0x67: {  	s22 =	simm.s32 $0x1;
	v2 =	vld [tilespmem:s28+$0xFFFFFF10]  }
0x68: {  	v4 =	vmov s22;
	v3 =	vld [tilespmem:s28+$0xFFFFFF30]  }
0x69: {  	v4 =	vshrl.u32 v4, $0x3;
	v5 =	vld [tilespmem:s28+$0xFFFFFF00]  }
0x6a: {  	v4 =	vshll.u32 v4, v0;
	v6 =	vld [tilespmem:s28+$0xFFFFFF20]  }
0x6b: {  	v4 =	vadd.s32 $0x1, v4  }
0x6c: {  	v4 =	vbroadcast v4, $0x0;
	v2 =	vmul.f32 v2, v1  }
0x6d: {  	v3 =	vmul.f32 v3, v1  }
0x6e: {  	v5 =	vmul.f32 v5, v1;
	[tilespmem:s28+$0xFFFFFF10] =	vst v2  }
0x6f: {  	v1 =	vmul.f32 v6, v1;
	[tilespmem:s28+$0xFFFFFF30] =	vst v3  }
0x70: {  	[tilespmem:s28+$0xFFFFFF00] =	vst v5  }
0x71: {  	v7 =	vld [tilespmem:s28+$0xFFFFFF50];
	[tilespmem:s28+$0xFFFFFF20] =	vst v1  }
0x72: {  	s22 =	simm.s32 $0x2;
	v1 =	vld.idx.msk [tilespmem:v4+s16+$0x0], $0xffff  }
0x73: {  	v2 =	vmov s22;
	v3 =	vld [tilespmem:s28+$0xFFFFFF70]  }
0x74: {  	v2 =	vshrl.u32 v2, $0x3;
	v4 =	vld [tilespmem:s28+$0xFFFFFF60]  }
0x75: {  	v5 =	vld [tilespmem:s28+$0xFFFFFF40];
	v2 =	vshll.u32 v2, v0  }
0x76: {  	v2 =	vadd.s32 $0x2, v2  }
0x77: {  	v2 =	vbroadcast v2, $0x0;
	v6 =	vmul.f32 v7, v1  }
0x78: {  	v3 =	vmul.f32 v3, v1  }
0x79: {  	v4 =	vmul.f32 v4, v1;
	[tilespmem:s28+$0xFFFFFF50] =	vst v6  }
0x7a: {  	v1 =	vmul.f32 v5, v1;
	[tilespmem:s28+$0xFFFFFF70] =	vst v3  }
0x7b: {  	[tilespmem:s28+$0xFFFFFF60] =	vst v4  }
0x7c: {  	v7 =	vld [tilespmem:s28+$0xFFFFFF80];
	[tilespmem:s28+$0xFFFFFF40] =	vst v1  }
0x7d: {  	s22 =	simm.s32 $0x3;
	v1 =	vld.idx.msk [tilespmem:v2+s16+$0x0], $0xffff  }
0x7e: {  	v3 =	vld [tilespmem:s28+$0xFFFFFFB0];
	v2 =	vmov s22  }
0x7f: {  	v6 =	vld [tilespmem:s28+$0xFFFFFF90];
	v2 =	vshrl.u32 v2, $0x3  }
0x80: {  	v4 =	vld [tilespmem:s28+$0xFFFFFFA0];
	v2 =	vshll.u32 v2, v0  }
0x81: {  	v2 =	vadd.s32 $0x3, v2  }
0x82: {  	v2 =	vbroadcast v2, $0x0;
	v5 =	vmul.f32 v7, v1  }
0x83: {  	v3 =	vmul.f32 v3, v1  }
0x84: {  	v6 =	vmul.f32 v6, v1;
	[tilespmem:s28+$0xFFFFFF80] =	vst v5  }
0x85: {  	v1 =	vmul.f32 v4, v1;
	[tilespmem:s28+$0xFFFFFFB0] =	vst v3  }
0x86: {  	[tilespmem:s28+$0xFFFFFF90] =	vst v6  }
0x87: {  	v4 =	vld [tilespmem:s28+$0xFFFFFFF0];
	[tilespmem:s28+$0xFFFFFFA0] =	vst v1  }
0x88: {  	s22 =	simm.s32 $0x4;
	v1 =	vld.idx.msk [tilespmem:v2+s16+$0x0], $0xffff  }
0x89: {  	v5 =	vmov s22;
	v2 =	vld [tilespmem:s28+$0xFFFFFFE0]  }
0x8a: {  	v3 =	vld [tilespmem:s28+$0xFFFFFFD0];
	v5 =	vshrl.u32 v5, $0x3  }
0x8b: {  	v6 =	vld [tilespmem:s28+$0xFFFFFFC0];
	v5 =	vshll.u32 v5, v0  }
0x8c: {  	v5 =	vadd.s32 $0x4, v5  }
0x8d: {  	v7 =	vbroadcast v5, $0x0;
	v4 =	vmul.f32 v4, v1  }
0x8e: {  	v2 =	vmul.f32 v2, v1  }
0x8f: {  	s22 =	simm.s32 $0x5;
	v3 =	vmul.f32 v3, v1;
	[tilespmem:s28+$0xFFFFFFF0] =	vst v4  }
0x90: {  	v5 =	vmov s22;
	[tilespmem:s28+$0xFFFFFFE0] =	vst v2;
	v4 =	vmul.f32 v6, v1;
	v2 =	vld [tilespmem:s28+$0x0]  }
0x91: {  	[tilespmem:s28+$0xFFFFFFD0] =	vst v3;
	v3 =	vshrl.u32 v5, $0x3;
	v5 =	vld [tilespmem:s28+$0x20]  }
0x92: {  	v6 =	vld [tilespmem:s28+$0x10];
	[tilespmem:s28+$0xFFFFFFC0] =	vst v4  }
0x93: {  	v3 =	vshll.u32 v3, v0;
	v4 =	vld.idx.msk [tilespmem:v7+s16+$0x0], $0xffff  }
0x94: {  	v1 =	vld [tilespmem:s28+$0x30];
	v3 =	vadd.s32 $0x5, v3  }
0x95: {  	s30 =	simm.s32 $0x7;
	s31 =	simm.s32 $0xF;
	s29 =	simm.s32 $0xD80;
	v3 =	vbroadcast v3, $0x0  }
.LBB2_3:
0x96: {  	p0 =	sne.s32 s31, $0x31F  }
0x97: {  	s28 =	sadd.s32 $0x200, s28;
	s1 =	smov.u32 s31;
	s31 =	sadd.s32 $0x8, s31  }
0x98: {  	v5 =	vmul.f32 v5, v4;
	v6 =	vmul.f32 v6, v4  }
0x99: {  	v2 =	vmul.f32 v2, v4;
	v1 =	vmul.f32 v1, v4;
	v4 =	vld [tilespmem:s29+$0x70]  }
0x9a: {  	[tilespmem:s29+$0x10] =	vst v6;
	v6 =	vld [tilespmem:s29+$0x40]  }
0x9b: {  	[tilespmem:s29+$0x0] =	vst v2  }
0x9c: {  	[tilespmem:s29+$0x20] =	vst v5  }
0x9d: {  	[tilespmem:s29+$0x30] =	vst v1;
	v1 =	vld [tilespmem:s29+$0x60]  }
0x9e: {  	v2 =	vld.idx.msk [tilespmem:v3+s16+$0x0], $0xffff  }
0x9f: {  	v3 =	vld [tilespmem:s29+$0x50]  }
0xa0: {  	s22 =	sadd.s32 $0xFFFFFFFF, s30  }
0xa1: {  	v5 =	vmov s22  }
0xa2: {  	v5 =	vshrl.u32 v5, $0x3  }
0xa3: {  	v5 =	vshll.u32 v5, v0  }
0xa4: {  	v5 =	vadd.s32 $0x6, v5;
	v1 =	vmul.f32 v1, v2;
	v3 =	vmul.f32 v3, v2  }
0xa5: {  	v5 =	vbroadcast v5, $0x0;
	v6 =	vmul.f32 v6, v2  }
0xa6: {  	[tilespmem:s29+$0x60] =	vst v1;
	v1 =	vmul.f32 v4, v2  }
0xa7: {  	[tilespmem:s29+$0x50] =	vst v3;
	v2 =	vld [tilespmem:s29+$0xB0]  }
0xa8: {  	[tilespmem:s29+$0x40] =	vst v6;
	_ =	sdelay $0x1  }
0xa9: {  	s22 =	sadd.s32 $0xFFFFFFF9, s1;
	[tilespmem:s29+$0x70] =	vst v1;
	v1 =	vld [tilespmem:s29+$0x90]  }
0xaa: {  	v3 =	vmov s22;
	v4 =	vld.idx.msk [tilespmem:v5+s16+$0x0], $0xffff  }
0xab: {  	v3 =	vshrl.u32 v3, $0x3;
	v5 =	vld [tilespmem:s29+$0xA0]  }
0xac: {  	v3 =	vshll.u32 v3, v0;
	v6 =	vld [tilespmem:s29+$0x80]  }
0xad: {  	v7 =	vmov s30;
	s30 =	smov.u32 s1;
	v3 =	vbroadcast v3, $0x0  }
0xae: {  	v7 =	vshrl.u32 v7, $0x3  }
0xaf: {  	v7 =	vshll.u32 v7, v0  }
0xb0: {  	v7 =	vadd.s32 $0x7, v7;
	v2 =	vmul.f32 v2, v4;
	v5 =	vmul.f32 v5, v4  }
0xb1: {  	v7 =	vbroadcast v7, $0x0;
	v6 =	vmul.f32 v6, v4;
	v8 =	vld [tilespmem:s29+$0xD0]  }
0xb2: {  	v1 =	vmul.f32 v1, v4;
	v9 =	vld [tilespmem:s28+$0xFFFFFF30];
	[tilespmem:s29+$0xA0] =	vst v5  }
0xb3: {  	[tilespmem:s29+$0x80] =	vst v6  }
0xb4: {  	s1 =	sadd.s32 $0xFFFFFFFA, s30;
	[tilespmem:s29+$0x90] =	vst v1;
	v1 =	vld [tilespmem:s29+$0xC0]  }
0xb5: {  	v4 =	vmov s1;
	[tilespmem:s29+$0xB0] =	vst v2  }
0xb6: {  	v2 =	vshrl.u32 v4, $0x3;
	v4 =	vld [tilespmem:s29+$0xF0]  }
0xb7: {  	v2 =	vshll.u32 v2, v0;
	v5 =	vld.idx.msk [tilespmem:v7+s16+$0x0], $0xffff  }
0xb8: {  	v2 =	vadd.s32 $0x1, v2  }
0xb9: {  	v2 =	vbroadcast v2, $0x0;
	v6 =	vld [tilespmem:s29+$0xE0];
	_ =	sdelay $0x3  }
0xba: {  	v1 =	vmul.f32 v1, v5;
	v7 =	vmul.f32 v8, v5  }
0xbb: {  	v4 =	vmul.f32 v4, v5;
	v6 =	vmul.f32 v6, v5  }
0xbc: {  	v5 =	vld [tilespmem:s28+$0xFFFFFF20];
	[tilespmem:s29+$0xC0] =	vst v1  }
0xbd: {  	[tilespmem:s29+$0xE0] =	vst v6  }
0xbe: {  	[tilespmem:s29+$0xF0] =	vst v4  }
0xbf: {  	[tilespmem:s29+$0xD0] =	vst v7;
	s29 =	smov.u32 s28  }
0xc0: {  	v1 =	vld.idx.msk [tilespmem:v3+s16+$0x0], $0xffff  }
0xc1: {  	v3 =	vld [tilespmem:s28+$0xFFFFFF10]  }
0xc2: {  	v4 =	vld [tilespmem:s28+$0xFFFFFF00];
	_ =	sdelay $0x1  }
0xc3: {  	v6 =	vld [tilespmem:s28+$0xFFFFFF50];
	_ =	sdelay $0x1  }
0xc4: {  	s1 =	sadd.s32 $0xFFFFFFFB, s30;
	v5 =	vmul.f32 v5, v1;
	v3 =	vmul.f32 v3, v1  }
0xc5: {  	v7 =	vmov s1;
	v4 =	vmul.f32 v4, v1;
	v1 =	vmul.f32 v9, v1  }
0xc6: {  	v7 =	vshrl.u32 v7, $0x3;
	[tilespmem:s28+$0xFFFFFF10] =	vst v3;
	v3 =	vld [tilespmem:s28+$0xFFFFFF70]  }
0xc7: {  	[tilespmem:s28+$0xFFFFFF30] =	vst v1;
	v1 =	vshll.u32 v7, v0  }
0xc8: {  	[tilespmem:s28+$0xFFFFFF00] =	vst v4;
	v1 =	vadd.s32 $0x2, v1  }
0xc9: {  	[tilespmem:s28+$0xFFFFFF20] =	vst v5  }
0xca: {  	v1 =	vbroadcast v1, $0x0;
	v2 =	vld.idx.msk [tilespmem:v2+s16+$0x0], $0xffff  }
0xcb: {  	v4 =	vld [tilespmem:s28+$0xFFFFFF40]  }
0xcc: {  	v5 =	vld [tilespmem:s28+$0xFFFFFF60];
	_ =	sdelay $0x2  }
0xcd: {  	v7 =	vld [tilespmem:s28+$0xFFFFFF90]  }
0xce: {  	v6 =	vmul.f32 v6, v2;
	v4 =	vmul.f32 v4, v2  }
0xcf: {  	s1 =	sadd.s32 $0xFFFFFFFC, s30;
	v5 =	vmul.f32 v5, v2;
	v2 =	vmul.f32 v3, v2;
	v3 =	vld [tilespmem:s28+$0xFFFFFF80]  }
0xd0: {  	[tilespmem:s28+$0xFFFFFF50] =	vst v6;
	v6 =	vmov s1  }
0xd1: {  	[tilespmem:s28+$0xFFFFFF70] =	vst v2;
	v2 =	vshrl.u32 v6, $0x3  }
0xd2: {  	[tilespmem:s28+$0xFFFFFF60] =	vst v5;
	v2 =	vshll.u32 v2, v0  }
0xd3: {  	[tilespmem:s28+$0xFFFFFF40] =	vst v4;
	v4 =	vld [tilespmem:s28+$0xFFFFFFA0];
	v2 =	vadd.s32 $0x3, v2  }
0xd4: {  	v1 =	vld.idx.msk [tilespmem:v1+s16+$0x0], $0xffff  }
0xd5: {  	v5 =	vld [tilespmem:s28+$0xFFFFFFB0]  }
0xd6: {  	v2 =	vbroadcast v2, $0x0;
	_ =	sdelay $0x3  }
0xd7: {  	v3 =	vmul.f32 v3, v1;
	v5 =	vmul.f32 v5, v1  }
0xd8: {  	v6 =	vmul.f32 v7, v1;
	v1 =	vmul.f32 v4, v1  }
0xd9: {  	[tilespmem:s28+$0xFFFFFF80] =	vst v3;
	v3 =	vld [tilespmem:s28+$0xFFFFFFF0]  }
0xda: {  	[tilespmem:s28+$0xFFFFFFB0] =	vst v5;
	v4 =	vld [tilespmem:s28+$0xFFFFFFD0]  }
0xdb: {  	[tilespmem:s28+$0xFFFFFF90] =	vst v6  }
0xdc: {  	[tilespmem:s28+$0xFFFFFFA0] =	vst v1;
	v1 =	vld [tilespmem:s28+$0xFFFFFFC0]  }
0xdd: {  	s1 =	sadd.s32 $0xFFFFFFFD, s30;
	v5 =	vld [tilespmem:s28+$0xFFFFFFE0]  }
0xde: {  	v6 =	vmov s1;
	v2 =	vld.idx.msk [tilespmem:v2+s16+$0x0], $0xffff  }
0xdf: {  	v6 =	vshrl.u32 v6, $0x3  }
0xe0: {  	v6 =	vshll.u32 v6, v0  }
0xe1: {  	v6 =	vadd.s32 $0x4, v6  }
0xe2: {  	v6 =	vbroadcast v6, $0x0;
	_ =	sdelay $0x1  }
0xe3: {  	v7 =	vmul.f32 v1, v2;
	v1 =	vmul.f32 v3, v2  }
0xe4: {  	v3 =	vmul.f32 v4, v2;
	v2 =	vmul.f32 v5, v2  }
0xe5: {  	[tilespmem:s28+$0xFFFFFFF0] =	vst v1;
	v1 =	vld [tilespmem:s28+$0x30]  }
0xe6: {  	[tilespmem:s28+$0xFFFFFFE0] =	vst v2;
	v2 =	vld [tilespmem:s28+$0x0]  }
0xe7: {  	[tilespmem:s28+$0xFFFFFFD0] =	vst v3  }
0xe8: {  	s1 =	sadd.s32 $0xFFFFFFFE, s30;
	[tilespmem:s28+$0xFFFFFFC0] =	vst v7  }
0xe9: {  	v3 =	vmov s1;
	v5 =	vld [tilespmem:s28+$0x20]  }
.Ltmp2:
0xea: {  	v3 =	vshrl.u32 v3, $0x3;
	v4 =	vld.idx.msk [tilespmem:v6+s16+$0x0], $0xffff;
	(pc) =	sbr.rel @p0 .LBB2_3-.Ltmp2, $3  }
0xeb: {  	v3 =	vshll.u32 v3, v0;
	v6 =	vld [tilespmem:s28+$0x10]  }
0xec: {  	v3 =	vadd.s32 $0x5, v3;
	_ =	sdelay $0x1  }
0xed: {  	v3 =	vbroadcast v3, $0x0  }
0xee: {  	v2 =	vmul.f32 v2, v4  }
0xef: {  	v5 =	vmul.f32 v5, v4  }
0xf0: {  	v1 =	vmul.f32 v1, v4;
	[tilespmem:s29+$0x0] =	vst v2  }
0xf1: {  	v6 =	vmul.f32 v6, v4;
	[tilespmem:s29+$0x20] =	vst v5  }
0xf2: {  	[tilespmem:s29+$0x30] =	vst v1  }
0xf3: {  	v1 =	vld [tilespmem:s29+$0x60];
	[tilespmem:s29+$0x10] =	vst v6  }
0xf4: {  	s1 =	sadd.s32 $0xFFFFFFFF, s30;
	v2 =	vld.idx.msk [tilespmem:v3+s16+$0x0], $0xffff  }
0xf5: {  	v5 =	vmov s1;
	v3 =	vld [tilespmem:s29+$0x50]  }
0xf6: {  	v4 =	vld [tilespmem:s29+$0x40];
	v5 =	vshrl.u32 v5, $0x3  }
0xf7: {  	v6 =	vld [tilespmem:s29+$0x70];
	v5 =	vshll.u32 v5, v0  }
0xf8: {  	v5 =	vadd.s32 $0x6, v5  }
0xf9: {  	v5 =	vbroadcast v5, $0x0;
	v1 =	vmul.f32 v1, v2  }
0xfa: {  	v3 =	vmul.f32 v3, v2  }
0xfb: {  	v4 =	vmul.f32 v4, v2;
	[tilespmem:s29+$0x60] =	vst v1  }
0xfc: {  	v1 =	vmul.f32 v6, v2;
	[tilespmem:s29+$0x50] =	vst v3  }
0xfd: {  	[tilespmem:s29+$0x40] =	vst v4  }
0xfe: {  	v2 =	vld [tilespmem:s29+$0xA0];
	[tilespmem:s29+$0x70] =	vst v1  }
0xff: {  	v1 =	vld.idx.msk [tilespmem:v5+s16+$0x0], $0xffff  }
0x100: {  	v3 =	vld [tilespmem:s29+$0x80];
	v5 =	vmov s30  }
0x101: {  	v4 =	vld [tilespmem:s29+$0x90];
	v5 =	vshrl.u32 v5, $0x3  }
0x102: {  	v6 =	vld [tilespmem:s29+$0xB0];
	v5 =	vshll.u32 v5, v0  }
0x103: {  	v5 =	vadd.s32 $0x7, v5  }
0x104: {  	v5 =	vbroadcast v5, $0x0;
	v2 =	vmul.f32 v2, v1  }
0x105: {  	v3 =	vmul.f32 v3, v1  }
0x106: {  	v4 =	vmul.f32 v4, v1;
	[tilespmem:s29+$0xA0] =	vst v2  }
0x107: {  	v1 =	vmul.f32 v6, v1;
	[tilespmem:s29+$0x80] =	vst v3  }
0x108: {  	[tilespmem:s29+$0x90] =	vst v4  }
0x109: {  	v2 =	vld [tilespmem:s29+$0xC0];
	[tilespmem:s29+$0xB0] =	vst v1  }
0x10a: {  	v1 =	vld.idx.msk [tilespmem:v5+s16+$0x0], $0xffff  }
0x10b: {  	v3 =	vld [tilespmem:s29+$0xE0]  }
0x10c: {  	v4 =	vld [tilespmem:s29+$0xF0]  }
0x10d: {  	v7 =	vld [tilespmem:s29+$0xD0];
	_ =	sdelay $0x1  }
0x10e: {  	v2 =	vmul.f32 v2, v1  }
0x10f: {  	s28 =	smul.u32 $0x640, s26;
	v3 =	vmul.f32 v3, v1  }
0x110: {  	v4 =	vmul.f32 v4, v1;
	[tilespmem:s29+$0xC0] =	vst v2  }
0x111: {  	s22 =	sadd.s32 s4, s28;
	v1 =	vmul.f32 v7, v1;
	[tilespmem:s29+$0xE0] =	vst v3  }
0x112: {  	s1 =	sshll.u32 s22, $0x4;
	[tilespmem:s29+$0xF0] =	vst v4  }
0x113: {  	p0 =	seq.s32 s26, $0xF;
	s1 =	sadd.s32 s7, s1;
	[tilespmem:s29+$0xD0] =	vst v1  }
0x114: {  	[hbm4b:s1+s19] =	stream.strided.scatter [tilespmem:s21], [sflag:$0x5], $0xC800, s20, s19, $0x38;
	[tilespmem:$0x19C80] =	vst v63  }
0x115: {  	s1 =	sadd.s32 @!p0 s28, s12  }
0x116: {  	s1 =	sshrl.u32 @!p0 s1, $0x3  }
0x117: {  	s29 =	simm.s32 @!p0 $0x0;
	s22 =	sadd.s32 @!p0 s5, s1  }
0x118: {  	[tilespmem:s29], [sflag:$0x1] =	stream.linear.gather @!p0 [hbm4b:s22+s29], $0x320, $0x38;
	[tilespmem:$0x19C80] =	vst v63  }
0x119: {  	s1 =	sadd.s32 @!p0 s6, s1;
	s22 =	simm.s32 @!p0 $0x640  }
0x11a: {  	[tilespmem:s22], [sflag:$0x1] =	stream.linear.gather @!p0 [hbm4b:s1+s29], $0x320, $0x38;
	[tilespmem:$0x19C80] =	vst v63  }
0x11b: {  	s1 =	simm.s32 @!p0 $0x1  }
0x11c: {  	_ =	swait.ge @!p0 [sflag:s1], $0x320  }
0x11d: {  	[sflag:s1] =	ssyncset.done @!p0 $0x0  }
0x11e: {  	[sflag:s1] =	ssyncadd.s32 @!p0 $0xFFFFFCE0  }
0x11f: {  	_ =	swait.ge @!p0 [sflag:s1], $0x320  }
0x120: {  	[sflag:s1] =	ssyncset.done @!p0 $0x0  }
0x121: {  	[sflag:s1] =	ssyncadd.s32 @!p0 $0xFFFFFCE0;
	s1 =	simm.s32 @!p0 $0x5  }
0x122: {  	_ =	swait.ge @!p0 [sflag:s1], $0xC800  }
0x123: {  	[sflag:s1] =	ssyncset.done @!p0 $0x0  }
0x124: {  	s22 =	simm.s32 @!p0 $0xC80;
	[sflag:s1] =	ssyncadd.s32 @!p0 $0xFFFF3800;
	s1 =	simm.s32 @!p0 $0x80  }
0x125: {  	[tilespmem:s22], [sflag:$0x3] =	stream.indirect.gather @!p0 [hbm4b:s2+s1], $0x40, s29, s1, $0xb8;
	[tilespmem:$0x19C80] =	vst v63  }
0x126: {  	s22 =	simm.s32 @!p0 $0x2C80  }
0x127: {  	[tilespmem:s22], [sflag:$0x3] =	stream.indirect.gather @!p0 [hbm4b:s2+s1], $0x40, s1, s1, $0xb8;
	[tilespmem:$0x19C80] =	vst v63  }
0x128: {  	s29 =	simm.s32 @!p0 $0x4C80;
	s22 =	simm.s32 @!p0 $0x100  }
0x129: {  	[tilespmem:s29], [sflag:$0x3] =	stream.indirect.gather @!p0 [hbm4b:s2+s1], $0x40, s22, s1, $0xb8;
	[tilespmem:$0x19C80] =	vst v63  }
0x12a: {  	s22 =	simm.s32 @!p0 $0x180;
	s29 =	simm.s32 @!p0 $0x6C80  }
0x12b: {  	[tilespmem:s29], [sflag:$0x3] =	stream.indirect.gather @!p0 [hbm4b:s2+s1], $0x40, s22, s1, $0xb8;
	[tilespmem:$0x19C80] =	vst v63  }
0x12c: {  	s22 =	simm.s32 @!p0 $0x200;
	s29 =	simm.s32 @!p0 $0x8C80  }
0x12d: {  	[tilespmem:s29], [sflag:$0x3] =	stream.indirect.gather @!p0 [hbm4b:s2+s1], $0x40, s22, s1, $0xb8;
	[tilespmem:$0x19C80] =	vst v63  }
0x12e: {  	s22 =	simm.s32 @!p0 $0x280;
	s29 =	simm.s32 @!p0 $0xAC80  }
0x12f: {  	[tilespmem:s29], [sflag:$0x3] =	stream.indirect.gather @!p0 [hbm4b:s2+s1], $0x40, s22, s1, $0xb8;
	[tilespmem:$0x19C80] =	vst v63  }
0x130: {  	s1 =	simm.s32 @!p0 $0x20;
	s22 =	simm.s32 @!p0 $0x300;
	s29 =	simm.s32 @!p0 $0xCC80  }
0x131: {  	[tilespmem:s29], [sflag:$0x3] =	stream.indirect.gather @!p0 [hbm4b:s2+s1], $0x40, s22, s1, $0xb8;
	[tilespmem:$0x19C80] =	vst v63  }
0x132: {  	_ =	swait.ge [sflag:s25], $0x2000  }
0x133: {  	[sflag:s25] =	ssyncset.done $0x0  }
0x134: {  	[sflag:s25] =	ssyncadd.s32 $0xFFFFE000  }
0x135: {  	_ =	swait.ge [sflag:s25], $0x2000  }
0x136: {  	[sflag:s25] =	ssyncset.done $0x0  }
0x137: {  	[sflag:s25] =	ssyncadd.s32 $0xFFFFE000  }
0x138: {  	_ =	swait.ge [sflag:s25], $0x2000  }
0x139: {  	[sflag:s25] =	ssyncset.done $0x0  }
0x13a: {  	[sflag:s25] =	ssyncadd.s32 $0xFFFFE000  }
0x13b: {  	_ =	swait.ge [sflag:s25], $0x2000  }
0x13c: {  	[sflag:s25] =	ssyncset.done $0x0  }
0x13d: {  	[sflag:s25] =	ssyncadd.s32 $0xFFFFE000  }
0x13e: {  	s22 =	simm.s32 $0x0;
	_ =	swait.ge [sflag:s25], $0x2000  }
0x13f: {  	v1 =	vmov s22;
	[sflag:s25] =	ssyncset.done $0x0  }
0x140: {  	v1 =	vshrl.u32 v1, $0x3;
	[sflag:s25] =	ssyncadd.s32 $0xFFFFE000  }
0x141: {  	v1 =	vshll.u32 v1, v0;
	_ =	swait.ge [sflag:s25], $0x2000  }
0x142: {  	v1 =	vbroadcast v1, $0x0;
	[sflag:s25] =	ssyncset.done $0x0  }
0x143: {  	[sflag:s25] =	ssyncadd.s32 $0xFFFFE000  }
0x144: {  	_ =	swait.ge [sflag:s25], $0x800  }
0x145: {  	[sflag:s25] =	ssyncset.done $0x0  }
0x146: {  	s29 =	simm.s32 $0x0;
	[sflag:s25] =	ssyncadd.s32 $0xFFFFF800  }
0x147: {  	v2 =	vld [tilespmem:s29+$0xD490]  }
0x148: {  	v1 =	vld.idx.msk [tilespmem:v1+s18+$0x0], $0xffff;
	_ =	sdelay $0x1  }
0x149: {  	s22 =	simm.s32 $0x1  }
0x14a: {  	v5 =	vmov s22;
	v3 =	vld [tilespmem:s29+$0xD480]  }
0x14b: {  	v5 =	vshrl.u32 v5, $0x3;
	v4 =	vld [tilespmem:s29+$0xD4A0]  }
0x14c: {  	v5 =	vshll.u32 v5, v0;
	v6 =	vld [tilespmem:s29+$0xD4B0];
	v2 =	vmul.f32 v2, v1  }
0x14d: {  	v5 =	vadd.s32 $0x1, v5  }
0x14e: {  	[tilespmem:s29+$0xD490] =	vst v2;
	v2 =	vbroadcast v5, $0x0  }
0x14f: {  	v3 =	vmul.f32 v3, v1  }
0x150: {  	v4 =	vmul.f32 v4, v1  }
0x151: {  	v1 =	vmul.f32 v6, v1;
	[tilespmem:s29+$0xD480] =	vst v3  }
0x152: {  	[tilespmem:s29+$0xD4A0] =	vst v4  }
0x153: {  	[tilespmem:s29+$0xD4B0] =	vst v1;
	v1 =	vld [tilespmem:s29+$0xD4C0]  }
0x154: {  	s22 =	simm.s32 $0x2;
	v2 =	vld.idx.msk [tilespmem:v2+s18+$0x0], $0xffff  }
0x155: {  	v6 =	vld [tilespmem:s29+$0xD4D0];
	v5 =	vmov s22  }
0x156: {  	v4 =	vld [tilespmem:s29+$0xD4E0];
	v5 =	vshrl.u32 v5, $0x3  }
0x157: {  	v3 =	vld [tilespmem:s29+$0xD4F0];
	v5 =	vshll.u32 v5, v0  }
0x158: {  	v5 =	vadd.s32 $0x2, v5  }
0x159: {  	v5 =	vbroadcast v5, $0x0;
	v1 =	vmul.f32 v1, v2  }
0x15a: {  	v6 =	vmul.f32 v6, v2  }
0x15b: {  	v4 =	vmul.f32 v4, v2;
	[tilespmem:s29+$0xD4C0] =	vst v1  }
0x15c: {  	v1 =	vmul.f32 v3, v2;
	[tilespmem:s29+$0xD4D0] =	vst v6  }
0x15d: {  	[tilespmem:s29+$0xD4E0] =	vst v4  }
0x15e: {  	v8 =	vld [tilespmem:s29+$0xD500];
	[tilespmem:s29+$0xD4F0] =	vst v1  }
0x15f: {  	s22 =	simm.s32 $0x3;
	v1 =	vld.idx.msk [tilespmem:v5+s18+$0x0], $0xffff  }
0x160: {  	v7 =	vld [tilespmem:s29+$0xD510];
	v2 =	vmov s22  }
0x161: {  	v3 =	vld [tilespmem:s29+$0xD530];
	v2 =	vshrl.u32 v2, $0x3  }
0x162: {  	v4 =	vld [tilespmem:s29+$0xD520];
	v2 =	vshll.u32 v2, v0  }
0x163: {  	v2 =	vadd.s32 $0x3, v2  }
0x164: {  	v2 =	vbroadcast v2, $0x0;
	v6 =	vmul.f32 v8, v1  }
0x165: {  	v7 =	vmul.f32 v7, v1  }
0x166: {  	v3 =	vmul.f32 v3, v1;
	[tilespmem:s29+$0xD500] =	vst v6  }
0x167: {  	v1 =	vmul.f32 v4, v1;
	[tilespmem:s29+$0xD510] =	vst v7  }
0x168: {  	[tilespmem:s29+$0xD530] =	vst v3  }
0x169: {  	v8 =	vld [tilespmem:s29+$0xD540];
	[tilespmem:s29+$0xD520] =	vst v1  }
0x16a: {  	s22 =	simm.s32 $0x4;
	v1 =	vld.idx.msk [tilespmem:v2+s18+$0x0], $0xffff  }
0x16b: {  	v4 =	vld [tilespmem:s29+$0xD560];
	v2 =	vmov s22  }
0x16c: {  	v5 =	vld [tilespmem:s29+$0xD550];
	v2 =	vshrl.u32 v2, $0x3  }
0x16d: {  	v3 =	vld [tilespmem:s29+$0xD570];
	v2 =	vshll.u32 v2, v0  }
0x16e: {  	v2 =	vadd.s32 $0x4, v2  }
0x16f: {  	v2 =	vbroadcast v2, $0x0;
	v6 =	vmul.f32 v8, v1  }
0x170: {  	v4 =	vmul.f32 v4, v1  }
0x171: {  	v5 =	vmul.f32 v5, v1;
	[tilespmem:s29+$0xD540] =	vst v6  }
0x172: {  	v1 =	vmul.f32 v3, v1;
	[tilespmem:s29+$0xD560] =	vst v4  }
0x173: {  	v9 =	vld [tilespmem:s29+$0xD5B0];
	[tilespmem:s29+$0xD550] =	vst v5  }
0x174: {  	v7 =	vld [tilespmem:s29+$0xD590];
	[tilespmem:s29+$0xD570] =	vst v1  }
0x175: {  	s22 =	simm.s32 $0x5;
	v10 =	vld.idx.msk [tilespmem:v2+s18+$0x0], $0xffff  }
0x176: {  	v1 =	vmov s22;
	v2 =	vld [tilespmem:s29+$0xD580]  }
0x177: {  	s30 =	simm.s32 $0x7;
	v11 =	vld [tilespmem:s29+$0xD5A0];
	s22 =	simm.s32 $0x6;
	v1 =	vshrl.u32 v1, $0x3  }
0x178: {  	v3 =	vmov s30;
	v4 =	vmov s22;
	v1 =	vshll.u32 v1, v0  }
0x179: {  	v3 =	vshrl.u32 v3, $0x3;
	v4 =	vshrl.u32 v4, $0x3;
	v1 =	vadd.s32 $0x5, v1  }
0x17a: {  	v3 =	vshll.u32 v3, v0;
	v4 =	vshll.u32 v4, v0;
	v5 =	vbroadcast v1, $0x0  }
0x17b: {  	v1 =	vadd.s32 $0x7, v3;
	v3 =	vld [tilespmem:s29+$0xD5F0];
	v8 =	vmul.f32 v2, v10;
	v6 =	vmul.f32 v7, v10  }
0x17c: {  	s31 =	simm.s32 $0x800;
	v2 =	vadd.s32 $0x6, v4;
	v4 =	vld [tilespmem:s29+$0xD5D0];
	v7 =	vmul.f32 v11, v10;
	v9 =	vmul.f32 v9, v10  }
.LBB2_5:
0x17d: {  	p1 =	sne.s32 s31, $0x31800  }
0x17e: {  	[tilespmem:s29+$0xD580] =	vst v8;
	s30 =	sadd.s32 $0x8, s30;
	s1 =	smov.u32 s31;
	s31 =	sadd.s32 $0x800, s31  }
0x17f: {  	s22 =	sadd.s32 $0xFFFFFFFF, s30;
	v8 =	vmov s30;
	[tilespmem:s29+$0xD5B0] =	vst v9  }
0x180: {  	v9 =	vmov s22;
	v8 =	vshrl.u32 v8, $0x3;
	[tilespmem:s29+$0xD5A0] =	vst v7;
	v7 =	vld [tilespmem:s29+$0xD630]  }
0x181: {  	v9 =	vshrl.u32 v9, $0x3;
	v8 =	vshll.u32 v8, v0;
	[tilespmem:s29+$0xD590] =	vst v6  }
0x182: {  	v6 =	vshll.u32 v9, v0;
	v8 =	vadd.s32 $0x7, v8;
	v5 =	vld.idx.msk [tilespmem:v5+s18+$0x0], $0xffff  }
0x183: {  	v6 =	vadd.s32 $0x6, v6;
	v9 =	vld [tilespmem:s29+$0xD5C0]  }
0x184: {  	v10 =	vld [tilespmem:s29+$0xD5E0];
	_ =	sdelay $0x2  }
0x185: {  	v11 =	vbroadcast v2, $0x0;
	v2 =	vmov v6  }
0x186: {  	v4 =	vmul.f32 v4, v5;
	v6 =	vmul.f32 v9, v5  }
0x187: {  	v3 =	vmul.f32 v3, v5;
	v9 =	vmul.f32 v10, v5  }
0x188: {  	[tilespmem:s29+$0xD5C0] =	vst v6  }
0x189: {  	[tilespmem:s29+$0xD5E0] =	vst v9  }
0x18a: {  	[tilespmem:s29+$0xD5D0] =	vst v4  }
0x18b: {  	[tilespmem:s29+$0xD5F0] =	vst v3;
	v3 =	vld [tilespmem:s29+$0xD610]  }
0x18c: {  	v4 =	vld.idx.msk [tilespmem:v11+s18+$0x0], $0xffff  }
0x18d: {  	v5 =	vld [tilespmem:s29+$0xD600]  }
0x18e: {  	v6 =	vld [tilespmem:s29+$0xD620]  }
0x18f: {  	s22 =	sadd.s32 $0xFFFFFFF9, s30  }
0x190: {  	v9 =	vmov s22  }
0x191: {  	v10 =	vbroadcast v1, $0x0;
	v1 =	vmov v8;
	v9 =	vshrl.u32 v9, $0x3  }
0x192: {  	v8 =	vshll.u32 v9, v0;
	v3 =	vmul.f32 v3, v4;
	v5 =	vmul.f32 v5, v4  }
0x193: {  	v8 =	vbroadcast v8, $0x0;
	v6 =	vmul.f32 v6, v4  }
0x194: {  	v4 =	vmul.f32 v7, v4;
	[tilespmem:s29+$0xD600] =	vst v5  }
0x195: {  	[tilespmem:s29+$0xD620] =	vst v6;
	v5 =	vld [tilespmem:s29+$0xD670]  }
0x196: {  	[tilespmem:s29+$0xD630] =	vst v4;
	v4 =	vld [tilespmem:s29+$0xD660]  }
0x197: {  	v6 =	vld [tilespmem:s29+$0xD650]  }
0x198: {  	[tilespmem:s29+$0xD610] =	vst v3;
	v3 =	vld [tilespmem:s29+$0xD640]  }
0x199: {  	s1 =	sshra.s32 s1, $0x2;
	v7 =	vld.idx.msk [tilespmem:v10+s18+$0x0], $0xffff  }
0x19a: {  	v9 =	vld [tilespmem:s1+$0xD490]  }
0x19b: {  	s22 =	sadd.s32 $0xFFFFFFFA, s30  }
0x19c: {  	v11 =	vmov s22;
	v10 =	vld [tilespmem:s1+$0xD4B0]  }
0x19d: {  	v11 =	vshrl.u32 v11, $0x3  }
0x19e: {  	v11 =	vshll.u32 v11, v0  }
0x19f: {  	v11 =	vadd.s32 $0x1, v11;
	v3 =	vmul.f32 v3, v7;
	v6 =	vmul.f32 v6, v7  }
0x1a0: {  	v11 =	vbroadcast v11, $0x0;
	v4 =	vmul.f32 v4, v7  }
0x1a1: {  	v12 =	vld [tilespmem:s1+$0xD4A0];
	[tilespmem:s29+$0xD640] =	vst v3;
	v3 =	vmul.f32 v5, v7  }
0x1a2: {  	[tilespmem:s29+$0xD660] =	vst v4  }
0x1a3: {  	[tilespmem:s29+$0xD670] =	vst v3  }
0x1a4: {  	[tilespmem:s29+$0xD650] =	vst v6;
	s29 =	smov.u32 s1  }
0x1a5: {  	v3 =	vld.idx.msk [tilespmem:v8+s18+$0x0], $0xffff  }
0x1a6: {  	v4 =	vld [tilespmem:s29+$0xD480];
	_ =	sdelay $0x1  }
0x1a7: {  	s1 =	sadd.s32 $0xFFFFFFFB, s30  }
0x1a8: {  	v5 =	vmov s1  }
0x1a9: {  	v5 =	vshrl.u32 v5, $0x3  }
0x1aa: {  	v5 =	vshll.u32 v5, v0;
	v6 =	vmul.f32 v9, v3;
	v4 =	vmul.f32 v4, v3  }
0x1ab: {  	v5 =	vadd.s32 $0x2, v5;
	v7 =	vmul.f32 v12, v3;
	v3 =	vmul.f32 v10, v3  }
0x1ac: {  	v5 =	vbroadcast v5, $0x0;
	[tilespmem:s29+$0xD490] =	vst v6  }
0x1ad: {  	[tilespmem:s29+$0xD480] =	vst v4;
	v4 =	vld [tilespmem:s29+$0xD4F0]  }
0x1ae: {  	[tilespmem:s29+$0xD4A0] =	vst v7;
	v6 =	vld [tilespmem:s29+$0xD4E0]  }
0x1af: {  	[tilespmem:s29+$0xD4B0] =	vst v3;
	v3 =	vld [tilespmem:s29+$0xD4C0]  }
0x1b0: {  	v7 =	vld.idx.msk [tilespmem:v11+s18+$0x0], $0xffff  }
0x1b1: {  	v8 =	vld [tilespmem:s29+$0xD510]  }
0x1b2: {  	v9 =	vld [tilespmem:s29+$0xD4D0]  }
0x1b3: {  	s1 =	sadd.s32 $0xFFFFFFFC, s30;
	v10 =	vld [tilespmem:s29+$0xD500]  }
0x1b4: {  	v11 =	vmov s1  }
0x1b5: {  	v11 =	vshrl.u32 v11, $0x3  }
0x1b6: {  	v11 =	vshll.u32 v11, v0;
	v3 =	vmul.f32 v3, v7;
	v6 =	vmul.f32 v6, v7  }
0x1b7: {  	v4 =	vmul.f32 v4, v7;
	v9 =	vmul.f32 v9, v7;
	v7 =	vadd.s32 $0x3, v11  }
0x1b8: {  	[tilespmem:s29+$0xD4C0] =	vst v3;
	v3 =	vbroadcast v7, $0x0  }
0x1b9: {  	[tilespmem:s29+$0xD4D0] =	vst v9  }
0x1ba: {  	[tilespmem:s29+$0xD4E0] =	vst v6  }
0x1bb: {  	[tilespmem:s29+$0xD4F0] =	vst v4;
	v4 =	vld [tilespmem:s29+$0xD520]  }
0x1bc: {  	v5 =	vld.idx.msk [tilespmem:v5+s18+$0x0], $0xffff  }
0x1bd: {  	v6 =	vld [tilespmem:s29+$0xD550]  }
0x1be: {  	v7 =	vld [tilespmem:s29+$0xD530]  }
0x1bf: {  	v9 =	vld [tilespmem:s29+$0xD540]  }
0x1c0: {  	s1 =	sadd.s32 $0xFFFFFFFD, s30  }
0x1c1: {  	v11 =	vmov s1  }
0x1c2: {  	v11 =	vshrl.u32 v11, $0x3;
	v10 =	vmul.f32 v10, v5;
	v4 =	vmul.f32 v4, v5  }
0x1c3: {  	v8 =	vmul.f32 v8, v5;
	v5 =	vmul.f32 v7, v5;
	v7 =	vshll.u32 v11, v0  }
0x1c4: {  	[tilespmem:s29+$0xD500] =	vst v10;
	v7 =	vadd.s32 $0x4, v7  }
0x1c5: {  	[tilespmem:s29+$0xD510] =	vst v8;
	v7 =	vbroadcast v7, $0x0  }
0x1c6: {  	[tilespmem:s29+$0xD530] =	vst v5;
	v5 =	vld [tilespmem:s29+$0xD570]  }
0x1c7: {  	[tilespmem:s29+$0xD520] =	vst v4;
	v4 =	vld [tilespmem:s29+$0xD560]  }
0x1c8: {  	v3 =	vld.idx.msk [tilespmem:v3+s18+$0x0], $0xffff  }
0x1c9: {  	v10 =	vld [tilespmem:s29+$0xD5B0]  }
0x1ca: {  	v11 =	vld [tilespmem:s29+$0xD590];
	_ =	sdelay $0x1  }
0x1cb: {  	s1 =	sadd.s32 $0xFFFFFFFE, s30  }
0x1cc: {  	v8 =	vmov s1  }
0x1cd: {  	v8 =	vshrl.u32 v8, $0x3;
	v9 =	vmul.f32 v9, v3;
	v6 =	vmul.f32 v6, v3  }
0x1ce: {  	v4 =	vmul.f32 v4, v3;
	v3 =	vmul.f32 v5, v3;
	v5 =	vshll.u32 v8, v0  }
0x1cf: {  	v5 =	vadd.s32 $0x5, v5;
	[tilespmem:s29+$0xD540] =	vst v9  }
0x1d0: {  	[tilespmem:s29+$0xD560] =	vst v4  }
0x1d1: {  	v5 =	vbroadcast v5, $0x0;
	[tilespmem:s29+$0xD550] =	vst v6;
	_ =	sdelay $0x1  }
0x1d2: {  	[tilespmem:s29+$0xD570] =	vst v3  }
0x1d3: {  	v3 =	vld [tilespmem:s29+$0xD5F0]  }
0x1d4: {  	v4 =	vld [tilespmem:s29+$0xD5D0]  }
0x1d5: {  	v9 =	vld.idx.msk [tilespmem:v7+s18+$0x0], $0xffff  }
0x1d6: {  	v6 =	vld [tilespmem:s29+$0xD580]  }
0x1d7: {  	v7 =	vld [tilespmem:s29+$0xD5A0]  }
.Ltmp3:
0x1d8: {  	(pc) =	sbr.rel @p1 .LBB2_5-.Ltmp3, $3  }
0x1d9: {  	_ =	sdelay $0x1  }
0x1da: {  	v8 =	vmul.f32 v6, v9;
	v6 =	vmul.f32 v11, v9  }
0x1db: {  	v7 =	vmul.f32 v7, v9;
	v9 =	vmul.f32 v10, v9  }
0x1dc: {  	[tilespmem:s29+$0xD580] =	vst v8  }
0x1dd: {  	[tilespmem:s29+$0xD590] =	vst v6  }
0x1de: {  	[tilespmem:s29+$0xD5B0] =	vst v9  }
0x1df: {  	v58 =	vld [tilespmem:s29+$0xD5C0];
	[tilespmem:s29+$0xD5A0] =	vst v7  }
0x1e0: {  	v5 =	vld.idx.msk [tilespmem:v5+s18+$0x0], $0xffff  }
0x1e1: {  	v59 =	vld [tilespmem:s29+$0xD5E0];
	_ =	sdelay $0x3  }
0x1e2: {  	v2 =	vbroadcast v2, $0x0;
	v6 =	vmul.f32 v58, v5  }
0x1e3: {  	v8 =	vmul.f32 v59, v5  }
0x1e4: {  	v4 =	vmul.f32 v4, v5;
	[tilespmem:s29+$0xD5C0] =	vst v6  }
0x1e5: {  	v3 =	vmul.f32 v3, v5;
	[tilespmem:s29+$0xD5E0] =	vst v8  }
0x1e6: {  	[tilespmem:s29+$0xD5D0] =	vst v4  }
0x1e7: {  	[tilespmem:s29+$0xD5F0] =	vst v3;
	v3 =	vld [tilespmem:s29+$0xD600]  }
0x1e8: {  	v2 =	vld.idx.msk [tilespmem:v2+s18+$0x0], $0xffff  }
0x1e9: {  	v60 =	vld [tilespmem:s29+$0xD620]  }
0x1ea: {  	v57 =	vld [tilespmem:s29+$0xD630]  }
0x1eb: {  	v61 =	vld [tilespmem:s29+$0xD610];
	_ =	sdelay $0x1  }
0x1ec: {  	v1 =	vbroadcast v1, $0x0;
	v3 =	vmul.f32 v3, v2  }
0x1ed: {  	v4 =	vmul.f32 v60, v2  }
0x1ee: {  	[tilespmem:s29+$0xD600] =	vst v3;
	v3 =	vmul.f32 v57, v2  }
0x1ef: {  	[tilespmem:s29+$0xD620] =	vst v4;
	v2 =	vmul.f32 v61, v2  }
0x1f0: {  	[tilespmem:s29+$0xD630] =	vst v3  }
0x1f1: {  	[tilespmem:s29+$0xD610] =	vst v2;
	v2 =	vld [tilespmem:s29+$0xD640]  }
0x1f2: {  	v1 =	vld.idx.msk [tilespmem:v1+s18+$0x0], $0xffff  }
0x1f3: {  	v3 =	vld [tilespmem:s29+$0xD660]  }
0x1f4: {  	v62 =	vld [tilespmem:s29+$0xD670]  }
0x1f5: {  	v63 =	vld [tilespmem:s29+$0xD650];
	_ =	sdelay $0x1  }
0x1f6: {  	v2 =	vmul.f32 v2, v1  }
0x1f7: {  	v3 =	vmul.f32 v3, v1  }
.Ltmp4:
0x1f8: {  	s1 =	sadd.s32 s28, s13;
	[tilespmem:s29+$0xD640] =	vst v2;
	v2 =	vmul.f32 v62, v1;
	(pc) =	sbr.rel @p0 .LBB2_8-.Ltmp4, $4  }
0x1f9: {  	s1 =	sshll.u32 s1, $0x4;
	v1 =	vmul.f32 v63, v1;
	[tilespmem:s29+$0xD660] =	vst v3  }
0x1fa: {  	s1 =	sand.u32 $0x1FFFFE00, s1;
	[tilespmem:s29+$0xD670] =	vst v2  }
0x1fb: {  	s1 =	sadd.s32 s7, s1;
	[tilespmem:s29+$0xD650] =	vst v1  }
0x1fc: {  	[hbm4b:s1+s19] =	stream.strided.scatter [tilespmem:s24], [sflag:$0x6], $0xC800, s20, s19, $0x38;
	[tilespmem:$0x19C80] =	vst v63  }
0x1fd: {  	s1 =	sadd.s32 s28, s14  }
.Ltmp5:
0x1fe: {  	s1 =	sshrl.u32 s1, $0x3;
	(pc) =	sbr.rel .LBB2_2-.Ltmp5, $4  }
0x1ff: {  	s22 =	sadd.s32 s5, s1  }
0x200: {  	[tilespmem:s17], [sflag:$0x2] =	stream.linear.gather [hbm4b:s22+s3], $0x320, $0x38;
	[tilespmem:$0x19C80] =	vst v63  }
0x201: {  	s26 =	sadd.s32 $0x1, s26;
	s1 =	sadd.s32 s6, s1  }
0x202: {  	[tilespmem:s18], [sflag:$0x2] =	stream.linear.gather [hbm4b:s1+s3], $0x320, $0x38;
	[tilespmem:$0x19C80] =	vst v63  }
.LBB2_9:
0x203: {  	_ =	sfence.sel $0x180000  }
0x204: {  	[bflag:$0x0] =	sbarrier.arrive $0xFFFF  }
0x205: {  	_ =	strace $0x90000047  }
0x206: {  	s0 =	stileid.u32;
	[bflag:$0x2] =	sbarrier.arrive $0xFFFF  }
0x207: {  	p0 =	sne.s32 s0, $0x0;
	s0 =	rddreg [dreg:$0x2]  }
0x208: {  	s0 =	sadd.s32 @!p0 $0x100000, s0  }
0x209: {  	[sflag:s0] =	ssyncadd.tile.s32 @!p0 $0x1;
	_ =	shalt  }
.Lfunc_end2:
_tile_overlayer_lowered:
.L_overlay_start_2:
0x20a: {  	(tag) =	ssettag $0x2  }
0x20b: {  	s0 =	rddreg [dreg:$0x0];
	s2 =	stileid.u32  }
0x20c: {  	s1 =	rddreg [dreg:$0x1];
	p0 =	sne.s32 s2, $0x0  }
0x20d: {  	s3 =	rddreg [dreg:$0x2];
	[bflag:$0x3] =	sbarrier.arrive $0xFFFF;
	s2 =	simm.s32 @!p0 $0x1C07  }
0x20e: {  	[timem:s3], [sflag:s2] =	dma.local @!p0 [hbm:s0], s1  }
0x20f: {  	s0 =	simm.s32 @!p0 $0x7  }
0x210: {  	_ =	swait.ge @!p0 [sflag:s0], s1  }
0x211: {  	s1 =	ssub.s32 @!p0 $0x0, s1;
	[sflag:s0] =	ssyncset.done @!p0 $0x0  }
0x212: {  	[sflag:s0] =	ssyncadd.s32 @!p0 s1  }
0x213: {  	[bflag:$0x3] =	sbarrier.arrive $0xFFFF  }
0x214: {  	_ =	shalt  }

// kernel: sparse-core-data-format-call.cloned.1.call-start
scs
called_computation_lowered:
.L_overlay_start_0:
0x0: {  	s2 =	sld [smem:$0x3FD9]  }
0x1: {  	s3 =	sld [smem:$0x3FFE];
	_ =	sdelay $0x1  }
0x2: {  	s1 =	srdreg.scid  }
0x3: {  	s0 =	sand.u32 $0x1, s1  }
0x4: {  	s18 =	sshll.u32 s0, $0xA;
	s2 =	sadd.s32 s3, s2  }
0x5: {  	s2 =	sadd.s32 s2, s18  }
0x6: {  	[smem:$0x3FC3] =	sst s2  }
0x7: {  	_ = 	snop  }
0x8: {  	s2 =	sld [smem:$0x3FD0];
	(tm) =	ssettm $0x1  }
0x9: {  	s19 =	sld [smem:$0x3FFB];
	_ =	sdelay $0x3  }
0xa: {  	_ =	strace s19  }
0xb: {  	s3 =	sld [smem:$0x3FFC];
	_ =	sdelay $0x3  }
0xc: {  	_ =	strace s3  }
0xd: {  	s3 =	sld [smem:$0x3FFD];
	_ =	sdelay $0x3  }
0xe: {  	_ =	strace s3  }
0xf: {  	_ =	strace $0x8FFFFFFF  }
0x10: {  	s20 =	sld [smem:$0x3FDB];
	_ =	sdelay $0x1  }
0x11: {  	s4 =	simm.s32 $_scs_section_size  }
0x12: {  	s5 =	simm.s32 $_size__tile_overlayer_lowered;
	s6 =	simm.s32 $_tile_overlayer_lowered  }
0x13: {  	s23 =	simm.s32 $0x1BFF;
	s22 =	sshll.u32 s6, $0x1;
	s3 =	sadd.s32 s4, s20  }
0x14: {  	s7 =	simm.s32 $0x0;
	s21 =	sshll.u32 s5, $0x1;
	s5 =	sadd.s32 s22, s3  }
0x15: {  	[timem:s7], [sflag:s23] =	dma.local [hbm:s5], s21  }
0x16: {  	_ =	swait.ge [sflag:s23], s21  }
0x17: {  	s4 =	ssub.s32 $0x0, s21;
	[sflag:s23] =	ssyncset.done $0x0  }
0x18: {  	[sflag:s23] =	ssyncadd.s32 s4;
	_ =	sdelay $0x1  }
0x19: {  	s24 =	simm.s32 $0x1B8B  }
0x1a: {  	_ =	swait.ge [sflag:s24], $0x1  }
0x1b: {  	[sflag:s24] =	ssyncset.done $0x0  }
0x1c: {  	s26 =	simm.s32 $0x1B8E;
	s25 =	sld [smem:$0x3FFE];
	[sflag:s24] =	ssyncadd.s32 $0xFFFFFFFF  }
0x1d: {  	s27 =	simm.s32 $execute0_lowered;
	[smem:$0x3FD2] =	sst s26  }
0x1e: {  	s5 =	sshll.u32 s27, $0x1;
	_ =	strace $0x80000049;
	[dreg:$0x1] =	wrdreg $0xFFFFFFFF  }
0x1f: {  	s28 =	simm.s32 $_size_execute0_lowered;
	s3 =	sadd.s32 s3, s5;
	[dreg:$0x0] =	wrdreg $0x0  }
0x20: {  	s5 =	sshll.u32 s28, $0x1;
	[dreg:$0x2] =	wrdreg s3  }
0x21: {  	[dreg:$0x3] =	wrdreg s5  }
0x22: {  	[dreg:$0x4] =	wrdreg $0xC0  }
0x23: {  	_ =	task [dreg:s7], $0x5FFFF  }
0x24: {  	[dreg:$0x1] =	wrdreg $0xFFFFFFFF  }
0x25: {  	[dreg:$0x0] =	wrdreg $0x60  }
0x26: {  	[dreg:$0x2] =	wrdreg s25  }
0x27: {  	[dreg:$0x3] =	wrdreg s2  }
0x28: {  	[dreg:$0x4] =	wrdreg $0x9  }
0x29: {  	_ =	task.clear_ibuf [dreg:s7], $0x5FFFF;
	_ =	strace $0x90000049  }
0x2a: {  	s29 =	simm.s32 $0x9;
	_ =	strace $0x8000004B  }
0x2b: {  	_ =	swait.ge [sflag:s29], $0x1  }
0x2c: {  	[sflag:s29] =	ssyncadd.s32 $0xFFFFFFFF  }
0x2d: {  	_ =	strace $0x9000004B  }
0x2e: {  	_ =	sfence  }
0x2f: {  	s30 =	sld [smem:$0x0];
	_ =	sdelay $0x2  }
0x30: {  	s31 =	sshll.u32 s1, $0xD;
	s1 =	sshrl.u32 s1, $0x2  }
0x31: {  	s3 =	sand.u32 $0x4000, s31;
	s1 =	sadd.s32 s1, s30  }
0x32: {  	s0 =	sor.u32 s3, s0;
	s1 =	sshll.u32 s1, $0x11  }
0x33: {  	s0 =	sor.u32 s1, s0  }
0x34: {  	s0 =	sadd.s32 $0x8F2B, s0  }
0x35: {  	[sflag:s0] =	ssyncadd.remote.s32 $0x1  }
0x36: {  	_ =	sfence.sel $0xFFFF  }
0x37: {  	[dreg:$0x0] =	wrdreg $0xFFFFFFFF;
	(pc) =	sbr.abs _section_cstart, $3  }
0x38: {  	[dreg:$0x1] =	wrdreg $0xFFFFFFFF  }
0x39: {  	_ =	task.clear_ibuf [dreg:s7], $0x2FFFF;
	_ =	strace $0x9FFFFFFF  }
0x3a: {  	(tm) =	ssettm $0x7FFFFFFF  }
0x3b: {  	_ =	shalt  }
tec
execute0_lowered:
.L_overlay_start_1:
0x0: {  	(tag) =	ssettag $0x1  }
0x1: {  	s0 =	srdreg.scid  }
0x2: {  	s1 =	sshll.u32 s0, $0x4  }
0x3: {  	s0 =	stileid.u32;
	s1 =	sand.u32 $0x10, s1  }
0x4: {  	s1 =	sor.u32 s0, s1  }
0x5: {  	s6 =	rddreg [dreg:$0x0];
	s4 =	simm.s32 $0x1;
	s2 =	sshll.u32 s1, $0x7  }
0x6: {  	s7 =	simm.s32 $0x2;
	s12 =	simm.s32 $0x0;
	s1 =	ssub.s32 $0x1000, s2  }
0x7: {  	s8 =	simm.s32 $0x8000;
	s13 =	simm.s32 $0x0;
	s3 =	sand.u32 $0xF80, s1  }
0x8: {  	s9 =	simm.s32 $0x0;
	s5 =	sshrl.u32 s1, $0xC;
	p0 =	sne.s32 s3, $0x0  }
.Ltmp0:
0x9: {  	s1 =	rddreg [dreg:$0x2];
	s4 =	simm.s32 @!p0 $0x0;
	(pc) =	sbr.rel .LBB1_1-.Ltmp0, $4  }
0xa: {  	s11 =	simm.s32 $0x0;
	s3 =	rddreg [dreg:$0x1];
	s5 =	sadd.s32 s4, s5  }
0xb: {  	_ =	strace $0x8000004A;
	s4 =	simm.s32 $0x1;
	s5 =	smul.u32 $0xC8, s5  }
0xc: {  	s6 =	sadd.s32 $0x33000, s6;
	s10 =	smov.u32 s2;
	[sflag:s4] =	ssyncpa.u1 $0x0  }
0xd: {  	p0 =	por $0x0, $0x0;
	[sflag:s7] =	ssyncpa.u1 $0x0;
	s7 =	sor.u32 $0x1, s5  }
.LBB1_4:
0xe: {  	s16 =	sshll.u32 s13, $0x3;
	s17 =	sand.u32 $0x78, s13  }
0xf: {  	s30 =	sand.u32 $0x7E00, s13;
	s12 =	sshll.u32 s12, $0xF;
	s16 =	sand.u32 $0xC00, s16  }
0x10: {  	[tilespmem:s15+$0x810 ss:$0x81] =	vst.msk $0xffff, v2;
	s31 =	sand.u32 $0x7, s13;
	s16 =	sor.u32 s17, s16;
	s17 =	sadd.s32 s3, s30  }
0x11: {  	[tilespmem:s15+$0x1020 ss:$0x81] =	vst.msk $0xffff, v0;
	s13 =	sshll.u32 s31, $0x12;
	s12 =	sadd.s32 s12, s17;
	s16 =	sshrl.u32 s16, $0x3  }
0x12: {  	[tilespmem:s15+$0x0 ss:$0x81] =	vst.msk $0xffff, v1;
	s13 =	sor.u32 $0x400, s13;
	s12 =	sadd.s32 s16, s12  }
0x13: {  	[hbm4b:s12+s13] =	stream.strided.scatter [tilespmem:s14], [sflag:$0x2], $0x2000, s8, s13, $0x20;
	[tilespmem:$0x8080] =	vst v63  }
.LBB1_5:
0x14: {  	s14 =	sadd.s32 $0x1, s9  }
0x15: {  	s12 =	sadd.s32 $0x1000, s10;
	s16 =	smov.u32 s10;
	p2 =	sgt.s32 s14, $0xC7  }
0x16: {  	s16 =	smov.u32 @p2 s12  }
0x17: {  	s14 =	simm.s32 @p2 $0x0;
	p2 =	sgt.s32 s16, $0xFFF  }
0x18: {  	s16 =	smov.u32 @p2 s2;
	p2 =	sne.s32 s11, s7  }
.Ltmp1:
0x19: {  	p1 =	slt.u32 s11, $0x2;
	(pc) =	sbr.rel @!p2 .LBB1_6-.Ltmp1, $4  }
0x1a: {  	s15 =	simm.s32 @!p1 $0x2  }
0x1b: {  	s13 =	smov.u32 s10;
	p0 =	por !p0, !p0;
	_ =	swait.ge @!p1 [sflag:s15], $0x2000  }
0x1c: {  	s12 =	smov.u32 s9;
	[sflag:s15] =	ssyncset.done @!p1 $0x0;
	s9 =	smov.u32 s14  }
0x1d: {  	s11 =	sadd.s32 $0x1, s11;
	[sflag:s15] =	ssyncadd.s32 @!p1 $0xFFFFE000;
	s10 =	smov.u32 s16  }
.LBB1_1:
0x1e: {  	p1 =	sge.u32 s11, s5  }
0x1f: {  	s14 =	sand.u32 @!p1 $0x1FFFFFF, s9  }
0x20: {  	s15 =	smulhi.u32 @!p1 $0x147AE15, s14;
	_ =	sdelay $0x1  }
0x21: {  	s15 =	smul.u32 @!p1 $0xC8, s15  }
0x22: {  	s16 =	sxor.u32 @!p1 $0xFFFFFFFF, s11;
	s17 =	smul.u32 @!p1 $0xC80, s10  }
0x23: {  	s31 =	sadd.s32 $0xFFFFFFFF, s11;
	s16 =	sshll.u32 @!p1 s16, $0xD;
	s14 =	ssub.s32 @!p1 s14, s15  }
0x24: {  	s15 =	sand.u32 @!p1 $0x2000, s16;
	s16 =	sadd.s32 @!p1 s6, s17;
	s14 =	sshll.u32 @!p1 s14, $0x4  }
0x25: {  	s17 =	simm.s32 @!p1 $0x6400;
	s14 =	sadd.s32 @!p1 s14, s16;
	s16 =	simm.s32 @!p1 $0x40  }
0x26: {  	[tilespmem:s15], [sflag:$0x1] =	stream.strided.gather @!p1 [hbm4b:s14+s16], $0x2000, s17, s16, $0x38;
	[tilespmem:$0x8080] =	vst v63  }
0x27: {  	p1 =	sge.u32 s31, s5  }
.Ltmp2:
0x28: {  	_ = 	snop;
	(pc) =	sbr.rel @p1 .LBB1_5-.Ltmp2, $1  }
0x29: {  	_ =	sdelay $0x3  }
0x2a: {  	s14 =	simm.s32 $0x1  }
0x2b: {  	_ =	swait.ge [sflag:s4], $0x2000;
	s14 =	simm.s32 @!p0 $0x0  }
0x2c: {  	[sflag:s4] =	ssyncset.done $0x0;
	s15 =	sshll.u32 s14, $0xD  }
0x2d: {  	[sflag:s4] =	ssyncadd.s32 $0xFFFFE000;
	s18 =	sor.u32 $0x20, s15  }
0x2e: {  	s14 =	smul.u32 $0x8100, s14;
	v3 =	vld [tilespmem:s18+$0x10]  }
0x2f: {  	s30 =	sand.u32 $0x1, s11;
	v2 =	vld [tilespmem:s18+$0xFFFFFFF0]  }
0x30: {  	s15 =	smul.u32 $0x8100, s30;
	s14 =	sshrl.u32 s14, $0x2;
	v0 =	vld [tilespmem:s18+$0x0]  }
0x31: {  	v1 =	vld [tilespmem:s18+$0xFFFFFFE0];
	s16 =	sor.u32 $0x4000, s14  }
0x32: {  	s31 =	sshrl.u32 s15, $0x2;
	s15 =	sadd.s32 $0x0, s16  }
0x33: {  	s17 =	simm.s32 $0x4;
	s18 =	sadd.s32 $0x40, s18;
	s14 =	sor.u32 $0x4000, s31;
	[tilespmem:s15+$0x1830 ss:$0x81] =	vst.msk $0xffff, v3  }
.LBB1_3:
0x34: {  	v3 =	vld [tilespmem:s18+$0x10];
	p1 =	sne.s32 s17, $0x1FC;
	[tilespmem:s15+$0x810 ss:$0x81] =	vst.msk $0xffff, v2;
	s19 =	smov.u32 s17;
	s17 =	sadd.s32 $0x4, s17  }
.Ltmp3:
0x35: {  	v2 =	vld [tilespmem:s18+$0xFFFFFFF0];
	[tilespmem:s15+$0x1020 ss:$0x81] =	vst.msk $0xffff, v0;
	(pc) =	sbr.rel @p1 .LBB1_3-.Ltmp3, $4  }
0x36: {  	v0 =	vld [tilespmem:s18+$0x0];
	[tilespmem:s15+$0x0 ss:$0x81] =	vst.msk $0xffff, v1  }
0x37: {  	s15 =	sshra.s32 s19, $0x2;
	v1 =	vld [tilespmem:s18+$0xFFFFFFE0]  }
0x38: {  	s15 =	sadd.s32 s15, s16  }
0x39: {  	s18 =	sadd.s32 $0x40, s18;
	[tilespmem:s15+$0x1830 ss:$0x81] =	vst.msk $0xffff, v3  }
.Ltmp4:
0x3a: {  	_ = 	snop;
	(pc) =	sbr.rel .LBB1_4-.Ltmp4, $1  }
0x3b: {  	_ =	sdelay $0x3  }
.LBB1_6:
0x3c: {  	_ =	sfence.sel $0x180000  }
0x3d: {  	s2 =	simm.s32 $0x1;
	[bflag:$0x0] =	sbarrier.arrive $0xFFFF  }
0x3e: {  	s31 =	simm.s32 $0x2;
	[sflag:s2] =	ssyncpa.u1 $0x1  }
0x3f: {  	[sflag:s31] =	ssyncpa.u1 $0x1  }
0x40: {  	p0 =	sne.s32 s0, $0x0;
	_ =	strace $0x9000004A  }
0x41: {  	s0 =	sadd.s32 @!p0 $0x100000, s1;
	[bflag:$0x2] =	sbarrier.arrive $0xFFFF  }
0x42: {  	[sflag:s0] =	ssyncadd.tile.s32 @!p0 $0x1;
	_ =	shalt  }
.Lfunc_end1:
_tile_overlayer_lowered:
.L_overlay_start_2:
0x43: {  	(tag) =	ssettag $0x2  }
0x44: {  	s0 =	rddreg [dreg:$0x0];
	s2 =	stileid.u32  }
0x45: {  	s1 =	rddreg [dreg:$0x1];
	p0 =	sne.s32 s2, $0x0  }
0x46: {  	s3 =	rddreg [dreg:$0x2];
	[bflag:$0x3] =	sbarrier.arrive $0xFFFF;
	s2 =	simm.s32 @!p0 $0x1C01  }
0x47: {  	[timem:s3], [sflag:s2] =	dma.local @!p0 [hbm:s0], s1  }
0x48: {  	s0 =	simm.s32 @!p0 $0x1  }
0x49: {  	_ =	swait.ge @!p0 [sflag:s0], s1  }
0x4a: {  	s1 =	ssub.s32 @!p0 $0x0, s1;
	[sflag:s0] =	ssyncset.done @!p0 $0x0  }
0x4b: {  	[sflag:s0] =	ssyncadd.s32 @!p0 s1  }
0x4c: {  	[bflag:$0x3] =	sbarrier.arrive $0xFFFF  }
0x4d: {  	_ =	shalt  }

</sc_bundles>
